<compile_context>
chip_gen: v7x
topology: tpu7x:2x2x1
jax: 0.10.2.dev20260603
libtpu: 0.0.44.dev20260713+nightly
codegen_flags: <defaults>
</compile_context>

<pallas_src>
import functools
import jax
import jax.numpy as jnp
from jax import lax
from jax.experimental import pallas as pl
from jax.experimental.pallas import tpu as pltpu
from jax.experimental.pallas import tpu_sc as plsc

NC = 2
NS = 16
NW = NC * NS
CHUNK = 120
NBUF = 3
NISLOT = 4
UNROLL = 12


def _matmul_call(x, W, b2):
    n, d = x.shape
    bm = n

    def body(x_ref, w_ref, b_ref, o_ref):
        o_ref[...] = lax.dot_general(
            x_ref[...], w_ref[...], (((1,), (1,)), ((), ())),
            preferred_element_type=jnp.float32) + b_ref[...]

    return pl.pallas_call(
        body,
        grid=(n // bm,),
        in_specs=[
            pl.BlockSpec((bm, d), lambda i: (i, 0)),
            pl.BlockSpec((d, d), lambda i: (0, 0)),
            pl.BlockSpec((1, d), lambda i: (0, 0)),
        ],
        out_specs=pl.BlockSpec((bm, d), lambda i: (i, 0)),
        out_shape=jax.ShapeDtypeStruct((n, d), jnp.float32),
    )(x, W, b2)


def _combine_call(partial, n):
    _, _, d = partial.shape
    bm = n

    def body(p_ref, o_ref):
        o_ref[...] = p_ref[0] + p_ref[1]

    return pl.pallas_call(
        body,
        grid=(n // bm,),
        in_specs=[pl.BlockSpec((2, bm, d), lambda i: (0, i, 0))],
        out_specs=pl.BlockSpec((bm, d), lambda i: (i, 0)),
        out_shape=jax.ShapeDtypeStruct((n, d), jnp.float32),
    )(partial)


def _sc_scatter_call(h_a, eidx, n_rows_sh, nch):
    n, d = h_a.shape
    rpt = n_rows_sh // NS
    nzf = rpt // CHUNK
    nzr = rpt - nzf * CHUNK

    mesh = plsc.VectorSubcoreMesh(core_axis_name="c", subcore_axis_name="s")

    @functools.partial(
        pl.kernel,
        out_type=jax.ShapeDtypeStruct((NC, n_rows_sh, d), jnp.float32),
        mesh=mesh,
        scratch_types=[
            *[pltpu.VMEM((CHUNK, d), jnp.float32) for _ in range(NBUF)],
            *[pltpu.VMEM((2, CHUNK), jnp.int32) for _ in range(NISLOT)],
            pltpu.VMEM_SHARED((n_rows_sh, d), jnp.float32),
            *[pltpu.SemaphoreType.DMA for _ in range(2 * NBUF + NISLOT + 1)],
        ],
    )
    def sc_kernel(ha_hbm, eidx_hbm, out_hbm, r0, r1, r2, i0, i1, i2, i3,
                  hp_sh, g0, g1, g2, s0, s1, s2, q0, q1, q2, q3, zsem):
        rows = (r0, r1, r2)
        idxb = (i0, i1, i2, i3)
        gsem = (g0, g1, g2)
        ssem = (s0, s1, s2)
        isem = (q0, q1, q2, q3)
        cid = lax.axis_index("c")
        sid = lax.axis_index("s")
        wid = cid * NS + sid
        base_r = sid * rpt

        def i_start(c, islot):
            pltpu.async_copy(eidx_hbm.at[wid].at[c], idxb[islot],
                             isem[islot])

        def i_wait(c, islot):
            pltpu.make_async_copy(eidx_hbm.at[wid].at[c], idxb[islot],
                                  isem[islot]).wait()

        def g_start(islot, rslot):
            pltpu.async_copy(
                ha_hbm.at[idxb[islot].at[0]], rows[rslot], gsem[rslot])

        def g_wait(islot, rslot):
            pltpu.make_async_copy(
                ha_hbm.at[idxb[islot].at[0]], rows[rslot],
                gsem[rslot]).wait()

        def s_start(islot, rslot):
            pltpu.async_copy(
                rows[rslot], hp_sh.at[idxb[islot].at[1]], ssem[rslot],
                add=True)

        def s_wait(islot, rslot):
            pltpu.make_async_copy(
                rows[rslot], hp_sh.at[idxb[islot].at[1]],
                ssem[rslot]).wait()

        def zrow(i, carry):
            for rb in rows:
                for j in range(d // 16):
                    rb[i, pl.ds(j * 16, 16)] = jnp.zeros((16,), jnp.float32)
            return carry
        lax.fori_loop(0, CHUNK, zrow, 0)
        zdescs = []
        for k in range(nzf):
            zdescs.append((rows[k % NBUF],
                           hp_sh.at[pl.ds(base_r + k * CHUNK, CHUNK)]))
        if nzr:
            zdescs.append((rows[nzf % NBUF].at[pl.ds(0, nzr)],
                           hp_sh.at[pl.ds(base_r + nzf * CHUNK, nzr)]))
        for src_ref, dst_ref in zdescs:
            pltpu.async_copy(src_ref, dst_ref, zsem)
        i_start(0, 0)
        i_start(1, 1)
        for src_ref, dst_ref in zdescs:
            pltpu.make_async_copy(src_ref, dst_ref, zsem).wait()
        plsc.subcore_barrier()

        i_wait(0, 0)
        g_start(0, 0)

        def outer(t, carry):
            for u in range(UNROLL):
                c = UNROLL * t + u

                @pl.when(c >= 2)
                def _():
                    s_wait((u + 2) % NISLOT, (u + 1) % NBUF)

                @pl.when(c + 2 < nch)
                def _():
                    i_start(c + 2, (u + 2) % NISLOT)

                @pl.when(c + 1 < nch)
                def _():
                    i_wait(c + 1, (u + 1) % NISLOT)
                    g_start((u + 1) % NISLOT, (u + 1) % NBUF)

                g_wait(u % NISLOT, u % NBUF)
                s_start(u % NISLOT, u % NBUF)
            return carry

        lax.fori_loop(0, nch // UNROLL, outer, 0)
        for k in (nch - 2, nch - 1):
            s_wait(k % NISLOT, k % NBUF)
        plsc.subcore_barrier()
        pltpu.sync_copy(hp_sh.at[pl.ds(base_r, rpt)],
                        out_hbm.at[cid].at[pl.ds(base_r, rpt)])

    return sc_kernel(h_a, eidx)


def kernel(x, edge_index, W, b):
    n, d = x.shape
    e = edge_index.shape[1]

    h_a = _matmul_call(x, W, b.reshape(1, d))

    rpt = -(-n // NS)
    if NS * rpt <= n:
        rpt += 1
    rpt = -(-rpt // 8) * 8
    n_rows_sh = NS * rpt

    ncb = NW * CHUNK
    nch = -(-e // ncb)
    nch = (nch + UNROLL - 1) // UNROLL * UNROLL
    e_pad = nch * ncb

    src = edge_index[0]
    dst = edge_index[1]
    if e_pad > e:
        pad = e_pad - e
        src = jnp.concatenate([src, jnp.zeros((pad,), src.dtype)])
        dst = jnp.concatenate(
            [dst, jnp.full((pad,), n_rows_sh - 1, dst.dtype)])
    eidx = jnp.stack(
        [src.reshape(NW, nch, CHUNK), dst.reshape(NW, nch, CHUNK)], axis=2)

    partial = _sc_scatter_call(h_a, eidx, n_rows_sh, nch)
    h_p = _combine_call(partial, n)
    return (h_a, h_p)

# --- scband reference (transcript-rebuilt; emitter-appended) ---
"""Pipeline reference for scband-sugrl-fast-59141699666065 (READ-ONLY COPY).

The authoritative reference and input builder live on the scoring server;
editing this copy changes nothing except your own understanding.
"""

import jax, jax.numpy as jnp
import numpy as np

N = 10000
E = 320000
D = 128


def setup_inputs(seed: int = 0) -> dict:
    key = jax.random.key(seed)
    k1, k2, k3 = jax.random.split(key, 3)
    x = jax.random.normal(k1, (N, D), dtype=jnp.float32)
    # edge_index[0] = src nodes, edge_index[1] = dst nodes; adj in the torch
    # module is the sparse COO matrix built from these edges (values=1.0)
    edge_index = jax.random.randint(k2, (2, E), 0, N, dtype=jnp.int32)
    # Single linear layer (cfg=[128]): xavier_uniform weight, zero bias
    a = float(np.sqrt(6.0 / (D + D)))
    W = jax.random.uniform(k3, (D, D), minval=-a, maxval=a, dtype=jnp.float32)
    b = jnp.zeros((D,), dtype=jnp.float32)
    return {"x": x, "edge_index": edge_index, "W": W, "b": b}


def reference(x, edge_index, W, b):
    # Eval-mode forward: F.dropout is identity when training=False.
    # MLP with cfg=[128] is a single Linear (no ReLU on last layer).
    h_a = x @ W.T + b
    h_p_0 = h_a  # dropout identity in eval
    # torch.spmm(adj, h_p_0) with adj = COO(dst<-src, 1.0):
    # h_p[i] = sum over edges (i=row=dst) of h_p_0[src]
    src = edge_index[0]
    dst = edge_index[1]
    h_p = jnp.zeros_like(h_p_0).at[dst].add(h_p_0[src])
    return (h_a, h_p)

if __name__ == "__main__":
    import jax
    _d = setup_inputs()
    print(jax.jit(kernel)(*tuple(_d.values())))

</pallas_src>

<mosaic_0001>
#map = affine_map<(d0, d1) -> (0, 0)>
#map1 = affine_map<(d0, d1) -> (0, 0, 0, 0)>
#map2 = affine_map<(d0, d1) -> (0, 0, 0)>
module attributes {stable_mosaic.version = 14 : i64} {
  func.func @sc_kernel(%arg0: i32, %arg1: i32, %arg2: memref<10000x128xf32, #tpu.memory_space<hbm>>, %arg3: memref<32x84x2x120xi32, #tpu.memory_space<hbm>>, %arg4: memref<2x10112x128xf32, #tpu.memory_space<hbm>>, %arg5: memref<120x128xf32, #tpu.memory_space<vmem>>, %arg6: memref<120x128xf32, #tpu.memory_space<vmem>>, %arg7: memref<120x128xf32, #tpu.memory_space<vmem>>, %arg8: memref<2x120xi32, #tpu.memory_space<vmem>>, %arg9: memref<2x120xi32, #tpu.memory_space<vmem>>, %arg10: memref<2x120xi32, #tpu.memory_space<vmem>>, %arg11: memref<2x120xi32, #tpu.memory_space<vmem>>, %arg12: memref<10112x128xf32, #tpu.memory_space<vmem_shared>>, %arg13: memref<!tpu.dma_semaphore, #tpu.memory_space<semaphore_mem>>, %arg14: memref<!tpu.dma_semaphore, #tpu.memory_space<semaphore_mem>>, %arg15: memref<!tpu.dma_semaphore, #tpu.memory_space<semaphore_mem>>, %arg16: memref<!tpu.dma_semaphore, #tpu.memory_space<semaphore_mem>>, %arg17: memref<!tpu.dma_semaphore, #tpu.memory_space<semaphore_mem>>, %arg18: memref<!tpu.dma_semaphore, #tpu.memory_space<semaphore_mem>>, %arg19: memref<!tpu.dma_semaphore, #tpu.memory_space<semaphore_mem>>, %arg20: memref<!tpu.dma_semaphore, #tpu.memory_space<semaphore_mem>>, %arg21: memref<!tpu.dma_semaphore, #tpu.memory_space<semaphore_mem>>, %arg22: memref<!tpu.dma_semaphore, #tpu.memory_space<semaphore_mem>>, %arg23: memref<!tpu.dma_semaphore, #tpu.memory_space<semaphore_mem>>) attributes {dimension_semantics = [#tpu.dimension_semantics<core_parallel>, #tpu.dimension_semantics<subcore_parallel>], iteration_bounds = array<i64: 2, 16>, scalar_prefetch = 0 : i64, scratch_operands = 19 : i64, tpu.core_type = #tpu.core_type<sc_vector_subcore>, window_params = [{transform_indices = #map}, {transform_indices = #map1}, {transform_indices = #map2}]} {
    %mul3A = arith.constant 16 : i32
    %mul3A_0 = arith.muli %arg0, %mul3A : i32
    %add3A = arith.addi %mul3A_0, %arg1 : i32
    %mul3A_1 = arith.constant 632 : i32
    %mul3A_2 = arith.muli %arg1, %mul3A_1 : i32
    %scan3A = arith.constant 0 : i32
    %scan3A_3 = arith.constant 0 : i32
    %scan3A_4 = arith.constant 120 : i32
    %scan3A_5 = arith.addi %scan3A_3, %scan3A_4 : i32
    %scan3A_6 = arith.constant 1 : i32
    scf.for %scan3A_163 = %scan3A_3 to %scan3A_5 step %scan3A_6  : i32 {
      %broadcast_in_dim3A = arith.constant 0.000000e+00 : f32
      %broadcast_in_dim3A_164 = vector.broadcast %broadcast_in_dim3A : f32 to vector<16xf32>
      %swap3A = arith.index_cast %scan3A_163 : i32 to index
      %swap3A_165 = arith.constant 0 : index
      %swap3A_166 = tpu.vector_load %arg5[%swap3A, %swap3A_165] {strides = array<i32>} : memref<120x128xf32, #tpu.memory_space<vmem>>, vector<1x16xf32>,
      %swap3A_167 = vector.shape_cast %swap3A_166 : vector<1x16xf32> to vector<16xf32>
      %swap3A_168 = vector.shape_cast %broadcast_in_dim3A_164 : vector<16xf32> to vector<1x16xf32>
      tpu.vector_store %arg5[%swap3A, %swap3A_165], %swap3A_168 {strides = array<i32>} : memref<120x128xf32, #tpu.memory_space<vmem>>, vector<1x16xf32>,
      %broadcast_in_dim3A_169 = arith.constant 0.000000e+00 : f32
      %broadcast_in_dim3A_170 = vector.broadcast %broadcast_in_dim3A_169 : f32 to vector<16xf32>
      %swap3A_171 = arith.index_cast %scan3A_163 : i32 to index
      %swap3A_172 = arith.constant 16 : index
      %swap3A_173 = tpu.vector_load %arg5[%swap3A_171, %swap3A_172] {strides = array<i32>} : memref<120x128xf32, #tpu.memory_space<vmem>>, vector<1x16xf32>,
      %swap3A_174 = vector.shape_cast %swap3A_173 : vector<1x16xf32> to vector<16xf32>
      %swap3A_175 = vector.shape_cast %broadcast_in_dim3A_170 : vector<16xf32> to vector<1x16xf32>
      tpu.vector_store %arg5[%swap3A_171, %swap3A_172], %swap3A_175 {strides = array<i32>} : memref<120x128xf32, #tpu.memory_space<vmem>>, vector<1x16xf32>,
      %broadcast_in_dim3A_176 = arith.constant 0.000000e+00 : f32
      %broadcast_in_dim3A_177 = vector.broadcast %broadcast_in_dim3A_176 : f32 to vector<16xf32>
      %swap3A_178 = arith.index_cast %scan3A_163 : i32 to index
      %swap3A_179 = arith.constant 32 : index
      %swap3A_180 = tpu.vector_load %arg5[%swap3A_178, %swap3A_179] {strides = array<i32>} : memref<120x128xf32, #tpu.memory_space<vmem>>, vector<1x16xf32>,
      %swap3A_181 = vector.shape_cast %swap3A_180 : vector<1x16xf32> to vector<16xf32>
      %swap3A_182 = vector.shape_cast %broadcast_in_dim3A_177 : vector<16xf32> to vector<1x16xf32>
      tpu.vector_store %arg5[%swap3A_178, %swap3A_179], %swap3A_182 {strides = array<i32>} : memref<120x128xf32, #tpu.memory_space<vmem>>, vector<1x16xf32>,
      %broadcast_in_dim3A_183 = arith.constant 0.000000e+00 : f32
      %broadcast_in_dim3A_184 = vector.broadcast %broadcast_in_dim3A_183 : f32 to vector<16xf32>
      %swap3A_185 = arith.index_cast %scan3A_163 : i32 to index
      %swap3A_186 = arith.constant 48 : index
      %swap3A_187 = tpu.vector_load %arg5[%swap3A_185, %swap3A_186] {strides = array<i32>} : memref<120x128xf32, #tpu.memory_space<vmem>>, vector<1x16xf32>,
      %swap3A_188 = vector.shape_cast %swap3A_187 : vector<1x16xf32> to vector<16xf32>
      %swap3A_189 = vector.shape_cast %broadcast_in_dim3A_184 : vector<16xf32> to vector<1x16xf32>
      tpu.vector_store %arg5[%swap3A_185, %swap3A_186], %swap3A_189 {strides = array<i32>} : memref<120x128xf32, #tpu.memory_space<vmem>>, vector<1x16xf32>,
      %broadcast_in_dim3A_190 = arith.constant 0.000000e+00 : f32
      %broadcast_in_dim3A_191 = vector.broadcast %broadcast_in_dim3A_190 : f32 to vector<16xf32>
      %swap3A_192 = arith.index_cast %scan3A_163 : i32 to index
      %swap3A_193 = arith.constant 64 : index
      %swap3A_194 = tpu.vector_load %arg5[%swap3A_192, %swap3A_193] {strides = array<i32>} : memref<120x128xf32, #tpu.memory_space<vmem>>, vector<1x16xf32>,
      %swap3A_195 = vector.shape_cast %swap3A_194 : vector<1x16xf32> to vector<16xf32>
      %swap3A_196 = vector.shape_cast %broadcast_in_dim3A_191 : vector<16xf32> to vector<1x16xf32>
      tpu.vector_store %arg5[%swap3A_192, %swap3A_193], %swap3A_196 {strides = array<i32>} : memref<120x128xf32, #tpu.memory_space<vmem>>, vector<1x16xf32>,
      %broadcast_in_dim3A_197 = arith.constant 0.000000e+00 : f32
      %broadcast_in_dim3A_198 = vector.broadcast %broadcast_in_dim3A_197 : f32 to vector<16xf32>
      %swap3A_199 = arith.index_cast %scan3A_163 : i32 to index
      %swap3A_200 = arith.constant 80 : index
      %swap3A_201 = tpu.vector_load %arg5[%swap3A_199, %swap3A_200] {strides = array<i32>} : memref<120x128xf32, #tpu.memory_space<vmem>>, vector<1x16xf32>,
      %swap3A_202 = vector.shape_cast %swap3A_201 : vector<1x16xf32> to vector<16xf32>
      %swap3A_203 = vector.shape_cast %broadcast_in_dim3A_198 : vector<16xf32> to vector<1x16xf32>
      tpu.vector_store %arg5[%swap3A_199, %swap3A_200], %swap3A_203 {strides = array<i32>} : memref<120x128xf32, #tpu.memory_space<vmem>>, vector<1x16xf32>,
      %broadcast_in_dim3A_204 = arith.constant 0.000000e+00 : f32
      %broadcast_in_dim3A_205 = vector.broadcast %broadcast_in_dim3A_204 : f32 to vector<16xf32>
      %swap3A_206 = arith.index_cast %scan3A_163 : i32 to index
      %swap3A_207 = arith.constant 96 : index
      %swap3A_208 = tpu.vector_load %arg5[%swap3A_206, %swap3A_207] {strides = array<i32>} : memref<120x128xf32, #tpu.memory_space<vmem>>, vector<1x16xf32>,
      %swap3A_209 = vector.shape_cast %swap3A_208 : vector<1x16xf32> to vector<16xf32>
      %swap3A_210 = vector.shape_cast %broadcast_in_dim3A_205 : vector<16xf32> to vector<1x16xf32>
      tpu.vector_store %arg5[%swap3A_206, %swap3A_207], %swap3A_210 {strides = array<i32>} : memref<120x128xf32, #tpu.memory_space<vmem>>, vector<1x16xf32>,
      %broadcast_in_dim3A_211 = arith.constant 0.000000e+00 : f32
      %broadcast_in_dim3A_212 = vector.broadcast %broadcast_in_dim3A_211 : f32 to vector<16xf32>
      %swap3A_213 = arith.index_cast %scan3A_163 : i32 to index
      %swap3A_214 = arith.constant 112 : index
      %swap3A_215 = tpu.vector_load %arg5[%swap3A_213, %swap3A_214] {strides = array<i32>} : memref<120x128xf32, #tpu.memory_space<vmem>>, vector<1x16xf32>,
      %swap3A_216 = vector.shape_cast %swap3A_215 : vector<1x16xf32> to vector<16xf32>
      %swap3A_217 = vector.shape_cast %broadcast_in_dim3A_212 : vector<16xf32> to vector<1x16xf32>
      tpu.vector_store %arg5[%swap3A_213, %swap3A_214], %swap3A_217 {strides = array<i32>} : memref<120x128xf32, #tpu.memory_space<vmem>>, vector<1x16xf32>,
      %broadcast_in_dim3A_218 = arith.constant 0.000000e+00 : f32
      %broadcast_in_dim3A_219 = vector.broadcast %broadcast_in_dim3A_218 : f32 to vector<16xf32>
      %swap3A_220 = arith.index_cast %scan3A_163 : i32 to index
      %swap3A_221 = arith.constant 0 : index
      %swap3A_222 = tpu.vector_load %arg6[%swap3A_220, %swap3A_221] {strides = array<i32>} : memref<120x128xf32, #tpu.memory_space<vmem>>, vector<1x16xf32>,
      %swap3A_223 = vector.shape_cast %swap3A_222 : vector<1x16xf32> to vector<16xf32>
      %swap3A_224 = vector.shape_cast %broadcast_in_dim3A_219 : vector<16xf32> to vector<1x16xf32>
      tpu.vector_store %arg6[%swap3A_220, %swap3A_221], %swap3A_224 {strides = array<i32>} : memref<120x128xf32, #tpu.memory_space<vmem>>, vector<1x16xf32>,
      %broadcast_in_dim3A_225 = arith.constant 0.000000e+00 : f32
      %broadcast_in_dim3A_226 = vector.broadcast %broadcast_in_dim3A_225 : f32 to vector<16xf32>
      %swap3A_227 = arith.index_cast %scan3A_163 : i32 to index
      %swap3A_228 = arith.constant 16 : index
      %swap3A_229 = tpu.vector_load %arg6[%swap3A_227, %swap3A_228] {strides = array<i32>} : memref<120x128xf32, #tpu.memory_space<vmem>>, vector<1x16xf32>,
      %swap3A_230 = vector.shape_cast %swap3A_229 : vector<1x16xf32> to vector<16xf32>
      %swap3A_231 = vector.shape_cast %broadcast_in_dim3A_226 : vector<16xf32> to vector<1x16xf32>
      tpu.vector_store %arg6[%swap3A_227, %swap3A_228], %swap3A_231 {strides = array<i32>} : memref<120x128xf32, #tpu.memory_space<vmem>>, vector<1x16xf32>,
      %broadcast_in_dim3A_232 = arith.constant 0.000000e+00 : f32
      %broadcast_in_dim3A_233 = vector.broadcast %broadcast_in_dim3A_232 : f32 to vector<16xf32>
      %swap3A_234 = arith.index_cast %scan3A_163 : i32 to index
      %swap3A_235 = arith.constant 32 : index
      %swap3A_236 = tpu.vector_load %arg6[%swap3A_234, %swap3A_235] {strides = array<i32>} : memref<120x128xf32, #tpu.memory_space<vmem>>, vector<1x16xf32>,
      %swap3A_237 = vector.shape_cast %swap3A_236 : vector<1x16xf32> to vector<16xf32>
      %swap3A_238 = vector.shape_cast %broadcast_in_dim3A_233 : vector<16xf32> to vector<1x16xf32>
      tpu.vector_store %arg6[%swap3A_234, %swap3A_235], %swap3A_238 {strides = array<i32>} : memref<120x128xf32, #tpu.memory_space<vmem>>, vector<1x16xf32>,
      %broadcast_in_dim3A_239 = arith.constant 0.000000e+00 : f32
      %broadcast_in_dim3A_240 = vector.broadcast %broadcast_in_dim3A_239 : f32 to vector<16xf32>
      %swap3A_241 = arith.index_cast %scan3A_163 : i32 to index
      %swap3A_242 = arith.constant 48 : index
      %swap3A_243 = tpu.vector_load %arg6[%swap3A_241, %swap3A_242] {strides = array<i32>} : memref<120x128xf32, #tpu.memory_space<vmem>>, vector<1x16xf32>,
      %swap3A_244 = vector.shape_cast %swap3A_243 : vector<1x16xf32> to vector<16xf32>
      %swap3A_245 = vector.shape_cast %broadcast_in_dim3A_240 : vector<16xf32> to vector<1x16xf32>
      tpu.vector_store %arg6[%swap3A_241, %swap3A_242], %swap3A_245 {strides = array<i32>} : memref<120x128xf32, #tpu.memory_space<vmem>>, vector<1x16xf32>,
      %broadcast_in_dim3A_246 = arith.constant 0.000000e+00 : f32
      %broadcast_in_dim3A_247 = vector.broadcast %broadcast_in_dim3A_246 : f32 to vector<16xf32>
      %swap3A_248 = arith.index_cast %scan3A_163 : i32 to index
      %swap3A_249 = arith.constant 64 : index
      %swap3A_250 = tpu.vector_load %arg6[%swap3A_248, %swap3A_249] {strides = array<i32>} : memref<120x128xf32, #tpu.memory_space<vmem>>, vector<1x16xf32>,
      %swap3A_251 = vector.shape_cast %swap3A_250 : vector<1x16xf32> to vector<16xf32>
      %swap3A_252 = vector.shape_cast %broadcast_in_dim3A_247 : vector<16xf32> to vector<1x16xf32>
      tpu.vector_store %arg6[%swap3A_248, %swap3A_249], %swap3A_252 {strides = array<i32>} : memref<120x128xf32, #tpu.memory_space<vmem>>, vector<1x16xf32>,
      %broadcast_in_dim3A_253 = arith.constant 0.000000e+00 : f32
      %broadcast_in_dim3A_254 = vector.broadcast %broadcast_in_dim3A_253 : f32 to vector<16xf32>
      %swap3A_255 = arith.index_cast %scan3A_163 : i32 to index
      %swap3A_256 = arith.constant 80 : index
      %swap3A_257 = tpu.vector_load %arg6[%swap3A_255, %swap3A_256] {strides = array<i32>} : memref<120x128xf32, #tpu.memory_space<vmem>>, vector<1x16xf32>,
      %swap3A_258 = vector.shape_cast %swap3A_257 : vector<1x16xf32> to vector<16xf32>
      %swap3A_259 = vector.shape_cast %broadcast_in_dim3A_254 : vector<16xf32> to vector<1x16xf32>
      tpu.vector_store %arg6[%swap3A_255, %swap3A_256], %swap3A_259 {strides = array<i32>} : memref<120x128xf32, #tpu.memory_space<vmem>>, vector<1x16xf32>,
      %broadcast_in_dim3A_260 = arith.constant 0.000000e+00 : f32
      %broadcast_in_dim3A_261 = vector.broadcast %broadcast_in_dim3A_260 : f32 to vector<16xf32>
      %swap3A_262 = arith.index_cast %scan3A_163 : i32 to index
      %swap3A_263 = arith.constant 96 : index
      %swap3A_264 = tpu.vector_load %arg6[%swap3A_262, %swap3A_263] {strides = array<i32>} : memref<120x128xf32, #tpu.memory_space<vmem>>, vector<1x16xf32>,
      %swap3A_265 = vector.shape_cast %swap3A_264 : vector<1x16xf32> to vector<16xf32>
      %swap3A_266 = vector.shape_cast %broadcast_in_dim3A_261 : vector<16xf32> to vector<1x16xf32>
      tpu.vector_store %arg6[%swap3A_262, %swap3A_263], %swap3A_266 {strides = array<i32>} : memref<120x128xf32, #tpu.memory_space<vmem>>, vector<1x16xf32>,
      %broadcast_in_dim3A_267 = arith.constant 0.000000e+00 : f32
      %broadcast_in_dim3A_268 = vector.broadcast %broadcast_in_dim3A_267 : f32 to vector<16xf32>
      %swap3A_269 = arith.index_cast %scan3A_163 : i32 to index
      %swap3A_270 = arith.constant 112 : index
      %swap3A_271 = tpu.vector_load %arg6[%swap3A_269, %swap3A_270] {strides = array<i32>} : memref<120x128xf32, #tpu.memory_space<vmem>>, vector<1x16xf32>,
      %swap3A_272 = vector.shape_cast %swap3A_271 : vector<1x16xf32> to vector<16xf32>
      %swap3A_273 = vector.shape_cast %broadcast_in_dim3A_268 : vector<16xf32> to vector<1x16xf32>
      tpu.vector_store %arg6[%swap3A_269, %swap3A_270], %swap3A_273 {strides = array<i32>} : memref<120x128xf32, #tpu.memory_space<vmem>>, vector<1x16xf32>,
      %broadcast_in_dim3A_274 = arith.constant 0.000000e+00 : f32
      %broadcast_in_dim3A_275 = vector.broadcast %broadcast_in_dim3A_274 : f32 to vector<16xf32>
      %swap3A_276 = arith.index_cast %scan3A_163 : i32 to index
      %swap3A_277 = arith.constant 0 : index
      %swap3A_278 = tpu.vector_load %arg7[%swap3A_276, %swap3A_277] {strides = array<i32>} : memref<120x128xf32, #tpu.memory_space<vmem>>, vector<1x16xf32>,
      %swap3A_279 = vector.shape_cast %swap3A_278 : vector<1x16xf32> to vector<16xf32>
      %swap3A_280 = vector.shape_cast %broadcast_in_dim3A_275 : vector<16xf32> to vector<1x16xf32>
      tpu.vector_store %arg7[%swap3A_276, %swap3A_277], %swap3A_280 {strides = array<i32>} : memref<120x128xf32, #tpu.memory_space<vmem>>, vector<1x16xf32>,
      %broadcast_in_dim3A_281 = arith.constant 0.000000e+00 : f32
      %broadcast_in_dim3A_282 = vector.broadcast %broadcast_in_dim3A_281 : f32 to vector<16xf32>
      %swap3A_283 = arith.index_cast %scan3A_163 : i32 to index
      %swap3A_284 = arith.constant 16 : index
      %swap3A_285 = tpu.vector_load %arg7[%swap3A_283, %swap3A_284] {strides = array<i32>} : memref<120x128xf32, #tpu.memory_space<vmem>>, vector<1x16xf32>,
      %swap3A_286 = vector.shape_cast %swap3A_285 : vector<1x16xf32> to vector<16xf32>
      %swap3A_287 = vector.shape_cast %broadcast_in_dim3A_282 : vector<16xf32> to vector<1x16xf32>
      tpu.vector_store %arg7[%swap3A_283, %swap3A_284], %swap3A_287 {strides = array<i32>} : memref<120x128xf32, #tpu.memory_space<vmem>>, vector<1x16xf32>,
      %broadcast_in_dim3A_288 = arith.constant 0.000000e+00 : f32
      %broadcast_in_dim3A_289 = vector.broadcast %broadcast_in_dim3A_288 : f32 to vector<16xf32>
      %swap3A_290 = arith.index_cast %scan3A_163 : i32 to index
      %swap3A_291 = arith.constant 32 : index
      %swap3A_292 = tpu.vector_load %arg7[%swap3A_290, %swap3A_291] {strides = array<i32>} : memref<120x128xf32, #tpu.memory_space<vmem>>, vector<1x16xf32>,
      %swap3A_293 = vector.shape_cast %swap3A_292 : vector<1x16xf32> to vector<16xf32>
      %swap3A_294 = vector.shape_cast %broadcast_in_dim3A_289 : vector<16xf32> to vector<1x16xf32>
      tpu.vector_store %arg7[%swap3A_290, %swap3A_291], %swap3A_294 {strides = array<i32>} : memref<120x128xf32, #tpu.memory_space<vmem>>, vector<1x16xf32>,
      %broadcast_in_dim3A_295 = arith.constant 0.000000e+00 : f32
      %broadcast_in_dim3A_296 = vector.broadcast %broadcast_in_dim3A_295 : f32 to vector<16xf32>
      %swap3A_297 = arith.index_cast %scan3A_163 : i32 to index
      %swap3A_298 = arith.constant 48 : index
      %swap3A_299 = tpu.vector_load %arg7[%swap3A_297, %swap3A_298] {strides = array<i32>} : memref<120x128xf32, #tpu.memory_space<vmem>>, vector<1x16xf32>,
      %swap3A_300 = vector.shape_cast %swap3A_299 : vector<1x16xf32> to vector<16xf32>
      %swap3A_301 = vector.shape_cast %broadcast_in_dim3A_296 : vector<16xf32> to vector<1x16xf32>
      tpu.vector_store %arg7[%swap3A_297, %swap3A_298], %swap3A_301 {strides = array<i32>} : memref<120x128xf32, #tpu.memory_space<vmem>>, vector<1x16xf32>,
      %broadcast_in_dim3A_302 = arith.constant 0.000000e+00 : f32
      %broadcast_in_dim3A_303 = vector.broadcast %broadcast_in_dim3A_302 : f32 to vector<16xf32>
      %swap3A_304 = arith.index_cast %scan3A_163 : i32 to index
      %swap3A_305 = arith.constant 64 : index
      %swap3A_306 = tpu.vector_load %arg7[%swap3A_304, %swap3A_305] {strides = array<i32>} : memref<120x128xf32, #tpu.memory_space<vmem>>, vector<1x16xf32>,
      %swap3A_307 = vector.shape_cast %swap3A_306 : vector<1x16xf32> to vector<16xf32>
      %swap3A_308 = vector.shape_cast %broadcast_in_dim3A_303 : vector<16xf32> to vector<1x16xf32>
      tpu.vector_store %arg7[%swap3A_304, %swap3A_305], %swap3A_308 {strides = array<i32>} : memref<120x128xf32, #tpu.memory_space<vmem>>, vector<1x16xf32>,
      %broadcast_in_dim3A_309 = arith.constant 0.000000e+00 : f32
      %broadcast_in_dim3A_310 = vector.broadcast %broadcast_in_dim3A_309 : f32 to vector<16xf32>
      %swap3A_311 = arith.index_cast %scan3A_163 : i32 to index
      %swap3A_312 = arith.constant 80 : index
      %swap3A_313 = tpu.vector_load %arg7[%swap3A_311, %swap3A_312] {strides = array<i32>} : memref<120x128xf32, #tpu.memory_space<vmem>>, vector<1x16xf32>,
      %swap3A_314 = vector.shape_cast %swap3A_313 : vector<1x16xf32> to vector<16xf32>
      %swap3A_315 = vector.shape_cast %broadcast_in_dim3A_310 : vector<16xf32> to vector<1x16xf32>
      tpu.vector_store %arg7[%swap3A_311, %swap3A_312], %swap3A_315 {strides = array<i32>} : memref<120x128xf32, #tpu.memory_space<vmem>>, vector<1x16xf32>,
      %broadcast_in_dim3A_316 = arith.constant 0.000000e+00 : f32
      %broadcast_in_dim3A_317 = vector.broadcast %broadcast_in_dim3A_316 : f32 to vector<16xf32>
      %swap3A_318 = arith.index_cast %scan3A_163 : i32 to index
      %swap3A_319 = arith.constant 96 : index
      %swap3A_320 = tpu.vector_load %arg7[%swap3A_318, %swap3A_319] {strides = array<i32>} : memref<120x128xf32, #tpu.memory_space<vmem>>, vector<1x16xf32>,
      %swap3A_321 = vector.shape_cast %swap3A_320 : vector<1x16xf32> to vector<16xf32>
      %swap3A_322 = vector.shape_cast %broadcast_in_dim3A_317 : vector<16xf32> to vector<1x16xf32>
      tpu.vector_store %arg7[%swap3A_318, %swap3A_319], %swap3A_322 {strides = array<i32>} : memref<120x128xf32, #tpu.memory_space<vmem>>, vector<1x16xf32>,
      %broadcast_in_dim3A_323 = arith.constant 0.000000e+00 : f32
      %broadcast_in_dim3A_324 = vector.broadcast %broadcast_in_dim3A_323 : f32 to vector<16xf32>
      %swap3A_325 = arith.index_cast %scan3A_163 : i32 to index
      %swap3A_326 = arith.constant 112 : index
      %swap3A_327 = tpu.vector_load %arg7[%swap3A_325, %swap3A_326] {strides = array<i32>} : memref<120x128xf32, #tpu.memory_space<vmem>>, vector<1x16xf32>,
      %swap3A_328 = vector.shape_cast %swap3A_327 : vector<1x16xf32> to vector<16xf32>
      %swap3A_329 = vector.shape_cast %broadcast_in_dim3A_324 : vector<16xf32> to vector<1x16xf32>
      tpu.vector_store %arg7[%swap3A_325, %swap3A_326], %swap3A_329 {strides = array<i32>} : memref<120x128xf32, #tpu.memory_space<vmem>>, vector<1x16xf32>,
    }
    %scan3A_7 = arith.constant 120 : i32
    %add3A_8 = arith.constant 0 : i32
    %add3A_9 = arith.addi %mul3A_2, %add3A_8 : i32
    %add3A_10 = arith.constant 120 : i32
    %add3A_11 = arith.addi %mul3A_2, %add3A_10 : i32
    %add3A_12 = arith.constant 240 : i32
    %add3A_13 = arith.addi %mul3A_2, %add3A_12 : i32
    %add3A_14 = arith.constant 360 : i32
    %add3A_15 = arith.addi %mul3A_2, %add3A_14 : i32
    %add3A_16 = arith.constant 480 : i32
    %add3A_17 = arith.addi %mul3A_2, %add3A_16 : i32
    %add3A_18 = arith.constant 600 : i32
    %add3A_19 = arith.addi %mul3A_2, %add3A_18 : i32
    %dma_start3A = arith.constant 0 : i32
    %dma_start3A_20 = tpu.memref_slice %arg12[%add3A_9, %dma_start3A] : memref<10112x128xf32, #tpu.memory_space<vmem_shared>> -> memref<120x128xf32, #tpu.memory_space<vmem_shared>>
    %dma_start3A_21 = arith.constant 0 : i32
    %dma_start3A_22 = tpu.memref_slice %arg12[%add3A_9, %dma_start3A_21] : memref<10112x128xf32, #tpu.memory_space<vmem_shared>> -> memref<120x128xf32, #tpu.memory_space<vmem_shared>>
    tpu.enqueue_dma source(%arg5 : memref<120x128xf32, #tpu.memory_space<vmem>>) target(%dma_start3A_22 : memref<120x128xf32, #tpu.memory_space<vmem_shared>>) target_semaphore(%arg23 : memref<!tpu.dma_semaphore, #tpu.memory_space<semaphore_mem>>)
    %dma_start3A_23 = arith.constant 0 : i32
    %dma_start3A_24 = tpu.memref_slice %arg12[%add3A_11, %dma_start3A_23] : memref<10112x128xf32, #tpu.memory_space<vmem_shared>> -> memref<120x128xf32, #tpu.memory_space<vmem_shared>>
    %dma_start3A_25 = arith.constant 0 : i32
    %dma_start3A_26 = tpu.memref_slice %arg12[%add3A_11, %dma_start3A_25] : memref<10112x128xf32, #tpu.memory_space<vmem_shared>> -> memref<120x128xf32, #tpu.memory_space<vmem_shared>>
    tpu.enqueue_dma source(%arg6 : memref<120x128xf32, #tpu.memory_space<vmem>>) target(%dma_start3A_26 : memref<120x128xf32, #tpu.memory_space<vmem_shared>>) target_semaphore(%arg23 : memref<!tpu.dma_semaphore, #tpu.memory_space<semaphore_mem>>)
    %dma_start3A_27 = arith.constant 0 : i32
    %dma_start3A_28 = tpu.memref_slice %arg12[%add3A_13, %dma_start3A_27] : memref<10112x128xf32, #tpu.memory_space<vmem_shared>> -> memref<120x128xf32, #tpu.memory_space<vmem_shared>>
    %dma_start3A_29 = arith.constant 0 : i32
    %dma_start3A_30 = tpu.memref_slice %arg12[%add3A_13, %dma_start3A_29] : memref<10112x128xf32, #tpu.memory_space<vmem_shared>> -> memref<120x128xf32, #tpu.memory_space<vmem_shared>>
    tpu.enqueue_dma source(%arg7 : memref<120x128xf32, #tpu.memory_space<vmem>>) target(%dma_start3A_30 : memref<120x128xf32, #tpu.memory_space<vmem_shared>>) target_semaphore(%arg23 : memref<!tpu.dma_semaphore, #tpu.memory_space<semaphore_mem>>)
    %dma_start3A_31 = arith.constant 0 : i32
    %dma_start3A_32 = tpu.memref_slice %arg12[%add3A_15, %dma_start3A_31] : memref<10112x128xf32, #tpu.memory_space<vmem_shared>> -> memref<120x128xf32, #tpu.memory_space<vmem_shared>>
    %dma_start3A_33 = arith.constant 0 : i32
    %dma_start3A_34 = tpu.memref_slice %arg12[%add3A_15, %dma_start3A_33] : memref<10112x128xf32, #tpu.memory_space<vmem_shared>> -> memref<120x128xf32, #tpu.memory_space<vmem_shared>>
    tpu.enqueue_dma source(%arg5 : memref<120x128xf32, #tpu.memory_space<vmem>>) target(%dma_start3A_34 : memref<120x128xf32, #tpu.memory_space<vmem_shared>>) target_semaphore(%arg23 : memref<!tpu.dma_semaphore, #tpu.memory_space<semaphore_mem>>)
    %dma_start3A_35 = arith.constant 0 : i32
    %dma_start3A_36 = tpu.memref_slice %arg12[%add3A_17, %dma_start3A_35] : memref<10112x128xf32, #tpu.memory_space<vmem_shared>> -> memref<120x128xf32, #tpu.memory_space<vmem_shared>>
    %dma_start3A_37 = arith.constant 0 : i32
    %dma_start3A_38 = tpu.memref_slice %arg12[%add3A_17, %dma_start3A_37] : memref<10112x128xf32, #tpu.memory_space<vmem_shared>> -> memref<120x128xf32, #tpu.memory_space<vmem_shared>>
    tpu.enqueue_dma source(%arg6 : memref<120x128xf32, #tpu.memory_space<vmem>>) target(%dma_start3A_38 : memref<120x128xf32, #tpu.memory_space<vmem_shared>>) target_semaphore(%arg23 : memref<!tpu.dma_semaphore, #tpu.memory_space<semaphore_mem>>)
    %dma_start3A_39 = arith.constant 0 : i32
    %dma_start3A_40 = arith.constant 0 : i32
    %dma_start3A_41 = tpu.memref_slice %arg7[%dma_start3A_39, %dma_start3A_40] : memref<120x128xf32, #tpu.memory_space<vmem>> -> memref<32x128xf32, #tpu.memory_space<vmem>>
    %dma_start3A_42 = arith.constant 0 : i32
    %dma_start3A_43 = tpu.memref_slice %arg12[%add3A_19, %dma_start3A_42] : memref<10112x128xf32, #tpu.memory_space<vmem_shared>> -> memref<32x128xf32, #tpu.memory_space<vmem_shared>>
    %dma_start3A_44 = arith.constant 0 : i32
    %dma_start3A_45 = tpu.memref_slice %arg12[%add3A_19, %dma_start3A_44] : memref<10112x128xf32, #tpu.memory_space<vmem_shared>> -> memref<32x128xf32, #tpu.memory_space<vmem_shared>>
    %dma_start3A_46 = arith.constant 0 : i32
    %dma_start3A_47 = arith.constant 0 : i32
    %dma_start3A_48 = tpu.memref_slice %arg7[%dma_start3A_46, %dma_start3A_47] : memref<120x128xf32, #tpu.memory_space<vmem>> -> memref<32x128xf32, #tpu.memory_space<vmem>>
    tpu.enqueue_dma source(%dma_start3A_48 : memref<32x128xf32, #tpu.memory_space<vmem>>) target(%dma_start3A_45 : memref<32x128xf32, #tpu.memory_space<vmem_shared>>) target_semaphore(%arg23 : memref<!tpu.dma_semaphore, #tpu.memory_space<semaphore_mem>>)
    %dma_start3A_49 = arith.constant 0 : i32
    %dma_start3A_50 = arith.constant 0 : i32
    %dma_start3A_51 = arith.constant 0 : i32
    %dma_start3A_52 = arith.constant 0 : i32
    %dma_start3A_53 = tpu.memref_slice %arg3[%add3A, %dma_start3A_50, %dma_start3A_51, %dma_start3A_52] : memref<32x84x2x120xi32, #tpu.memory_space<hbm>> -> memref<1x84x2x120xi32, #tpu.memory_space<hbm>>
    %dma_start3A_54 = tpu.memref_squeeze %dma_start3A_53 : memref<1x84x2x120xi32, #tpu.memory_space<hbm>> -> memref<84x2x120xi32, #tpu.memory_space<hbm>>
    %dma_start3A_55 = arith.constant 0 : i32
    %dma_start3A_56 = arith.constant 0 : i32
    %dma_start3A_57 = tpu.memref_slice %dma_start3A_54[%dma_start3A_49, %dma_start3A_55, %dma_start3A_56] : memref<84x2x120xi32, #tpu.memory_space<hbm>> -> memref<1x2x120xi32, #tpu.memory_space<hbm>>
    %dma_start3A_58 = tpu.memref_squeeze %dma_start3A_57 : memref<1x2x120xi32, #tpu.memory_space<hbm>> -> memref<2x120xi32, #tpu.memory_space<hbm>>
    %dma_start3A_59 = arith.constant 0 : i32
    %dma_start3A_60 = arith.constant 0 : i32
    %dma_start3A_61 = arith.constant 0 : i32
    %dma_start3A_62 = tpu.memref_slice %arg3[%add3A, %dma_start3A_59, %dma_start3A_60, %dma_start3A_61] : memref<32x84x2x120xi32, #tpu.memory_space<hbm>> -> memref<1x84x2x120xi32, #tpu.memory_space<hbm>>
    %dma_start3A_63 = tpu.memref_squeeze %dma_start3A_62 : memref<1x84x2x120xi32, #tpu.memory_space<hbm>> -> memref<84x2x120xi32, #tpu.memory_space<hbm>>
    %dma_start3A_64 = arith.constant 0 : i32
    %dma_start3A_65 = arith.constant 0 : i32
    %dma_start3A_66 = tpu.memref_slice %dma_start3A_63[%dma_start3A_49, %dma_start3A_64, %dma_start3A_65] : memref<84x2x120xi32, #tpu.memory_space<hbm>> -> memref<1x2x120xi32, #tpu.memory_space<hbm>>
    %dma_start3A_67 = tpu.memref_squeeze %dma_start3A_66 : memref<1x2x120xi32, #tpu.memory_space<hbm>> -> memref<2x120xi32, #tpu.memory_space<hbm>>
    tpu.enqueue_dma source(%dma_start3A_67 : memref<2x120xi32, #tpu.memory_space<hbm>>) target(%arg8 : memref<2x120xi32, #tpu.memory_space<vmem>>) target_semaphore(%arg19 : memref<!tpu.dma_semaphore, #tpu.memory_space<semaphore_mem>>)
    %dma_start3A_68 = arith.constant 1 : i32
    %dma_start3A_69 = arith.constant 0 : i32
    %dma_start3A_70 = arith.constant 0 : i32
    %dma_start3A_71 = arith.constant 0 : i32
    %dma_start3A_72 = tpu.memref_slice %arg3[%add3A, %dma_start3A_69, %dma_start3A_70, %dma_start3A_71] : memref<32x84x2x120xi32, #tpu.memory_space<hbm>> -> memref<1x84x2x120xi32, #tpu.memory_space<hbm>>
    %dma_start3A_73 = tpu.memref_squeeze %dma_start3A_72 : memref<1x84x2x120xi32, #tpu.memory_space<hbm>> -> memref<84x2x120xi32, #tpu.memory_space<hbm>>
    %dma_start3A_74 = arith.constant 0 : i32
    %dma_start3A_75 = arith.constant 0 : i32
    %dma_start3A_76 = tpu.memref_slice %dma_start3A_73[%dma_start3A_68, %dma_start3A_74, %dma_start3A_75] : memref<84x2x120xi32, #tpu.memory_space<hbm>> -> memref<1x2x120xi32, #tpu.memory_space<hbm>>
    %dma_start3A_77 = tpu.memref_squeeze %dma_start3A_76 : memref<1x2x120xi32, #tpu.memory_space<hbm>> -> memref<2x120xi32, #tpu.memory_space<hbm>>
    %dma_start3A_78 = arith.constant 0 : i32
    %dma_start3A_79 = arith.constant 0 : i32
    %dma_start3A_80 = arith.constant 0 : i32
    %dma_start3A_81 = tpu.memref_slice %arg3[%add3A, %dma_start3A_78, %dma_start3A_79, %dma_start3A_80] : memref<32x84x2x120xi32, #tpu.memory_space<hbm>> -> memref<1x84x2x120xi32, #tpu.memory_space<hbm>>
    %dma_start3A_82 = tpu.memref_squeeze %dma_start3A_81 : memref<1x84x2x120xi32, #tpu.memory_space<hbm>> -> memref<84x2x120xi32, #tpu.memory_space<hbm>>
    %dma_start3A_83 = arith.constant 0 : i32
    %dma_start3A_84 = arith.constant 0 : i32
    %dma_start3A_85 = tpu.memref_slice %dma_start3A_82[%dma_start3A_68, %dma_start3A_83, %dma_start3A_84] : memref<84x2x120xi32, #tpu.memory_space<hbm>> -> memref<1x2x120xi32, #tpu.memory_space<hbm>>
    %dma_start3A_86 = tpu.memref_squeeze %dma_start3A_85 : memref<1x2x120xi32, #tpu.memory_space<hbm>> -> memref<2x120xi32, #tpu.memory_space<hbm>>
    tpu.enqueue_dma source(%dma_start3A_86 : memref<2x120xi32, #tpu.memory_space<hbm>>) target(%arg9 : memref<2x120xi32, #tpu.memory_space<vmem>>) target_semaphore(%arg20 : memref<!tpu.dma_semaphore, #tpu.memory_space<semaphore_mem>>)
    %dma_wait3A = arith.constant 0 : i32
    %dma_wait3A_87 = tpu.memref_slice %arg12[%add3A_9, %dma_wait3A] : memref<10112x128xf32, #tpu.memory_space<vmem_shared>> -> memref<120x128xf32, #tpu.memory_space<vmem_shared>>
    %dma_wait3A_88 = arith.constant 0 : i32
    %dma_wait3A_89 = tpu.memref_slice %arg12[%add3A_9, %dma_wait3A_88] : memref<10112x128xf32, #tpu.memory_space<vmem_shared>> -> memref<120x128xf32, #tpu.memory_space<vmem_shared>>
    tpu.wait_dma2 semaphore(%arg23 : memref<!tpu.dma_semaphore, #tpu.memory_space<semaphore_mem>>) src(%arg5 : memref<120x128xf32, #tpu.memory_space<vmem>>) dst(%dma_wait3A_89 : memref<120x128xf32, #tpu.memory_space<vmem_shared>>)
    %dma_wait3A_90 = arith.constant 0 : i32
    %dma_wait3A_91 = tpu.memref_slice %arg12[%add3A_11, %dma_wait3A_90] : memref<10112x128xf32, #tpu.memory_space<vmem_shared>> -> memref<120x128xf32, #tpu.memory_space<vmem_shared>>
    %dma_wait3A_92 = arith.constant 0 : i32
    %dma_wait3A_93 = tpu.memref_slice %arg12[%add3A_11, %dma_wait3A_92] : memref<10112x128xf32, #tpu.memory_space<vmem_shared>> -> memref<120x128xf32, #tpu.memory_space<vmem_shared>>
    tpu.wait_dma2 semaphore(%arg23 : memref<!tpu.dma_semaphore, #tpu.memory_space<semaphore_mem>>) src(%arg6 : memref<120x128xf32, #tpu.memory_space<vmem>>) dst(%dma_wait3A_93 : memref<120x128xf32, #tpu.memory_space<vmem_shared>>)
    %dma_wait3A_94 = arith.constant 0 : i32
    %dma_wait3A_95 = tpu.memref_slice %arg12[%add3A_13, %dma_wait3A_94] : memref<10112x128xf32, #tpu.memory_space<vmem_shared>> -> memref<120x128xf32, #tpu.memory_space<vmem_shared>>
    %dma_wait3A_96 = arith.constant 0 : i32
    %dma_wait3A_97 = tpu.memref_slice %arg12[%add3A_13, %dma_wait3A_96] : memref<10112x128xf32, #tpu.memory_space<vmem_shared>> -> memref<120x128xf32, #tpu.memory_space<vmem_shared>>
    tpu.wait_dma2 semaphore(%arg23 : memref<!tpu.dma_semaphore, #tpu.memory_space<semaphore_mem>>) src(%arg7 : memref<120x128xf32, #tpu.memory_space<vmem>>) dst(%dma_wait3A_97 : memref<120x128xf32, #tpu.memory_space<vmem_shared>>)
    %dma_wait3A_98 = arith.constant 0 : i32
    %dma_wait3A_99 = tpu.memref_slice %arg12[%add3A_15, %dma_wait3A_98] : memref<10112x128xf32, #tpu.memory_space<vmem_shared>> -> memref<120x128xf32, #tpu.memory_space<vmem_shared>>
    %dma_wait3A_100 = arith.constant 0 : i32
    %dma_wait3A_101 = tpu.memref_slice %arg12[%add3A_15, %dma_wait3A_100] : memref<10112x128xf32, #tpu.memory_space<vmem_shared>> -> memref<120x128xf32, #tpu.memory_space<vmem_shared>>
    tpu.wait_dma2 semaphore(%arg23 : memref<!tpu.dma_semaphore, #tpu.memory_space<semaphore_mem>>) src(%arg5 : memref<120x128xf32, #tpu.memory_space<vmem>>) dst(%dma_wait3A_101 : memref<120x128xf32, #tpu.memory_space<vmem_shared>>)
    %dma_wait3A_102 = arith.constant 0 : i32
    %dma_wait3A_103 = tpu.memref_slice %arg12[%add3A_17, %dma_wait3A_102] : memref<10112x128xf32, #tpu.memory_space<vmem_shared>> -> memref<120x128xf32, #tpu.memory_space<vmem_shared>>
    %dma_wait3A_104 = arith.constant 0 : i32
    %dma_wait3A_105 = tpu.memref_slice %arg12[%add3A_17, %dma_wait3A_104] : memref<10112x128xf32, #tpu.memory_space<vmem_shared>> -> memref<120x128xf32, #tpu.memory_space<vmem_shared>>
    tpu.wait_dma2 semaphore(%arg23 : memref<!tpu.dma_semaphore, #tpu.memory_space<semaphore_mem>>) src(%arg6 : memref<120x128xf32, #tpu.memory_space<vmem>>) dst(%dma_wait3A_105 : memref<120x128xf32, #tpu.memory_space<vmem_shared>>)
    %dma_wait3A_106 = arith.constant 0 : i32
    %dma_wait3A_107 = arith.constant 0 : i32
    %dma_wait3A_108 = tpu.memref_slice %arg7[%dma_wait3A_106, %dma_wait3A_107] : memref<120x128xf32, #tpu.memory_space<vmem>> -> memref<32x128xf32, #tpu.memory_space<vmem>>
    %dma_wait3A_109 = arith.constant 0 : i32
    %dma_wait3A_110 = tpu.memref_slice %arg12[%add3A_19, %dma_wait3A_109] : memref<10112x128xf32, #tpu.memory_space<vmem_shared>> -> memref<32x128xf32, #tpu.memory_space<vmem_shared>>
    %dma_wait3A_111 = arith.constant 0 : i32
    %dma_wait3A_112 = tpu.memref_slice %arg12[%add3A_19, %dma_wait3A_111] : memref<10112x128xf32, #tpu.memory_space<vmem_shared>> -> memref<32x128xf32, #tpu.memory_space<vmem_shared>>
    %dma_wait3A_113 = arith.constant 0 : i32
    %dma_wait3A_114 = arith.constant 0 : i32
    %dma_wait3A_115 = tpu.memref_slice %arg7[%dma_wait3A_113, %dma_wait3A_114] : memref<120x128xf32, #tpu.memory_space<vmem>> -> memref<32x128xf32, #tpu.memory_space<vmem>>
    tpu.wait_dma2 semaphore(%arg23 : memref<!tpu.dma_semaphore, #tpu.memory_space<semaphore_mem>>) src(%dma_wait3A_115 : memref<32x128xf32, #tpu.memory_space<vmem>>) dst(%dma_wait3A_112 : memref<32x128xf32, #tpu.memory_space<vmem_shared>>)
    %barrier3A = arith.constant 0 : index
    tpu.barrier barrier_id(%barrier3A)
    %dma_wait3A_116 = arith.constant 0 : i32
    %dma_wait3A_117 = arith.constant 0 : i32
    %dma_wait3A_118 = arith.constant 0 : i32
    %dma_wait3A_119 = arith.constant 0 : i32
    %dma_wait3A_120 = tpu.memref_slice %arg3[%add3A, %dma_wait3A_117, %dma_wait3A_118, %dma_wait3A_119] : memref<32x84x2x120xi32, #tpu.memory_space<hbm>> -> memref<1x84x2x120xi32, #tpu.memory_space<hbm>>
    %dma_wait3A_121 = tpu.memref_squeeze %dma_wait3A_120 : memref<1x84x2x120xi32, #tpu.memory_space<hbm>> -> memref<84x2x120xi32, #tpu.memory_space<hbm>>
    %dma_wait3A_122 = arith.constant 0 : i32
    %dma_wait3A_123 = arith.constant 0 : i32
    %dma_wait3A_124 = tpu.memref_slice %dma_wait3A_121[%dma_wait3A_116, %dma_wait3A_122, %dma_wait3A_123] : memref<84x2x120xi32, #tpu.memory_space<hbm>> -> memref<1x2x120xi32, #tpu.memory_space<hbm>>
    %dma_wait3A_125 = tpu.memref_squeeze %dma_wait3A_124 : memref<1x2x120xi32, #tpu.memory_space<hbm>> -> memref<2x120xi32, #tpu.memory_space<hbm>>
    %dma_wait3A_126 = arith.constant 0 : i32
    %dma_wait3A_127 = arith.constant 0 : i32
    %dma_wait3A_128 = arith.constant 0 : i32
    %dma_wait3A_129 = tpu.memref_slice %arg3[%add3A, %dma_wait3A_126, %dma_wait3A_127, %dma_wait3A_128] : memref<32x84x2x120xi32, #tpu.memory_space<hbm>> -> memref<1x84x2x120xi32, #tpu.memory_space<hbm>>
    %dma_wait3A_130 = tpu.memref_squeeze %dma_wait3A_129 : memref<1x84x2x120xi32, #tpu.memory_space<hbm>> -> memref<84x2x120xi32, #tpu.memory_space<hbm>>
    %dma_wait3A_131 = arith.constant 0 : i32
    %dma_wait3A_132 = arith.constant 0 : i32
    %dma_wait3A_133 = tpu.memref_slice %dma_wait3A_130[%dma_wait3A_116, %dma_wait3A_131, %dma_wait3A_132] : memref<84x2x120xi32, #tpu.memory_space<hbm>> -> memref<1x2x120xi32, #tpu.memory_space<hbm>>
    %dma_wait3A_134 = tpu.memref_squeeze %dma_wait3A_133 : memref<1x2x120xi32, #tpu.memory_space<hbm>> -> memref<2x120xi32, #tpu.memory_space<hbm>>
    tpu.wait_dma2 semaphore(%arg19 : memref<!tpu.dma_semaphore, #tpu.memory_space<semaphore_mem>>) src(%dma_wait3A_134 : memref<2x120xi32, #tpu.memory_space<hbm>>) dst(%arg8 : memref<2x120xi32, #tpu.memory_space<vmem>>)
    %dma_start3A_135 = arith.constant 0 : i32
    %dma_start3A_136 = arith.constant 0 : i32
    %dma_start3A_137 = tpu.memref_slice %arg8[%dma_start3A_135, %dma_start3A_136] : memref<2x120xi32, #tpu.memory_space<vmem>> -> memref<1x120xi32, #tpu.memory_space<vmem>>
    %dma_start3A_138 = tpu.memref_squeeze %dma_start3A_137 : memref<1x120xi32, #tpu.memory_space<vmem>> -> memref<120xi32, #tpu.memory_space<vmem>>
    %dma_start3A_139 = arith.constant 0 : i32
    %dma_start3A_140 = arith.constant 0 : i32
    %dma_start3A_141 = tpu.memref_slice %arg2[%dma_start3A_139, %dma_start3A_140] : memref<10000x128xf32, #tpu.memory_space<hbm>> -> memref<10000x128xf32, #tpu.memory_space<hbm>>
    tpu.enqueue_indirect_dma source(%dma_start3A_141 : memref<10000x128xf32, #tpu.memory_space<hbm>>) target(%arg5 : memref<120x128xf32, #tpu.memory_space<vmem>>) offsets(%dma_start3A_138 : memref<120xi32, #tpu.memory_space<vmem>>) semaphore(%arg13 : memref<!tpu.dma_semaphore, #tpu.memory_space<semaphore_mem>>)
    %scan3A_142 = arith.constant 0 : i32
    %scan3A_143 = arith.constant 0 : i32
    %scan3A_144 = arith.constant 7 : i32
    %scan3A_145 = arith.addi %scan3A_143, %scan3A_144 : i32
    %scan3A_146 = arith.constant 1 : i32
    scf.for %scan3A_163 = %scan3A_143 to %scan3A_145 step %scan3A_146  : i32 {
      %mul3A_164 = arith.constant 12 : i32
      %mul3A_165 = arith.muli %mul3A_164, %scan3A_163 : i32
      %add3A_166 = arith.constant 0 : i32
      %add3A_167 = arith.addi %mul3A_165, %add3A_166 : i32
      %ge3A = arith.constant 2 : i32
      %ge3A_168 = arith.cmpi sge, %add3A_167, %ge3A : i32
      %convert_element_type3A = arith.extui %ge3A_168 : i1 to i32
      %cond3A = arith.constant 0 : i32
      %cond3A_169 = arith.cmpi ne, %convert_element_type3A, %cond3A : i32
      scf.if %cond3A_169 {
        %dma_wait3A_604 = arith.constant 1 : i32
        %dma_wait3A_605 = arith.constant 0 : i32
        %dma_wait3A_606 = tpu.memref_slice %arg10[%dma_wait3A_604, %dma_wait3A_605] : memref<2x120xi32, #tpu.memory_space<vmem>> -> memref<1x120xi32, #tpu.memory_space<vmem>>
        %dma_wait3A_607 = tpu.memref_squeeze %dma_wait3A_606 : memref<1x120xi32, #tpu.memory_space<vmem>> -> memref<120xi32, #tpu.memory_space<vmem>>
        %dma_wait3A_608 = arith.constant 0 : i32
        %dma_wait3A_609 = arith.constant 0 : i32
        %dma_wait3A_610 = tpu.memref_slice %arg12[%dma_wait3A_608, %dma_wait3A_609] : memref<10112x128xf32, #tpu.memory_space<vmem_shared>> -> memref<10112x128xf32, #tpu.memory_space<vmem_shared>>
        tpu.wait_indirect_dma semaphore(%arg17 : memref<!tpu.dma_semaphore, #tpu.memory_space<semaphore_mem>>) src(%arg6 : memref<120x128xf32, #tpu.memory_space<vmem>>) dst(%dma_wait3A_610 : memref<10112x128xf32, #tpu.memory_space<vmem_shared>>)
      } else {
      }
      %add3A_170 = arith.constant 2 : i32
      %add3A_171 = arith.addi %add3A_167, %add3A_170 : i32
      %lt3A = arith.constant 84 : i32
      %lt3A_172 = arith.cmpi slt, %add3A_171, %lt3A : i32
      %convert_element_type3A_173 = arith.extui %lt3A_172 : i1 to i32
      %cond3A_174 = arith.constant 0 : i32
      %cond3A_175 = arith.cmpi ne, %convert_element_type3A_173, %cond3A_174 : i32
      scf.if %cond3A_175 {
        %add3A_604 = arith.constant 2 : i32
        %add3A_605 = arith.addi %add3A_167, %add3A_604 : i32
        %dma_start3A_606 = arith.constant 0 : i32
        %dma_start3A_607 = arith.constant 0 : i32
        %dma_start3A_608 = arith.constant 0 : i32
        %dma_start3A_609 = tpu.memref_slice %arg3[%add3A, %dma_start3A_606, %dma_start3A_607, %dma_start3A_608] : memref<32x84x2x120xi32, #tpu.memory_space<hbm>> -> memref<1x84x2x120xi32, #tpu.memory_space<hbm>>
        %dma_start3A_610 = tpu.memref_squeeze %dma_start3A_609 : memref<1x84x2x120xi32, #tpu.memory_space<hbm>> -> memref<84x2x120xi32, #tpu.memory_space<hbm>>
        %dma_start3A_611 = arith.constant 0 : i32
        %dma_start3A_612 = arith.constant 0 : i32
        %dma_start3A_613 = tpu.memref_slice %dma_start3A_610[%add3A_605, %dma_start3A_611, %dma_start3A_612] : memref<84x2x120xi32, #tpu.memory_space<hbm>> -> memref<1x2x120xi32, #tpu.memory_space<hbm>>
        %dma_start3A_614 = tpu.memref_squeeze %dma_start3A_613 : memref<1x2x120xi32, #tpu.memory_space<hbm>> -> memref<2x120xi32, #tpu.memory_space<hbm>>
        %dma_start3A_615 = arith.constant 0 : i32
        %dma_start3A_616 = arith.constant 0 : i32
        %dma_start3A_617 = arith.constant 0 : i32
        %dma_start3A_618 = tpu.memref_slice %arg3[%add3A, %dma_start3A_615, %dma_start3A_616, %dma_start3A_617] : memref<32x84x2x120xi32, #tpu.memory_space<hbm>> -> memref<1x84x2x120xi32, #tpu.memory_space<hbm>>
        %dma_start3A_619 = tpu.memref_squeeze %dma_start3A_618 : memref<1x84x2x120xi32, #tpu.memory_space<hbm>> -> memref<84x2x120xi32, #tpu.memory_space<hbm>>
        %dma_start3A_620 = arith.constant 0 : i32
        %dma_start3A_621 = arith.constant 0 : i32
        %dma_start3A_622 = tpu.memref_slice %dma_start3A_619[%add3A_605, %dma_start3A_620, %dma_start3A_621] : memref<84x2x120xi32, #tpu.memory_space<hbm>> -> memref<1x2x120xi32, #tpu.memory_space<hbm>>
        %dma_start3A_623 = tpu.memref_squeeze %dma_start3A_622 : memref<1x2x120xi32, #tpu.memory_space<hbm>> -> memref<2x120xi32, #tpu.memory_space<hbm>>
        tpu.enqueue_dma source(%dma_start3A_623 : memref<2x120xi32, #tpu.memory_space<hbm>>) target(%arg10 : memref<2x120xi32, #tpu.memory_space<vmem>>) target_semaphore(%arg21 : memref<!tpu.dma_semaphore, #tpu.memory_space<semaphore_mem>>)
      } else {
      }
      %add3A_176 = arith.constant 1 : i32
      %add3A_177 = arith.addi %add3A_167, %add3A_176 : i32
      %lt3A_178 = arith.constant 84 : i32
      %lt3A_179 = arith.cmpi slt, %add3A_177, %lt3A_178 : i32
      %convert_element_type3A_180 = arith.extui %lt3A_179 : i1 to i32
      %cond3A_181 = arith.constant 0 : i32
      %cond3A_182 = arith.cmpi ne, %convert_element_type3A_180, %cond3A_181 : i32
      scf.if %cond3A_182 {
        %add3A_604 = arith.constant 1 : i32
        %add3A_605 = arith.addi %add3A_167, %add3A_604 : i32
        %dma_wait3A_606 = arith.constant 0 : i32
        %dma_wait3A_607 = arith.constant 0 : i32
        %dma_wait3A_608 = arith.constant 0 : i32
        %dma_wait3A_609 = tpu.memref_slice %arg3[%add3A, %dma_wait3A_606, %dma_wait3A_607, %dma_wait3A_608] : memref<32x84x2x120xi32, #tpu.memory_space<hbm>> -> memref<1x84x2x120xi32, #tpu.memory_space<hbm>>
        %dma_wait3A_610 = tpu.memref_squeeze %dma_wait3A_609 : memref<1x84x2x120xi32, #tpu.memory_space<hbm>> -> memref<84x2x120xi32, #tpu.memory_space<hbm>>
        %dma_wait3A_611 = arith.constant 0 : i32
        %dma_wait3A_612 = arith.constant 0 : i32
        %dma_wait3A_613 = tpu.memref_slice %dma_wait3A_610[%add3A_605, %dma_wait3A_611, %dma_wait3A_612] : memref<84x2x120xi32, #tpu.memory_space<hbm>> -> memref<1x2x120xi32, #tpu.memory_space<hbm>>
        %dma_wait3A_614 = tpu.memref_squeeze %dma_wait3A_613 : memref<1x2x120xi32, #tpu.memory_space<hbm>> -> memref<2x120xi32, #tpu.memory_space<hbm>>
        %dma_wait3A_615 = arith.constant 0 : i32
        %dma_wait3A_616 = arith.constant 0 : i32
        %dma_wait3A_617 = arith.constant 0 : i32
        %dma_wait3A_618 = tpu.memref_slice %arg3[%add3A, %dma_wait3A_615, %dma_wait3A_616, %dma_wait3A_617] : memref<32x84x2x120xi32, #tpu.memory_space<hbm>> -> memref<1x84x2x120xi32, #tpu.memory_space<hbm>>
        %dma_wait3A_619 = tpu.memref_squeeze %dma_wait3A_618 : memref<1x84x2x120xi32, #tpu.memory_space<hbm>> -> memref<84x2x120xi32, #tpu.memory_space<hbm>>
        %dma_wait3A_620 = arith.constant 0 : i32
        %dma_wait3A_621 = arith.constant 0 : i32
        %dma_wait3A_622 = tpu.memref_slice %dma_wait3A_619[%add3A_605, %dma_wait3A_620, %dma_wait3A_621] : memref<84x2x120xi32, #tpu.memory_space<hbm>> -> memref<1x2x120xi32, #tpu.memory_space<hbm>>
        %dma_wait3A_623 = tpu.memref_squeeze %dma_wait3A_622 : memref<1x2x120xi32, #tpu.memory_space<hbm>> -> memref<2x120xi32, #tpu.memory_space<hbm>>
        tpu.wait_dma2 semaphore(%arg20 : memref<!tpu.dma_semaphore, #tpu.memory_space<semaphore_mem>>) src(%dma_wait3A_623 : memref<2x120xi32, #tpu.memory_space<hbm>>) dst(%arg9 : memref<2x120xi32, #tpu.memory_space<vmem>>)
        %dma_start3A_624 = arith.constant 0 : i32
        %dma_start3A_625 = arith.constant 0 : i32
        %dma_start3A_626 = tpu.memref_slice %arg9[%dma_start3A_624, %dma_start3A_625] : memref<2x120xi32, #tpu.memory_space<vmem>> -> memref<1x120xi32, #tpu.memory_space<vmem>>
        %dma_start3A_627 = tpu.memref_squeeze %dma_start3A_626 : memref<1x120xi32, #tpu.memory_space<vmem>> -> memref<120xi32, #tpu.memory_space<vmem>>
        %dma_start3A_628 = arith.constant 0 : i32
        %dma_start3A_629 = arith.constant 0 : i32
        %dma_start3A_630 = tpu.memref_slice %arg2[%dma_start3A_628, %dma_start3A_629] : memref<10000x128xf32, #tpu.memory_space<hbm>> -> memref<10000x128xf32, #tpu.memory_space<hbm>>
        tpu.enqueue_indirect_dma source(%dma_start3A_630 : memref<10000x128xf32, #tpu.memory_space<hbm>>) target(%arg6 : memref<120x128xf32, #tpu.memory_space<vmem>>) offsets(%dma_start3A_627 : memref<120xi32, #tpu.memory_space<vmem>>) semaphore(%arg14 : memref<!tpu.dma_semaphore, #tpu.memory_space<semaphore_mem>>)
      } else {
      }
      %dma_wait3A_183 = arith.constant 0 : i32
      %dma_wait3A_184 = arith.constant 0 : i32
      %dma_wait3A_185 = tpu.memref_slice %arg8[%dma_wait3A_183, %dma_wait3A_184] : memref<2x120xi32, #tpu.memory_space<vmem>> -> memref<1x120xi32, #tpu.memory_space<vmem>>
      %dma_wait3A_186 = tpu.memref_squeeze %dma_wait3A_185 : memref<1x120xi32, #tpu.memory_space<vmem>> -> memref<120xi32, #tpu.memory_space<vmem>>
      %dma_wait3A_187 = arith.constant 0 : i32
      %dma_wait3A_188 = arith.constant 0 : i32
      %dma_wait3A_189 = tpu.memref_slice %arg2[%dma_wait3A_187, %dma_wait3A_188] : memref<10000x128xf32, #tpu.memory_space<hbm>> -> memref<10000x128xf32, #tpu.memory_space<hbm>>
      tpu.wait_indirect_dma semaphore(%arg13 : memref<!tpu.dma_semaphore, #tpu.memory_space<semaphore_mem>>) src(%dma_wait3A_189 : memref<10000x128xf32, #tpu.memory_space<hbm>>) dst(%arg5 : memref<120x128xf32, #tpu.memory_space<vmem>>)
      %dma_start3A_190 = arith.constant 1 : i32
      %dma_start3A_191 = arith.constant 0 : i32
      %dma_start3A_192 = tpu.memref_slice %arg8[%dma_start3A_190, %dma_start3A_191] : memref<2x120xi32, #tpu.memory_space<vmem>> -> memref<1x120xi32, #tpu.memory_space<vmem>>
      %dma_start3A_193 = tpu.memref_squeeze %dma_start3A_192 : memref<1x120xi32, #tpu.memory_space<vmem>> -> memref<120xi32, #tpu.memory_space<vmem>>
      %dma_start3A_194 = arith.constant 0 : i32
      %dma_start3A_195 = arith.constant 0 : i32
      %dma_start3A_196 = tpu.memref_slice %arg12[%dma_start3A_194, %dma_start3A_195] : memref<10112x128xf32, #tpu.memory_space<vmem_shared>> -> memref<10112x128xf32, #tpu.memory_space<vmem_shared>>
      tpu.enqueue_indirect_dma source(%arg5 : memref<120x128xf32, #tpu.memory_space<vmem>>) target(%dma_start3A_196 : memref<10112x128xf32, #tpu.memory_space<vmem_shared>>) offsets(%dma_start3A_193 : memref<120xi32, #tpu.memory_space<vmem>>) semaphore(%arg16 : memref<!tpu.dma_semaphore, #tpu.memory_space<semaphore_mem>>) {add = true}
      %mul3A_197 = arith.constant 12 : i32
      %mul3A_198 = arith.muli %mul3A_197, %scan3A_163 : i32
      %add3A_199 = arith.constant 1 : i32
      %add3A_200 = arith.addi %mul3A_198, %add3A_199 : i32
      %ge3A_201 = arith.constant 2 : i32
      %ge3A_202 = arith.cmpi sge, %add3A_200, %ge3A_201 : i32
      %convert_element_type3A_203 = arith.extui %ge3A_202 : i1 to i32
      %cond3A_204 = arith.constant 0 : i32
      %cond3A_205 = arith.cmpi ne, %convert_element_type3A_203, %cond3A_204 : i32
      scf.if %cond3A_205 {
        %dma_wait3A_604 = arith.constant 1 : i32
        %dma_wait3A_605 = arith.constant 0 : i32
        %dma_wait3A_606 = tpu.memref_slice %arg11[%dma_wait3A_604, %dma_wait3A_605] : memref<2x120xi32, #tpu.memory_space<vmem>> -> memref<1x120xi32, #tpu.memory_space<vmem>>
        %dma_wait3A_607 = tpu.memref_squeeze %dma_wait3A_606 : memref<1x120xi32, #tpu.memory_space<vmem>> -> memref<120xi32, #tpu.memory_space<vmem>>
        %dma_wait3A_608 = arith.constant 0 : i32
        %dma_wait3A_609 = arith.constant 0 : i32
        %dma_wait3A_610 = tpu.memref_slice %arg12[%dma_wait3A_608, %dma_wait3A_609] : memref<10112x128xf32, #tpu.memory_space<vmem_shared>> -> memref<10112x128xf32, #tpu.memory_space<vmem_shared>>
        tpu.wait_indirect_dma semaphore(%arg18 : memref<!tpu.dma_semaphore, #tpu.memory_space<semaphore_mem>>) src(%arg7 : memref<120x128xf32, #tpu.memory_space<vmem>>) dst(%dma_wait3A_610 : memref<10112x128xf32, #tpu.memory_space<vmem_shared>>)
      } else {
      }
      %add3A_206 = arith.constant 2 : i32
      %add3A_207 = arith.addi %add3A_200, %add3A_206 : i32
      %lt3A_208 = arith.constant 84 : i32
      %lt3A_209 = arith.cmpi slt, %add3A_207, %lt3A_208 : i32
      %convert_element_type3A_210 = arith.extui %lt3A_209 : i1 to i32
      %cond3A_211 = arith.constant 0 : i32
      %cond3A_212 = arith.cmpi ne, %convert_element_type3A_210, %cond3A_211 : i32
      scf.if %cond3A_212 {
        %add3A_604 = arith.constant 2 : i32
        %add3A_605 = arith.addi %add3A_200, %add3A_604 : i32
        %dma_start3A_606 = arith.constant 0 : i32
        %dma_start3A_607 = arith.constant 0 : i32
        %dma_start3A_608 = arith.constant 0 : i32
        %dma_start3A_609 = tpu.memref_slice %arg3[%add3A, %dma_start3A_606, %dma_start3A_607, %dma_start3A_608] : memref<32x84x2x120xi32, #tpu.memory_space<hbm>> -> memref<1x84x2x120xi32, #tpu.memory_space<hbm>>
        %dma_start3A_610 = tpu.memref_squeeze %dma_start3A_609 : memref<1x84x2x120xi32, #tpu.memory_space<hbm>> -> memref<84x2x120xi32, #tpu.memory_space<hbm>>
        %dma_start3A_611 = arith.constant 0 : i32
        %dma_start3A_612 = arith.constant 0 : i32
        %dma_start3A_613 = tpu.memref_slice %dma_start3A_610[%add3A_605, %dma_start3A_611, %dma_start3A_612] : memref<84x2x120xi32, #tpu.memory_space<hbm>> -> memref<1x2x120xi32, #tpu.memory_space<hbm>>
        %dma_start3A_614 = tpu.memref_squeeze %dma_start3A_613 : memref<1x2x120xi32, #tpu.memory_space<hbm>> -> memref<2x120xi32, #tpu.memory_space<hbm>>
        %dma_start3A_615 = arith.constant 0 : i32
        %dma_start3A_616 = arith.constant 0 : i32
        %dma_start3A_617 = arith.constant 0 : i32
        %dma_start3A_618 = tpu.memref_slice %arg3[%add3A, %dma_start3A_615, %dma_start3A_616, %dma_start3A_617] : memref<32x84x2x120xi32, #tpu.memory_space<hbm>> -> memref<1x84x2x120xi32, #tpu.memory_space<hbm>>
        %dma_start3A_619 = tpu.memref_squeeze %dma_start3A_618 : memref<1x84x2x120xi32, #tpu.memory_space<hbm>> -> memref<84x2x120xi32, #tpu.memory_space<hbm>>
        %dma_start3A_620 = arith.constant 0 : i32
        %dma_start3A_621 = arith.constant 0 : i32
        %dma_start3A_622 = tpu.memref_slice %dma_start3A_619[%add3A_605, %dma_start3A_620, %dma_start3A_621] : memref<84x2x120xi32, #tpu.memory_space<hbm>> -> memref<1x2x120xi32, #tpu.memory_space<hbm>>
        %dma_start3A_623 = tpu.memref_squeeze %dma_start3A_622 : memref<1x2x120xi32, #tpu.memory_space<hbm>> -> memref<2x120xi32, #tpu.memory_space<hbm>>
        tpu.enqueue_dma source(%dma_start3A_623 : memref<2x120xi32, #tpu.memory_space<hbm>>) target(%arg11 : memref<2x120xi32, #tpu.memory_space<vmem>>) target_semaphore(%arg22 : memref<!tpu.dma_semaphore, #tpu.memory_space<semaphore_mem>>)
      } else {
      }
      %add3A_213 = arith.constant 1 : i32
      %add3A_214 = arith.addi %add3A_200, %add3A_213 : i32
      %lt3A_215 = arith.constant 84 : i32
      %lt3A_216 = arith.cmpi slt, %add3A_214, %lt3A_215 : i32
      %convert_element_type3A_217 = arith.extui %lt3A_216 : i1 to i32
      %cond3A_218 = arith.constant 0 : i32
      %cond3A_219 = arith.cmpi ne, %convert_element_type3A_217, %cond3A_218 : i32
      scf.if %cond3A_219 {
        %add3A_604 = arith.constant 1 : i32
        %add3A_605 = arith.addi %add3A_200, %add3A_604 : i32
        %dma_wait3A_606 = arith.constant 0 : i32
        %dma_wait3A_607 = arith.constant 0 : i32
        %dma_wait3A_608 = arith.constant 0 : i32
        %dma_wait3A_609 = tpu.memref_slice %arg3[%add3A, %dma_wait3A_606, %dma_wait3A_607, %dma_wait3A_608] : memref<32x84x2x120xi32, #tpu.memory_space<hbm>> -> memref<1x84x2x120xi32, #tpu.memory_space<hbm>>
        %dma_wait3A_610 = tpu.memref_squeeze %dma_wait3A_609 : memref<1x84x2x120xi32, #tpu.memory_space<hbm>> -> memref<84x2x120xi32, #tpu.memory_space<hbm>>
        %dma_wait3A_611 = arith.constant 0 : i32
        %dma_wait3A_612 = arith.constant 0 : i32
        %dma_wait3A_613 = tpu.memref_slice %dma_wait3A_610[%add3A_605, %dma_wait3A_611, %dma_wait3A_612] : memref<84x2x120xi32, #tpu.memory_space<hbm>> -> memref<1x2x120xi32, #tpu.memory_space<hbm>>
        %dma_wait3A_614 = tpu.memref_squeeze %dma_wait3A_613 : memref<1x2x120xi32, #tpu.memory_space<hbm>> -> memref<2x120xi32, #tpu.memory_space<hbm>>
        %dma_wait3A_615 = arith.constant 0 : i32
        %dma_wait3A_616 = arith.constant 0 : i32
        %dma_wait3A_617 = arith.constant 0 : i32
        %dma_wait3A_618 = tpu.memref_slice %arg3[%add3A, %dma_wait3A_615, %dma_wait3A_616, %dma_wait3A_617] : memref<32x84x2x120xi32, #tpu.memory_space<hbm>> -> memref<1x84x2x120xi32, #tpu.memory_space<hbm>>
        %dma_wait3A_619 = tpu.memref_squeeze %dma_wait3A_618 : memref<1x84x2x120xi32, #tpu.memory_space<hbm>> -> memref<84x2x120xi32, #tpu.memory_space<hbm>>
        %dma_wait3A_620 = arith.constant 0 : i32
        %dma_wait3A_621 = arith.constant 0 : i32
        %dma_wait3A_622 = tpu.memref_slice %dma_wait3A_619[%add3A_605, %dma_wait3A_620, %dma_wait3A_621] : memref<84x2x120xi32, #tpu.memory_space<hbm>> -> memref<1x2x120xi32, #tpu.memory_space<hbm>>
        %dma_wait3A_623 = tpu.memref_squeeze %dma_wait3A_622 : memref<1x2x120xi32, #tpu.memory_space<hbm>> -> memref<2x120xi32, #tpu.memory_space<hbm>>
        tpu.wait_dma2 semaphore(%arg21 : memref<!tpu.dma_semaphore, #tpu.memory_space<semaphore_mem>>) src(%dma_wait3A_623 : memref<2x120xi32, #tpu.memory_space<hbm>>) dst(%arg10 : memref<2x120xi32, #tpu.memory_space<vmem>>)
        %dma_start3A_624 = arith.constant 0 : i32
        %dma_start3A_625 = arith.constant 0 : i32
        %dma_start3A_626 = tpu.memref_slice %arg10[%dma_start3A_624, %dma_start3A_625] : memref<2x120xi32, #tpu.memory_space<vmem>> -> memref<1x120xi32, #tpu.memory_space<vmem>>
        %dma_start3A_627 = tpu.memref_squeeze %dma_start3A_626 : memref<1x120xi32, #tpu.memory_space<vmem>> -> memref<120xi32, #tpu.memory_space<vmem>>
        %dma_start3A_628 = arith.constant 0 : i32
        %dma_start3A_629 = arith.constant 0 : i32
        %dma_start3A_630 = tpu.memref_slice %arg2[%dma_start3A_628, %dma_start3A_629] : memref<10000x128xf32, #tpu.memory_space<hbm>> -> memref<10000x128xf32, #tpu.memory_space<hbm>>
        tpu.enqueue_indirect_dma source(%dma_start3A_630 : memref<10000x128xf32, #tpu.memory_space<hbm>>) target(%arg7 : memref<120x128xf32, #tpu.memory_space<vmem>>) offsets(%dma_start3A_627 : memref<120xi32, #tpu.memory_space<vmem>>) semaphore(%arg15 : memref<!tpu.dma_semaphore, #tpu.memory_space<semaphore_mem>>)
      } else {
      }
      %dma_wait3A_220 = arith.constant 0 : i32
      %dma_wait3A_221 = arith.constant 0 : i32
      %dma_wait3A_222 = tpu.memref_slice %arg9[%dma_wait3A_220, %dma_wait3A_221] : memref<2x120xi32, #tpu.memory_space<vmem>> -> memref<1x120xi32, #tpu.memory_space<vmem>>
      %dma_wait3A_223 = tpu.memref_squeeze %dma_wait3A_222 : memref<1x120xi32, #tpu.memory_space<vmem>> -> memref<120xi32, #tpu.memory_space<vmem>>
      %dma_wait3A_224 = arith.constant 0 : i32
      %dma_wait3A_225 = arith.constant 0 : i32
      %dma_wait3A_226 = tpu.memref_slice %arg2[%dma_wait3A_224, %dma_wait3A_225] : memref<10000x128xf32, #tpu.memory_space<hbm>> -> memref<10000x128xf32, #tpu.memory_space<hbm>>
      tpu.wait_indirect_dma semaphore(%arg14 : memref<!tpu.dma_semaphore, #tpu.memory_space<semaphore_mem>>) src(%dma_wait3A_226 : memref<10000x128xf32, #tpu.memory_space<hbm>>) dst(%arg6 : memref<120x128xf32, #tpu.memory_space<vmem>>)
      %dma_start3A_227 = arith.constant 1 : i32
      %dma_start3A_228 = arith.constant 0 : i32
      %dma_start3A_229 = tpu.memref_slice %arg9[%dma_start3A_227, %dma_start3A_228] : memref<2x120xi32, #tpu.memory_space<vmem>> -> memref<1x120xi32, #tpu.memory_space<vmem>>
      %dma_start3A_230 = tpu.memref_squeeze %dma_start3A_229 : memref<1x120xi32, #tpu.memory_space<vmem>> -> memref<120xi32, #tpu.memory_space<vmem>>
      %dma_start3A_231 = arith.constant 0 : i32
      %dma_start3A_232 = arith.constant 0 : i32
      %dma_start3A_233 = tpu.memref_slice %arg12[%dma_start3A_231, %dma_start3A_232] : memref<10112x128xf32, #tpu.memory_space<vmem_shared>> -> memref<10112x128xf32, #tpu.memory_space<vmem_shared>>
      tpu.enqueue_indirect_dma source(%arg6 : memref<120x128xf32, #tpu.memory_space<vmem>>) target(%dma_start3A_233 : memref<10112x128xf32, #tpu.memory_space<vmem_shared>>) offsets(%dma_start3A_230 : memref<120xi32, #tpu.memory_space<vmem>>) semaphore(%arg17 : memref<!tpu.dma_semaphore, #tpu.memory_space<semaphore_mem>>) {add = true}
      %mul3A_234 = arith.constant 12 : i32
      %mul3A_235 = arith.muli %mul3A_234, %scan3A_163 : i32
      %add3A_236 = arith.constant 2 : i32
      %add3A_237 = arith.addi %mul3A_235, %add3A_236 : i32
      %ge3A_238 = arith.constant 2 : i32
      %ge3A_239 = arith.cmpi sge, %add3A_237, %ge3A_238 : i32
      %convert_element_type3A_240 = arith.extui %ge3A_239 : i1 to i32
      %cond3A_241 = arith.constant 0 : i32
      %cond3A_242 = arith.cmpi ne, %convert_element_type3A_240, %cond3A_241 : i32
      scf.if %cond3A_242 {
        %dma_wait3A_604 = arith.constant 1 : i32
        %dma_wait3A_605 = arith.constant 0 : i32
        %dma_wait3A_606 = tpu.memref_slice %arg8[%dma_wait3A_604, %dma_wait3A_605] : memref<2x120xi32, #tpu.memory_space<vmem>> -> memref<1x120xi32, #tpu.memory_space<vmem>>
        %dma_wait3A_607 = tpu.memref_squeeze %dma_wait3A_606 : memref<1x120xi32, #tpu.memory_space<vmem>> -> memref<120xi32, #tpu.memory_space<vmem>>
        %dma_wait3A_608 = arith.constant 0 : i32
        %dma_wait3A_609 = arith.constant 0 : i32
        %dma_wait3A_610 = tpu.memref_slice %arg12[%dma_wait3A_608, %dma_wait3A_609] : memref<10112x128xf32, #tpu.memory_space<vmem_shared>> -> memref<10112x128xf32, #tpu.memory_space<vmem_shared>>
        tpu.wait_indirect_dma semaphore(%arg16 : memref<!tpu.dma_semaphore, #tpu.memory_space<semaphore_mem>>) src(%arg5 : memref<120x128xf32, #tpu.memory_space<vmem>>) dst(%dma_wait3A_610 : memref<10112x128xf32, #tpu.memory_space<vmem_shared>>)
      } else {
      }
      %add3A_243 = arith.constant 2 : i32
      %add3A_244 = arith.addi %add3A_237, %add3A_243 : i32
      %lt3A_245 = arith.constant 84 : i32
      %lt3A_246 = arith.cmpi slt, %add3A_244, %lt3A_245 : i32
      %convert_element_type3A_247 = arith.extui %lt3A_246 : i1 to i32
      %cond3A_248 = arith.constant 0 : i32
      %cond3A_249 = arith.cmpi ne, %convert_element_type3A_247, %cond3A_248 : i32
      scf.if %cond3A_249 {
        %add3A_604 = arith.constant 2 : i32
        %add3A_605 = arith.addi %add3A_237, %add3A_604 : i32
        %dma_start3A_606 = arith.constant 0 : i32
        %dma_start3A_607 = arith.constant 0 : i32
        %dma_start3A_608 = arith.constant 0 : i32
        %dma_start3A_609 = tpu.memref_slice %arg3[%add3A, %dma_start3A_606, %dma_start3A_607, %dma_start3A_608] : memref<32x84x2x120xi32, #tpu.memory_space<hbm>> -> memref<1x84x2x120xi32, #tpu.memory_space<hbm>>
        %dma_start3A_610 = tpu.memref_squeeze %dma_start3A_609 : memref<1x84x2x120xi32, #tpu.memory_space<hbm>> -> memref<84x2x120xi32, #tpu.memory_space<hbm>>
        %dma_start3A_611 = arith.constant 0 : i32
        %dma_start3A_612 = arith.constant 0 : i32
        %dma_start3A_613 = tpu.memref_slice %dma_start3A_610[%add3A_605, %dma_start3A_611, %dma_start3A_612] : memref<84x2x120xi32, #tpu.memory_space<hbm>> -> memref<1x2x120xi32, #tpu.memory_space<hbm>>
        %dma_start3A_614 = tpu.memref_squeeze %dma_start3A_613 : memref<1x2x120xi32, #tpu.memory_space<hbm>> -> memref<2x120xi32, #tpu.memory_space<hbm>>
        %dma_start3A_615 = arith.constant 0 : i32
        %dma_start3A_616 = arith.constant 0 : i32
        %dma_start3A_617 = arith.constant 0 : i32
        %dma_start3A_618 = tpu.memref_slice %arg3[%add3A, %dma_start3A_615, %dma_start3A_616, %dma_start3A_617] : memref<32x84x2x120xi32, #tpu.memory_space<hbm>> -> memref<1x84x2x120xi32, #tpu.memory_space<hbm>>
        %dma_start3A_619 = tpu.memref_squeeze %dma_start3A_618 : memref<1x84x2x120xi32, #tpu.memory_space<hbm>> -> memref<84x2x120xi32, #tpu.memory_space<hbm>>
        %dma_start3A_620 = arith.constant 0 : i32
        %dma_start3A_621 = arith.constant 0 : i32
        %dma_start3A_622 = tpu.memref_slice %dma_start3A_619[%add3A_605, %dma_start3A_620, %dma_start3A_621] : memref<84x2x120xi32, #tpu.memory_space<hbm>> -> memref<1x2x120xi32, #tpu.memory_space<hbm>>
        %dma_start3A_623 = tpu.memref_squeeze %dma_start3A_622 : memref<1x2x120xi32, #tpu.memory_space<hbm>> -> memref<2x120xi32, #tpu.memory_space<hbm>>
        tpu.enqueue_dma source(%dma_start3A_623 : memref<2x120xi32, #tpu.memory_space<hbm>>) target(%arg8 : memref<2x120xi32, #tpu.memory_space<vmem>>) target_semaphore(%arg19 : memref<!tpu.dma_semaphore, #tpu.memory_space<semaphore_mem>>)
      } else {
      }
      %add3A_250 = arith.constant 1 : i32
      %add3A_251 = arith.addi %add3A_237, %add3A_250 : i32
      %lt3A_252 = arith.constant 84 : i32
      %lt3A_253 = arith.cmpi slt, %add3A_251, %lt3A_252 : i32
      %convert_element_type3A_254 = arith.extui %lt3A_253 : i1 to i32
      %cond3A_255 = arith.constant 0 : i32
      %cond3A_256 = arith.cmpi ne, %convert_element_type3A_254, %cond3A_255 : i32
      scf.if %cond3A_256 {
        %add3A_604 = arith.constant 1 : i32
        %add3A_605 = arith.addi %add3A_237, %add3A_604 : i32
        %dma_wait3A_606 = arith.constant 0 : i32
        %dma_wait3A_607 = arith.constant 0 : i32
        %dma_wait3A_608 = arith.constant 0 : i32
        %dma_wait3A_609 = tpu.memref_slice %arg3[%add3A, %dma_wait3A_606, %dma_wait3A_607, %dma_wait3A_608] : memref<32x84x2x120xi32, #tpu.memory_space<hbm>> -> memref<1x84x2x120xi32, #tpu.memory_space<hbm>>
        %dma_wait3A_610 = tpu.memref_squeeze %dma_wait3A_609 : memref<1x84x2x120xi32, #tpu.memory_space<hbm>> -> memref<84x2x120xi32, #tpu.memory_space<hbm>>
        %dma_wait3A_611 = arith.constant 0 : i32
        %dma_wait3A_612 = arith.constant 0 : i32
        %dma_wait3A_613 = tpu.memref_slice %dma_wait3A_610[%add3A_605, %dma_wait3A_611, %dma_wait3A_612] : memref<84x2x120xi32, #tpu.memory_space<hbm>> -> memref<1x2x120xi32, #tpu.memory_space<hbm>>
        %dma_wait3A_614 = tpu.memref_squeeze %dma_wait3A_613 : memref<1x2x120xi32, #tpu.memory_space<hbm>> -> memref<2x120xi32, #tpu.memory_space<hbm>>
        %dma_wait3A_615 = arith.constant 0 : i32
        %dma_wait3A_616 = arith.constant 0 : i32
        %dma_wait3A_617 = arith.constant 0 : i32
        %dma_wait3A_618 = tpu.memref_slice %arg3[%add3A, %dma_wait3A_615, %dma_wait3A_616, %dma_wait3A_617] : memref<32x84x2x120xi32, #tpu.memory_space<hbm>> -> memref<1x84x2x120xi32, #tpu.memory_space<hbm>>
        %dma_wait3A_619 = tpu.memref_squeeze %dma_wait3A_618 : memref<1x84x2x120xi32, #tpu.memory_space<hbm>> -> memref<84x2x120xi32, #tpu.memory_space<hbm>>
        %dma_wait3A_620 = arith.constant 0 : i32
        %dma_wait3A_621 = arith.constant 0 : i32
        %dma_wait3A_622 = tpu.memref_slice %dma_wait3A_619[%add3A_605, %dma_wait3A_620, %dma_wait3A_621] : memref<84x2x120xi32, #tpu.memory_space<hbm>> -> memref<1x2x120xi32, #tpu.memory_space<hbm>>
        %dma_wait3A_623 = tpu.memref_squeeze %dma_wait3A_622 : memref<1x2x120xi32, #tpu.memory_space<hbm>> -> memref<2x120xi32, #tpu.memory_space<hbm>>
        tpu.wait_dma2 semaphore(%arg22 : memref<!tpu.dma_semaphore, #tpu.memory_space<semaphore_mem>>) src(%dma_wait3A_623 : memref<2x120xi32, #tpu.memory_space<hbm>>) dst(%arg11 : memref<2x120xi32, #tpu.memory_space<vmem>>)
        %dma_start3A_624 = arith.constant 0 : i32
        %dma_start3A_625 = arith.constant 0 : i32
        %dma_start3A_626 = tpu.memref_slice %arg11[%dma_start3A_624, %dma_start3A_625] : memref<2x120xi32, #tpu.memory_space<vmem>> -> memref<1x120xi32, #tpu.memory_space<vmem>>
        %dma_start3A_627 = tpu.memref_squeeze %dma_start3A_626 : memref<1x120xi32, #tpu.memory_space<vmem>> -> memref<120xi32, #tpu.memory_space<vmem>>
        %dma_start3A_628 = arith.constant 0 : i32
        %dma_start3A_629 = arith.constant 0 : i32
        %dma_start3A_630 = tpu.memref_slice %arg2[%dma_start3A_628, %dma_start3A_629] : memref<10000x128xf32, #tpu.memory_space<hbm>> -> memref<10000x128xf32, #tpu.memory_space<hbm>>
        tpu.enqueue_indirect_dma source(%dma_start3A_630 : memref<10000x128xf32, #tpu.memory_space<hbm>>) target(%arg5 : memref<120x128xf32, #tpu.memory_space<vmem>>) offsets(%dma_start3A_627 : memref<120xi32, #tpu.memory_space<vmem>>) semaphore(%arg13 : memref<!tpu.dma_semaphore, #tpu.memory_space<semaphore_mem>>)
      } else {
      }
      %dma_wait3A_257 = arith.constant 0 : i32
      %dma_wait3A_258 = arith.constant 0 : i32
      %dma_wait3A_259 = tpu.memref_slice %arg10[%dma_wait3A_257, %dma_wait3A_258] : memref<2x120xi32, #tpu.memory_space<vmem>> -> memref<1x120xi32, #tpu.memory_space<vmem>>
      %dma_wait3A_260 = tpu.memref_squeeze %dma_wait3A_259 : memref<1x120xi32, #tpu.memory_space<vmem>> -> memref<120xi32, #tpu.memory_space<vmem>>
      %dma_wait3A_261 = arith.constant 0 : i32
      %dma_wait3A_262 = arith.constant 0 : i32
      %dma_wait3A_263 = tpu.memref_slice %arg2[%dma_wait3A_261, %dma_wait3A_262] : memref<10000x128xf32, #tpu.memory_space<hbm>> -> memref<10000x128xf32, #tpu.memory_space<hbm>>
      tpu.wait_indirect_dma semaphore(%arg15 : memref<!tpu.dma_semaphore, #tpu.memory_space<semaphore_mem>>) src(%dma_wait3A_263 : memref<10000x128xf32, #tpu.memory_space<hbm>>) dst(%arg7 : memref<120x128xf32, #tpu.memory_space<vmem>>)
      %dma_start3A_264 = arith.constant 1 : i32
      %dma_start3A_265 = arith.constant 0 : i32
      %dma_start3A_266 = tpu.memref_slice %arg10[%dma_start3A_264, %dma_start3A_265] : memref<2x120xi32, #tpu.memory_space<vmem>> -> memref<1x120xi32, #tpu.memory_space<vmem>>
      %dma_start3A_267 = tpu.memref_squeeze %dma_start3A_266 : memref<1x120xi32, #tpu.memory_space<vmem>> -> memref<120xi32, #tpu.memory_space<vmem>>
      %dma_start3A_268 = arith.constant 0 : i32
      %dma_start3A_269 = arith.constant 0 : i32
      %dma_start3A_270 = tpu.memref_slice %arg12[%dma_start3A_268, %dma_start3A_269] : memref<10112x128xf32, #tpu.memory_space<vmem_shared>> -> memref<10112x128xf32, #tpu.memory_space<vmem_shared>>
      tpu.enqueue_indirect_dma source(%arg7 : memref<120x128xf32, #tpu.memory_space<vmem>>) target(%dma_start3A_270 : memref<10112x128xf32, #tpu.memory_space<vmem_shared>>) offsets(%dma_start3A_267 : memref<120xi32, #tpu.memory_space<vmem>>) semaphore(%arg18 : memref<!tpu.dma_semaphore, #tpu.memory_space<semaphore_mem>>) {add = true}
      %mul3A_271 = arith.constant 12 : i32
      %mul3A_272 = arith.muli %mul3A_271, %scan3A_163 : i32
      %add3A_273 = arith.constant 3 : i32
      %add3A_274 = arith.addi %mul3A_272, %add3A_273 : i32
      %ge3A_275 = arith.constant 2 : i32
      %ge3A_276 = arith.cmpi sge, %add3A_274, %ge3A_275 : i32
      %convert_element_type3A_277 = arith.extui %ge3A_276 : i1 to i32
      %cond3A_278 = arith.constant 0 : i32
      %cond3A_279 = arith.cmpi ne, %convert_element_type3A_277, %cond3A_278 : i32
      scf.if %cond3A_279 {
        %dma_wait3A_604 = arith.constant 1 : i32
        %dma_wait3A_605 = arith.constant 0 : i32
        %dma_wait3A_606 = tpu.memref_slice %arg9[%dma_wait3A_604, %dma_wait3A_605] : memref<2x120xi32, #tpu.memory_space<vmem>> -> memref<1x120xi32, #tpu.memory_space<vmem>>
        %dma_wait3A_607 = tpu.memref_squeeze %dma_wait3A_606 : memref<1x120xi32, #tpu.memory_space<vmem>> -> memref<120xi32, #tpu.memory_space<vmem>>
        %dma_wait3A_608 = arith.constant 0 : i32
        %dma_wait3A_609 = arith.constant 0 : i32
        %dma_wait3A_610 = tpu.memref_slice %arg12[%dma_wait3A_608, %dma_wait3A_609] : memref<10112x128xf32, #tpu.memory_space<vmem_shared>> -> memref<10112x128xf32, #tpu.memory_space<vmem_shared>>
        tpu.wait_indirect_dma semaphore(%arg17 : memref<!tpu.dma_semaphore, #tpu.memory_space<semaphore_mem>>) src(%arg6 : memref<120x128xf32, #tpu.memory_space<vmem>>) dst(%dma_wait3A_610 : memref<10112x128xf32, #tpu.memory_space<vmem_shared>>)
      } else {
      }
      %add3A_280 = arith.constant 2 : i32
      %add3A_281 = arith.addi %add3A_274, %add3A_280 : i32
      %lt3A_282 = arith.constant 84 : i32
      %lt3A_283 = arith.cmpi slt, %add3A_281, %lt3A_282 : i32
      %convert_element_type3A_284 = arith.extui %lt3A_283 : i1 to i32
      %cond3A_285 = arith.constant 0 : i32
      %cond3A_286 = arith.cmpi ne, %convert_element_type3A_284, %cond3A_285 : i32
      scf.if %cond3A_286 {
        %add3A_604 = arith.constant 2 : i32
        %add3A_605 = arith.addi %add3A_274, %add3A_604 : i32
        %dma_start3A_606 = arith.constant 0 : i32
        %dma_start3A_607 = arith.constant 0 : i32
        %dma_start3A_608 = arith.constant 0 : i32
        %dma_start3A_609 = tpu.memref_slice %arg3[%add3A, %dma_start3A_606, %dma_start3A_607, %dma_start3A_608] : memref<32x84x2x120xi32, #tpu.memory_space<hbm>> -> memref<1x84x2x120xi32, #tpu.memory_space<hbm>>
        %dma_start3A_610 = tpu.memref_squeeze %dma_start3A_609 : memref<1x84x2x120xi32, #tpu.memory_space<hbm>> -> memref<84x2x120xi32, #tpu.memory_space<hbm>>
        %dma_start3A_611 = arith.constant 0 : i32
        %dma_start3A_612 = arith.constant 0 : i32
        %dma_start3A_613 = tpu.memref_slice %dma_start3A_610[%add3A_605, %dma_start3A_611, %dma_start3A_612] : memref<84x2x120xi32, #tpu.memory_space<hbm>> -> memref<1x2x120xi32, #tpu.memory_space<hbm>>
        %dma_start3A_614 = tpu.memref_squeeze %dma_start3A_613 : memref<1x2x120xi32, #tpu.memory_space<hbm>> -> memref<2x120xi32, #tpu.memory_space<hbm>>
        %dma_start3A_615 = arith.constant 0 : i32
        %dma_start3A_616 = arith.constant 0 : i32
        %dma_start3A_617 = arith.constant 0 : i32
        %dma_start3A_618 = tpu.memref_slice %arg3[%add3A, %dma_start3A_615, %dma_start3A_616, %dma_start3A_617] : memref<32x84x2x120xi32, #tpu.memory_space<hbm>> -> memref<1x84x2x120xi32, #tpu.memory_space<hbm>>
        %dma_start3A_619 = tpu.memref_squeeze %dma_start3A_618 : memref<1x84x2x120xi32, #tpu.memory_space<hbm>> -> memref<84x2x120xi32, #tpu.memory_space<hbm>>
        %dma_start3A_620 = arith.constant 0 : i32
        %dma_start3A_621 = arith.constant 0 : i32
        %dma_start3A_622 = tpu.memref_slice %dma_start3A_619[%add3A_605, %dma_start3A_620, %dma_start3A_621] : memref<84x2x120xi32, #tpu.memory_space<hbm>> -> memref<1x2x120xi32, #tpu.memory_space<hbm>>
        %dma_start3A_623 = tpu.memref_squeeze %dma_start3A_622 : memref<1x2x120xi32, #tpu.memory_space<hbm>> -> memref<2x120xi32, #tpu.memory_space<hbm>>
        tpu.enqueue_dma source(%dma_start3A_623 : memref<2x120xi32, #tpu.memory_space<hbm>>) target(%arg9 : memref<2x120xi32, #tpu.memory_space<vmem>>) target_semaphore(%arg20 : memref<!tpu.dma_semaphore, #tpu.memory_space<semaphore_mem>>)
      } else {
      }
      %add3A_287 = arith.constant 1 : i32
      %add3A_288 = arith.addi %add3A_274, %add3A_287 : i32
      %lt3A_289 = arith.constant 84 : i32
      %lt3A_290 = arith.cmpi slt, %add3A_288, %lt3A_289 : i32
      %convert_element_type3A_291 = arith.extui %lt3A_290 : i1 to i32
      %cond3A_292 = arith.constant 0 : i32
      %cond3A_293 = arith.cmpi ne, %convert_element_type3A_291, %cond3A_292 : i32
      scf.if %cond3A_293 {
        %add3A_604 = arith.constant 1 : i32
        %add3A_605 = arith.addi %add3A_274, %add3A_604 : i32
        %dma_wait3A_606 = arith.constant 0 : i32
        %dma_wait3A_607 = arith.constant 0 : i32
        %dma_wait3A_608 = arith.constant 0 : i32
        %dma_wait3A_609 = tpu.memref_slice %arg3[%add3A, %dma_wait3A_606, %dma_wait3A_607, %dma_wait3A_608] : memref<32x84x2x120xi32, #tpu.memory_space<hbm>> -> memref<1x84x2x120xi32, #tpu.memory_space<hbm>>
        %dma_wait3A_610 = tpu.memref_squeeze %dma_wait3A_609 : memref<1x84x2x120xi32, #tpu.memory_space<hbm>> -> memref<84x2x120xi32, #tpu.memory_space<hbm>>
        %dma_wait3A_611 = arith.constant 0 : i32
        %dma_wait3A_612 = arith.constant 0 : i32
        %dma_wait3A_613 = tpu.memref_slice %dma_wait3A_610[%add3A_605, %dma_wait3A_611, %dma_wait3A_612] : memref<84x2x120xi32, #tpu.memory_space<hbm>> -> memref<1x2x120xi32, #tpu.memory_space<hbm>>
        %dma_wait3A_614 = tpu.memref_squeeze %dma_wait3A_613 : memref<1x2x120xi32, #tpu.memory_space<hbm>> -> memref<2x120xi32, #tpu.memory_space<hbm>>
        %dma_wait3A_615 = arith.constant 0 : i32
        %dma_wait3A_616 = arith.constant 0 : i32
        %dma_wait3A_617 = arith.constant 0 : i32
        %dma_wait3A_618 = tpu.memref_slice %arg3[%add3A, %dma_wait3A_615, %dma_wait3A_616, %dma_wait3A_617] : memref<32x84x2x120xi32, #tpu.memory_space<hbm>> -> memref<1x84x2x120xi32, #tpu.memory_space<hbm>>
        %dma_wait3A_619 = tpu.memref_squeeze %dma_wait3A_618 : memref<1x84x2x120xi32, #tpu.memory_space<hbm>> -> memref<84x2x120xi32, #tpu.memory_space<hbm>>
        %dma_wait3A_620 = arith.constant 0 : i32
        %dma_wait3A_621 = arith.constant 0 : i32
        %dma_wait3A_622 = tpu.memref_slice %dma_wait3A_619[%add3A_605, %dma_wait3A_620, %dma_wait3A_621] : memref<84x2x120xi32, #tpu.memory_space<hbm>> -> memref<1x2x120xi32, #tpu.memory_space<hbm>>
        %dma_wait3A_623 = tpu.memref_squeeze %dma_wait3A_622 : memref<1x2x120xi32, #tpu.memory_space<hbm>> -> memref<2x120xi32, #tpu.memory_space<hbm>>
        tpu.wait_dma2 semaphore(%arg19 : memref<!tpu.dma_semaphore, #tpu.memory_space<semaphore_mem>>) src(%dma_wait3A_623 : memref<2x120xi32, #tpu.memory_space<hbm>>) dst(%arg8 : memref<2x120xi32, #tpu.memory_space<vmem>>)
        %dma_start3A_624 = arith.constant 0 : i32
        %dma_start3A_625 = arith.constant 0 : i32
        %dma_start3A_626 = tpu.memref_slice %arg8[%dma_start3A_624, %dma_start3A_625] : memref<2x120xi32, #tpu.memory_space<vmem>> -> memref<1x120xi32, #tpu.memory_space<vmem>>
        %dma_start3A_627 = tpu.memref_squeeze %dma_start3A_626 : memref<1x120xi32, #tpu.memory_space<vmem>> -> memref<120xi32, #tpu.memory_space<vmem>>
        %dma_start3A_628 = arith.constant 0 : i32
        %dma_start3A_629 = arith.constant 0 : i32
        %dma_start3A_630 = tpu.memref_slice %arg2[%dma_start3A_628, %dma_start3A_629] : memref<10000x128xf32, #tpu.memory_space<hbm>> -> memref<10000x128xf32, #tpu.memory_space<hbm>>
        tpu.enqueue_indirect_dma source(%dma_start3A_630 : memref<10000x128xf32, #tpu.memory_space<hbm>>) target(%arg6 : memref<120x128xf32, #tpu.memory_space<vmem>>) offsets(%dma_start3A_627 : memref<120xi32, #tpu.memory_space<vmem>>) semaphore(%arg14 : memref<!tpu.dma_semaphore, #tpu.memory_space<semaphore_mem>>)
      } else {
      }
      %dma_wait3A_294 = arith.constant 0 : i32
      %dma_wait3A_295 = arith.constant 0 : i32
      %dma_wait3A_296 = tpu.memref_slice %arg11[%dma_wait3A_294, %dma_wait3A_295] : memref<2x120xi32, #tpu.memory_space<vmem>> -> memref<1x120xi32, #tpu.memory_space<vmem>>
      %dma_wait3A_297 = tpu.memref_squeeze %dma_wait3A_296 : memref<1x120xi32, #tpu.memory_space<vmem>> -> memref<120xi32, #tpu.memory_space<vmem>>
      %dma_wait3A_298 = arith.constant 0 : i32
      %dma_wait3A_299 = arith.constant 0 : i32
      %dma_wait3A_300 = tpu.memref_slice %arg2[%dma_wait3A_298, %dma_wait3A_299] : memref<10000x128xf32, #tpu.memory_space<hbm>> -> memref<10000x128xf32, #tpu.memory_space<hbm>>
      tpu.wait_indirect_dma semaphore(%arg13 : memref<!tpu.dma_semaphore, #tpu.memory_space<semaphore_mem>>) src(%dma_wait3A_300 : memref<10000x128xf32, #tpu.memory_space<hbm>>) dst(%arg5 : memref<120x128xf32, #tpu.memory_space<vmem>>)
      %dma_start3A_301 = arith.constant 1 : i32
      %dma_start3A_302 = arith.constant 0 : i32
      %dma_start3A_303 = tpu.memref_slice %arg11[%dma_start3A_301, %dma_start3A_302] : memref<2x120xi32, #tpu.memory_space<vmem>> -> memref<1x120xi32, #tpu.memory_space<vmem>>
      %dma_start3A_304 = tpu.memref_squeeze %dma_start3A_303 : memref<1x120xi32, #tpu.memory_space<vmem>> -> memref<120xi32, #tpu.memory_space<vmem>>
      %dma_start3A_305 = arith.constant 0 : i32
      %dma_start3A_306 = arith.constant 0 : i32
      %dma_start3A_307 = tpu.memref_slice %arg12[%dma_start3A_305, %dma_start3A_306] : memref<10112x128xf32, #tpu.memory_space<vmem_shared>> -> memref<10112x128xf32, #tpu.memory_space<vmem_shared>>
      tpu.enqueue_indirect_dma source(%arg5 : memref<120x128xf32, #tpu.memory_space<vmem>>) target(%dma_start3A_307 : memref<10112x128xf32, #tpu.memory_space<vmem_shared>>) offsets(%dma_start3A_304 : memref<120xi32, #tpu.memory_space<vmem>>) semaphore(%arg16 : memref<!tpu.dma_semaphore, #tpu.memory_space<semaphore_mem>>) {add = true}
      %mul3A_308 = arith.constant 12 : i32
      %mul3A_309 = arith.muli %mul3A_308, %scan3A_163 : i32
      %add3A_310 = arith.constant 4 : i32
      %add3A_311 = arith.addi %mul3A_309, %add3A_310 : i32
      %ge3A_312 = arith.constant 2 : i32
      %ge3A_313 = arith.cmpi sge, %add3A_311, %ge3A_312 : i32
      %convert_element_type3A_314 = arith.extui %ge3A_313 : i1 to i32
      %cond3A_315 = arith.constant 0 : i32
      %cond3A_316 = arith.cmpi ne, %convert_element_type3A_314, %cond3A_315 : i32
      scf.if %cond3A_316 {
        %dma_wait3A_604 = arith.constant 1 : i32
        %dma_wait3A_605 = arith.constant 0 : i32
        %dma_wait3A_606 = tpu.memref_slice %arg10[%dma_wait3A_604, %dma_wait3A_605] : memref<2x120xi32, #tpu.memory_space<vmem>> -> memref<1x120xi32, #tpu.memory_space<vmem>>
        %dma_wait3A_607 = tpu.memref_squeeze %dma_wait3A_606 : memref<1x120xi32, #tpu.memory_space<vmem>> -> memref<120xi32, #tpu.memory_space<vmem>>
        %dma_wait3A_608 = arith.constant 0 : i32
        %dma_wait3A_609 = arith.constant 0 : i32
        %dma_wait3A_610 = tpu.memref_slice %arg12[%dma_wait3A_608, %dma_wait3A_609] : memref<10112x128xf32, #tpu.memory_space<vmem_shared>> -> memref<10112x128xf32, #tpu.memory_space<vmem_shared>>
        tpu.wait_indirect_dma semaphore(%arg18 : memref<!tpu.dma_semaphore, #tpu.memory_space<semaphore_mem>>) src(%arg7 : memref<120x128xf32, #tpu.memory_space<vmem>>) dst(%dma_wait3A_610 : memref<10112x128xf32, #tpu.memory_space<vmem_shared>>)
      } else {
      }
      %add3A_317 = arith.constant 2 : i32
      %add3A_318 = arith.addi %add3A_311, %add3A_317 : i32
      %lt3A_319 = arith.constant 84 : i32
      %lt3A_320 = arith.cmpi slt, %add3A_318, %lt3A_319 : i32
      %convert_element_type3A_321 = arith.extui %lt3A_320 : i1 to i32
      %cond3A_322 = arith.constant 0 : i32
      %cond3A_323 = arith.cmpi ne, %convert_element_type3A_321, %cond3A_322 : i32
      scf.if %cond3A_323 {
        %add3A_604 = arith.constant 2 : i32
        %add3A_605 = arith.addi %add3A_311, %add3A_604 : i32
        %dma_start3A_606 = arith.constant 0 : i32
        %dma_start3A_607 = arith.constant 0 : i32
        %dma_start3A_608 = arith.constant 0 : i32
        %dma_start3A_609 = tpu.memref_slice %arg3[%add3A, %dma_start3A_606, %dma_start3A_607, %dma_start3A_608] : memref<32x84x2x120xi32, #tpu.memory_space<hbm>> -> memref<1x84x2x120xi32, #tpu.memory_space<hbm>>
        %dma_start3A_610 = tpu.memref_squeeze %dma_start3A_609 : memref<1x84x2x120xi32, #tpu.memory_space<hbm>> -> memref<84x2x120xi32, #tpu.memory_space<hbm>>
        %dma_start3A_611 = arith.constant 0 : i32
        %dma_start3A_612 = arith.constant 0 : i32
        %dma_start3A_613 = tpu.memref_slice %dma_start3A_610[%add3A_605, %dma_start3A_611, %dma_start3A_612] : memref<84x2x120xi32, #tpu.memory_space<hbm>> -> memref<1x2x120xi32, #tpu.memory_space<hbm>>
        %dma_start3A_614 = tpu.memref_squeeze %dma_start3A_613 : memref<1x2x120xi32, #tpu.memory_space<hbm>> -> memref<2x120xi32, #tpu.memory_space<hbm>>
        %dma_start3A_615 = arith.constant 0 : i32
        %dma_start3A_616 = arith.constant 0 : i32
        %dma_start3A_617 = arith.constant 0 : i32
        %dma_start3A_618 = tpu.memref_slice %arg3[%add3A, %dma_start3A_615, %dma_start3A_616, %dma_start3A_617] : memref<32x84x2x120xi32, #tpu.memory_space<hbm>> -> memref<1x84x2x120xi32, #tpu.memory_space<hbm>>
        %dma_start3A_619 = tpu.memref_squeeze %dma_start3A_618 : memref<1x84x2x120xi32, #tpu.memory_space<hbm>> -> memref<84x2x120xi32, #tpu.memory_space<hbm>>
        %dma_start3A_620 = arith.constant 0 : i32
        %dma_start3A_621 = arith.constant 0 : i32
        %dma_start3A_622 = tpu.memref_slice %dma_start3A_619[%add3A_605, %dma_start3A_620, %dma_start3A_621] : memref<84x2x120xi32, #tpu.memory_space<hbm>> -> memref<1x2x120xi32, #tpu.memory_space<hbm>>
        %dma_start3A_623 = tpu.memref_squeeze %dma_start3A_622 : memref<1x2x120xi32, #tpu.memory_space<hbm>> -> memref<2x120xi32, #tpu.memory_space<hbm>>
        tpu.enqueue_dma source(%dma_start3A_623 : memref<2x120xi32, #tpu.memory_space<hbm>>) target(%arg10 : memref<2x120xi32, #tpu.memory_space<vmem>>) target_semaphore(%arg21 : memref<!tpu.dma_semaphore, #tpu.memory_space<semaphore_mem>>)
      } else {
      }
      %add3A_324 = arith.constant 1 : i32
      %add3A_325 = arith.addi %add3A_311, %add3A_324 : i32
      %lt3A_326 = arith.constant 84 : i32
      %lt3A_327 = arith.cmpi slt, %add3A_325, %lt3A_326 : i32
      %convert_element_type3A_328 = arith.extui %lt3A_327 : i1 to i32
      %cond3A_329 = arith.constant 0 : i32
      %cond3A_330 = arith.cmpi ne, %convert_element_type3A_328, %cond3A_329 : i32
      scf.if %cond3A_330 {
        %add3A_604 = arith.constant 1 : i32
        %add3A_605 = arith.addi %add3A_311, %add3A_604 : i32
        %dma_wait3A_606 = arith.constant 0 : i32
        %dma_wait3A_607 = arith.constant 0 : i32
        %dma_wait3A_608 = arith.constant 0 : i32
        %dma_wait3A_609 = tpu.memref_slice %arg3[%add3A, %dma_wait3A_606, %dma_wait3A_607, %dma_wait3A_608] : memref<32x84x2x120xi32, #tpu.memory_space<hbm>> -> memref<1x84x2x120xi32, #tpu.memory_space<hbm>>
        %dma_wait3A_610 = tpu.memref_squeeze %dma_wait3A_609 : memref<1x84x2x120xi32, #tpu.memory_space<hbm>> -> memref<84x2x120xi32, #tpu.memory_space<hbm>>
        %dma_wait3A_611 = arith.constant 0 : i32
        %dma_wait3A_612 = arith.constant 0 : i32
        %dma_wait3A_613 = tpu.memref_slice %dma_wait3A_610[%add3A_605, %dma_wait3A_611, %dma_wait3A_612] : memref<84x2x120xi32, #tpu.memory_space<hbm>> -> memref<1x2x120xi32, #tpu.memory_space<hbm>>
        %dma_wait3A_614 = tpu.memref_squeeze %dma_wait3A_613 : memref<1x2x120xi32, #tpu.memory_space<hbm>> -> memref<2x120xi32, #tpu.memory_space<hbm>>
        %dma_wait3A_615 = arith.constant 0 : i32
        %dma_wait3A_616 = arith.constant 0 : i32
        %dma_wait3A_617 = arith.constant 0 : i32
        %dma_wait3A_618 = tpu.memref_slice %arg3[%add3A, %dma_wait3A_615, %dma_wait3A_616, %dma_wait3A_617] : memref<32x84x2x120xi32, #tpu.memory_space<hbm>> -> memref<1x84x2x120xi32, #tpu.memory_space<hbm>>
        %dma_wait3A_619 = tpu.memref_squeeze %dma_wait3A_618 : memref<1x84x2x120xi32, #tpu.memory_space<hbm>> -> memref<84x2x120xi32, #tpu.memory_space<hbm>>
        %dma_wait3A_620 = arith.constant 0 : i32
        %dma_wait3A_621 = arith.constant 0 : i32
        %dma_wait3A_622 = tpu.memref_slice %dma_wait3A_619[%add3A_605, %dma_wait3A_620, %dma_wait3A_621] : memref<84x2x120xi32, #tpu.memory_space<hbm>> -> memref<1x2x120xi32, #tpu.memory_space<hbm>>
        %dma_wait3A_623 = tpu.memref_squeeze %dma_wait3A_622 : memref<1x2x120xi32, #tpu.memory_space<hbm>> -> memref<2x120xi32, #tpu.memory_space<hbm>>
        tpu.wait_dma2 semaphore(%arg20 : memref<!tpu.dma_semaphore, #tpu.memory_space<semaphore_mem>>) src(%dma_wait3A_623 : memref<2x120xi32, #tpu.memory_space<hbm>>) dst(%arg9 : memref<2x120xi32, #tpu.memory_space<vmem>>)
        %dma_start3A_624 = arith.constant 0 : i32
        %dma_start3A_625 = arith.constant 0 : i32
        %dma_start3A_626 = tpu.memref_slice %arg9[%dma_start3A_624, %dma_start3A_625] : memref<2x120xi32, #tpu.memory_space<vmem>> -> memref<1x120xi32, #tpu.memory_space<vmem>>
        %dma_start3A_627 = tpu.memref_squeeze %dma_start3A_626 : memref<1x120xi32, #tpu.memory_space<vmem>> -> memref<120xi32, #tpu.memory_space<vmem>>
        %dma_start3A_628 = arith.constant 0 : i32
        %dma_start3A_629 = arith.constant 0 : i32
        %dma_start3A_630 = tpu.memref_slice %arg2[%dma_start3A_628, %dma_start3A_629] : memref<10000x128xf32, #tpu.memory_space<hbm>> -> memref<10000x128xf32, #tpu.memory_space<hbm>>
        tpu.enqueue_indirect_dma source(%dma_start3A_630 : memref<10000x128xf32, #tpu.memory_space<hbm>>) target(%arg7 : memref<120x128xf32, #tpu.memory_space<vmem>>) offsets(%dma_start3A_627 : memref<120xi32, #tpu.memory_space<vmem>>) semaphore(%arg15 : memref<!tpu.dma_semaphore, #tpu.memory_space<semaphore_mem>>)
      } else {
      }
      %dma_wait3A_331 = arith.constant 0 : i32
      %dma_wait3A_332 = arith.constant 0 : i32
      %dma_wait3A_333 = tpu.memref_slice %arg8[%dma_wait3A_331, %dma_wait3A_332] : memref<2x120xi32, #tpu.memory_space<vmem>> -> memref<1x120xi32, #tpu.memory_space<vmem>>
      %dma_wait3A_334 = tpu.memref_squeeze %dma_wait3A_333 : memref<1x120xi32, #tpu.memory_space<vmem>> -> memref<120xi32, #tpu.memory_space<vmem>>
      %dma_wait3A_335 = arith.constant 0 : i32
      %dma_wait3A_336 = arith.constant 0 : i32
      %dma_wait3A_337 = tpu.memref_slice %arg2[%dma_wait3A_335, %dma_wait3A_336] : memref<10000x128xf32, #tpu.memory_space<hbm>> -> memref<10000x128xf32, #tpu.memory_space<hbm>>
      tpu.wait_indirect_dma semaphore(%arg14 : memref<!tpu.dma_semaphore, #tpu.memory_space<semaphore_mem>>) src(%dma_wait3A_337 : memref<10000x128xf32, #tpu.memory_space<hbm>>) dst(%arg6 : memref<120x128xf32, #tpu.memory_space<vmem>>)
      %dma_start3A_338 = arith.constant 1 : i32
      %dma_start3A_339 = arith.constant 0 : i32
      %dma_start3A_340 = tpu.memref_slice %arg8[%dma_start3A_338, %dma_start3A_339] : memref<2x120xi32, #tpu.memory_space<vmem>> -> memref<1x120xi32, #tpu.memory_space<vmem>>
      %dma_start3A_341 = tpu.memref_squeeze %dma_start3A_340 : memref<1x120xi32, #tpu.memory_space<vmem>> -> memref<120xi32, #tpu.memory_space<vmem>>
      %dma_start3A_342 = arith.constant 0 : i32
      %dma_start3A_343 = arith.constant 0 : i32
      %dma_start3A_344 = tpu.memref_slice %arg12[%dma_start3A_342, %dma_start3A_343] : memref<10112x128xf32, #tpu.memory_space<vmem_shared>> -> memref<10112x128xf32, #tpu.memory_space<vmem_shared>>
      tpu.enqueue_indirect_dma source(%arg6 : memref<120x128xf32, #tpu.memory_space<vmem>>) target(%dma_start3A_344 : memref<10112x128xf32, #tpu.memory_space<vmem_shared>>) offsets(%dma_start3A_341 : memref<120xi32, #tpu.memory_space<vmem>>) semaphore(%arg17 : memref<!tpu.dma_semaphore, #tpu.memory_space<semaphore_mem>>) {add = true}
      %mul3A_345 = arith.constant 12 : i32
      %mul3A_346 = arith.muli %mul3A_345, %scan3A_163 : i32
      %add3A_347 = arith.constant 5 : i32
      %add3A_348 = arith.addi %mul3A_346, %add3A_347 : i32
      %ge3A_349 = arith.constant 2 : i32
      %ge3A_350 = arith.cmpi sge, %add3A_348, %ge3A_349 : i32
      %convert_element_type3A_351 = arith.extui %ge3A_350 : i1 to i32
      %cond3A_352 = arith.constant 0 : i32
      %cond3A_353 = arith.cmpi ne, %convert_element_type3A_351, %cond3A_352 : i32
      scf.if %cond3A_353 {
        %dma_wait3A_604 = arith.constant 1 : i32
        %dma_wait3A_605 = arith.constant 0 : i32
        %dma_wait3A_606 = tpu.memref_slice %arg11[%dma_wait3A_604, %dma_wait3A_605] : memref<2x120xi32, #tpu.memory_space<vmem>> -> memref<1x120xi32, #tpu.memory_space<vmem>>
        %dma_wait3A_607 = tpu.memref_squeeze %dma_wait3A_606 : memref<1x120xi32, #tpu.memory_space<vmem>> -> memref<120xi32, #tpu.memory_space<vmem>>
        %dma_wait3A_608 = arith.constant 0 : i32
        %dma_wait3A_609 = arith.constant 0 : i32
        %dma_wait3A_610 = tpu.memref_slice %arg12[%dma_wait3A_608, %dma_wait3A_609] : memref<10112x128xf32, #tpu.memory_space<vmem_shared>> -> memref<10112x128xf32, #tpu.memory_space<vmem_shared>>
        tpu.wait_indirect_dma semaphore(%arg16 : memref<!tpu.dma_semaphore, #tpu.memory_space<semaphore_mem>>) src(%arg5 : memref<120x128xf32, #tpu.memory_space<vmem>>) dst(%dma_wait3A_610 : memref<10112x128xf32, #tpu.memory_space<vmem_shared>>)
      } else {
      }
      %add3A_354 = arith.constant 2 : i32
      %add3A_355 = arith.addi %add3A_348, %add3A_354 : i32
      %lt3A_356 = arith.constant 84 : i32
      %lt3A_357 = arith.cmpi slt, %add3A_355, %lt3A_356 : i32
      %convert_element_type3A_358 = arith.extui %lt3A_357 : i1 to i32
      %cond3A_359 = arith.constant 0 : i32
      %cond3A_360 = arith.cmpi ne, %convert_element_type3A_358, %cond3A_359 : i32
      scf.if %cond3A_360 {
        %add3A_604 = arith.constant 2 : i32
        %add3A_605 = arith.addi %add3A_348, %add3A_604 : i32
        %dma_start3A_606 = arith.constant 0 : i32
        %dma_start3A_607 = arith.constant 0 : i32
        %dma_start3A_608 = arith.constant 0 : i32
        %dma_start3A_609 = tpu.memref_slice %arg3[%add3A, %dma_start3A_606, %dma_start3A_607, %dma_start3A_608] : memref<32x84x2x120xi32, #tpu.memory_space<hbm>> -> memref<1x84x2x120xi32, #tpu.memory_space<hbm>>
        %dma_start3A_610 = tpu.memref_squeeze %dma_start3A_609 : memref<1x84x2x120xi32, #tpu.memory_space<hbm>> -> memref<84x2x120xi32, #tpu.memory_space<hbm>>
        %dma_start3A_611 = arith.constant 0 : i32
        %dma_start3A_612 = arith.constant 0 : i32
        %dma_start3A_613 = tpu.memref_slice %dma_start3A_610[%add3A_605, %dma_start3A_611, %dma_start3A_612] : memref<84x2x120xi32, #tpu.memory_space<hbm>> -> memref<1x2x120xi32, #tpu.memory_space<hbm>>
        %dma_start3A_614 = tpu.memref_squeeze %dma_start3A_613 : memref<1x2x120xi32, #tpu.memory_space<hbm>> -> memref<2x120xi32, #tpu.memory_space<hbm>>
        %dma_start3A_615 = arith.constant 0 : i32
        %dma_start3A_616 = arith.constant 0 : i32
        %dma_start3A_617 = arith.constant 0 : i32
        %dma_start3A_618 = tpu.memref_slice %arg3[%add3A, %dma_start3A_615, %dma_start3A_616, %dma_start3A_617] : memref<32x84x2x120xi32, #tpu.memory_space<hbm>> -> memref<1x84x2x120xi32, #tpu.memory_space<hbm>>
        %dma_start3A_619 = tpu.memref_squeeze %dma_start3A_618 : memref<1x84x2x120xi32, #tpu.memory_space<hbm>> -> memref<84x2x120xi32, #tpu.memory_space<hbm>>
        %dma_start3A_620 = arith.constant 0 : i32
        %dma_start3A_621 = arith.constant 0 : i32
        %dma_start3A_622 = tpu.memref_slice %dma_start3A_619[%add3A_605, %dma_start3A_620, %dma_start3A_621] : memref<84x2x120xi32, #tpu.memory_space<hbm>> -> memref<1x2x120xi32, #tpu.memory_space<hbm>>
        %dma_start3A_623 = tpu.memref_squeeze %dma_start3A_622 : memref<1x2x120xi32, #tpu.memory_space<hbm>> -> memref<2x120xi32, #tpu.memory_space<hbm>>
        tpu.enqueue_dma source(%dma_start3A_623 : memref<2x120xi32, #tpu.memory_space<hbm>>) target(%arg11 : memref<2x120xi32, #tpu.memory_space<vmem>>) target_semaphore(%arg22 : memref<!tpu.dma_semaphore, #tpu.memory_space<semaphore_mem>>)
      } else {
      }
      %add3A_361 = arith.constant 1 : i32
      %add3A_362 = arith.addi %add3A_348, %add3A_361 : i32
      %lt3A_363 = arith.constant 84 : i32
      %lt3A_364 = arith.cmpi slt, %add3A_362, %lt3A_363 : i32
      %convert_element_type3A_365 = arith.extui %lt3A_364 : i1 to i32
      %cond3A_366 = arith.constant 0 : i32
      %cond3A_367 = arith.cmpi ne, %convert_element_type3A_365, %cond3A_366 : i32
      scf.if %cond3A_367 {
        %add3A_604 = arith.constant 1 : i32
        %add3A_605 = arith.addi %add3A_348, %add3A_604 : i32
        %dma_wait3A_606 = arith.constant 0 : i32
        %dma_wait3A_607 = arith.constant 0 : i32
        %dma_wait3A_608 = arith.constant 0 : i32
        %dma_wait3A_609 = tpu.memref_slice %arg3[%add3A, %dma_wait3A_606, %dma_wait3A_607, %dma_wait3A_608] : memref<32x84x2x120xi32, #tpu.memory_space<hbm>> -> memref<1x84x2x120xi32, #tpu.memory_space<hbm>>
        %dma_wait3A_610 = tpu.memref_squeeze %dma_wait3A_609 : memref<1x84x2x120xi32, #tpu.memory_space<hbm>> -> memref<84x2x120xi32, #tpu.memory_space<hbm>>
        %dma_wait3A_611 = arith.constant 0 : i32
        %dma_wait3A_612 = arith.constant 0 : i32
        %dma_wait3A_613 = tpu.memref_slice %dma_wait3A_610[%add3A_605, %dma_wait3A_611, %dma_wait3A_612] : memref<84x2x120xi32, #tpu.memory_space<hbm>> -> memref<1x2x120xi32, #tpu.memory_space<hbm>>
        %dma_wait3A_614 = tpu.memref_squeeze %dma_wait3A_613 : memref<1x2x120xi32, #tpu.memory_space<hbm>> -> memref<2x120xi32, #tpu.memory_space<hbm>>
        %dma_wait3A_615 = arith.constant 0 : i32
        %dma_wait3A_616 = arith.constant 0 : i32
        %dma_wait3A_617 = arith.constant 0 : i32
        %dma_wait3A_618 = tpu.memref_slice %arg3[%add3A, %dma_wait3A_615, %dma_wait3A_616, %dma_wait3A_617] : memref<32x84x2x120xi32, #tpu.memory_space<hbm>> -> memref<1x84x2x120xi32, #tpu.memory_space<hbm>>
        %dma_wait3A_619 = tpu.memref_squeeze %dma_wait3A_618 : memref<1x84x2x120xi32, #tpu.memory_space<hbm>> -> memref<84x2x120xi32, #tpu.memory_space<hbm>>
        %dma_wait3A_620 = arith.constant 0 : i32
        %dma_wait3A_621 = arith.constant 0 : i32
        %dma_wait3A_622 = tpu.memref_slice %dma_wait3A_619[%add3A_605, %dma_wait3A_620, %dma_wait3A_621] : memref<84x2x120xi32, #tpu.memory_space<hbm>> -> memref<1x2x120xi32, #tpu.memory_space<hbm>>
        %dma_wait3A_623 = tpu.memref_squeeze %dma_wait3A_622 : memref<1x2x120xi32, #tpu.memory_space<hbm>> -> memref<2x120xi32, #tpu.memory_space<hbm>>
        tpu.wait_dma2 semaphore(%arg21 : memref<!tpu.dma_semaphore, #tpu.memory_space<semaphore_mem>>) src(%dma_wait3A_623 : memref<2x120xi32, #tpu.memory_space<hbm>>) dst(%arg10 : memref<2x120xi32, #tpu.memory_space<vmem>>)
        %dma_start3A_624 = arith.constant 0 : i32
        %dma_start3A_625 = arith.constant 0 : i32
        %dma_start3A_626 = tpu.memref_slice %arg10[%dma_start3A_624, %dma_start3A_625] : memref<2x120xi32, #tpu.memory_space<vmem>> -> memref<1x120xi32, #tpu.memory_space<vmem>>
        %dma_start3A_627 = tpu.memref_squeeze %dma_start3A_626 : memref<1x120xi32, #tpu.memory_space<vmem>> -> memref<120xi32, #tpu.memory_space<vmem>>
        %dma_start3A_628 = arith.constant 0 : i32
        %dma_start3A_629 = arith.constant 0 : i32
        %dma_start3A_630 = tpu.memref_slice %arg2[%dma_start3A_628, %dma_start3A_629] : memref<10000x128xf32, #tpu.memory_space<hbm>> -> memref<10000x128xf32, #tpu.memory_space<hbm>>
        tpu.enqueue_indirect_dma source(%dma_start3A_630 : memref<10000x128xf32, #tpu.memory_space<hbm>>) target(%arg5 : memref<120x128xf32, #tpu.memory_space<vmem>>) offsets(%dma_start3A_627 : memref<120xi32, #tpu.memory_space<vmem>>) semaphore(%arg13 : memref<!tpu.dma_semaphore, #tpu.memory_space<semaphore_mem>>)
      } else {
      }
      %dma_wait3A_368 = arith.constant 0 : i32
      %dma_wait3A_369 = arith.constant 0 : i32
      %dma_wait3A_370 = tpu.memref_slice %arg9[%dma_wait3A_368, %dma_wait3A_369] : memref<2x120xi32, #tpu.memory_space<vmem>> -> memref<1x120xi32, #tpu.memory_space<vmem>>
      %dma_wait3A_371 = tpu.memref_squeeze %dma_wait3A_370 : memref<1x120xi32, #tpu.memory_space<vmem>> -> memref<120xi32, #tpu.memory_space<vmem>>
      %dma_wait3A_372 = arith.constant 0 : i32
      %dma_wait3A_373 = arith.constant 0 : i32
      %dma_wait3A_374 = tpu.memref_slice %arg2[%dma_wait3A_372, %dma_wait3A_373] : memref<10000x128xf32, #tpu.memory_space<hbm>> -> memref<10000x128xf32, #tpu.memory_space<hbm>>
      tpu.wait_indirect_dma semaphore(%arg15 : memref<!tpu.dma_semaphore, #tpu.memory_space<semaphore_mem>>) src(%dma_wait3A_374 : memref<10000x128xf32, #tpu.memory_space<hbm>>) dst(%arg7 : memref<120x128xf32, #tpu.memory_space<vmem>>)
      %dma_start3A_375 = arith.constant 1 : i32
      %dma_start3A_376 = arith.constant 0 : i32
      %dma_start3A_377 = tpu.memref_slice %arg9[%dma_start3A_375, %dma_start3A_376] : memref<2x120xi32, #tpu.memory_space<vmem>> -> memref<1x120xi32, #tpu.memory_space<vmem>>
      %dma_start3A_378 = tpu.memref_squeeze %dma_start3A_377 : memref<1x120xi32, #tpu.memory_space<vmem>> -> memref<120xi32, #tpu.memory_space<vmem>>
      %dma_start3A_379 = arith.constant 0 : i32
      %dma_start3A_380 = arith.constant 0 : i32
      %dma_start3A_381 = tpu.memref_slice %arg12[%dma_start3A_379, %dma_start3A_380] : memref<10112x128xf32, #tpu.memory_space<vmem_shared>> -> memref<10112x128xf32, #tpu.memory_space<vmem_shared>>
      tpu.enqueue_indirect_dma source(%arg7 : memref<120x128xf32, #tpu.memory_space<vmem>>) target(%dma_start3A_381 : memref<10112x128xf32, #tpu.memory_space<vmem_shared>>) offsets(%dma_start3A_378 : memref<120xi32, #tpu.memory_space<vmem>>) semaphore(%arg18 : memref<!tpu.dma_semaphore, #tpu.memory_space<semaphore_mem>>) {add = true}
      %mul3A_382 = arith.constant 12 : i32
      %mul3A_383 = arith.muli %mul3A_382, %scan3A_163 : i32
      %add3A_384 = arith.constant 6 : i32
      %add3A_385 = arith.addi %mul3A_383, %add3A_384 : i32
      %ge3A_386 = arith.constant 2 : i32
      %ge3A_387 = arith.cmpi sge, %add3A_385, %ge3A_386 : i32
      %convert_element_type3A_388 = arith.extui %ge3A_387 : i1 to i32
      %cond3A_389 = arith.constant 0 : i32
      %cond3A_390 = arith.cmpi ne, %convert_element_type3A_388, %cond3A_389 : i32
      scf.if %cond3A_390 {
        %dma_wait3A_604 = arith.constant 1 : i32
        %dma_wait3A_605 = arith.constant 0 : i32
        %dma_wait3A_606 = tpu.memref_slice %arg8[%dma_wait3A_604, %dma_wait3A_605] : memref<2x120xi32, #tpu.memory_space<vmem>> -> memref<1x120xi32, #tpu.memory_space<vmem>>
        %dma_wait3A_607 = tpu.memref_squeeze %dma_wait3A_606 : memref<1x120xi32, #tpu.memory_space<vmem>> -> memref<120xi32, #tpu.memory_space<vmem>>
        %dma_wait3A_608 = arith.constant 0 : i32
        %dma_wait3A_609 = arith.constant 0 : i32
        %dma_wait3A_610 = tpu.memref_slice %arg12[%dma_wait3A_608, %dma_wait3A_609] : memref<10112x128xf32, #tpu.memory_space<vmem_shared>> -> memref<10112x128xf32, #tpu.memory_space<vmem_shared>>
        tpu.wait_indirect_dma semaphore(%arg17 : memref<!tpu.dma_semaphore, #tpu.memory_space<semaphore_mem>>) src(%arg6 : memref<120x128xf32, #tpu.memory_space<vmem>>) dst(%dma_wait3A_610 : memref<10112x128xf32, #tpu.memory_space<vmem_shared>>)
      } else {
      }
      %add3A_391 = arith.constant 2 : i32
      %add3A_392 = arith.addi %add3A_385, %add3A_391 : i32
      %lt3A_393 = arith.constant 84 : i32
      %lt3A_394 = arith.cmpi slt, %add3A_392, %lt3A_393 : i32
      %convert_element_type3A_395 = arith.extui %lt3A_394 : i1 to i32
      %cond3A_396 = arith.constant 0 : i32
      %cond3A_397 = arith.cmpi ne, %convert_element_type3A_395, %cond3A_396 : i32
      scf.if %cond3A_397 {
        %add3A_604 = arith.constant 2 : i32
        %add3A_605 = arith.addi %add3A_385, %add3A_604 : i32
        %dma_start3A_606 = arith.constant 0 : i32
        %dma_start3A_607 = arith.constant 0 : i32
        %dma_start3A_608 = arith.constant 0 : i32
        %dma_start3A_609 = tpu.memref_slice %arg3[%add3A, %dma_start3A_606, %dma_start3A_607, %dma_start3A_608] : memref<32x84x2x120xi32, #tpu.memory_space<hbm>> -> memref<1x84x2x120xi32, #tpu.memory_space<hbm>>
        %dma_start3A_610 = tpu.memref_squeeze %dma_start3A_609 : memref<1x84x2x120xi32, #tpu.memory_space<hbm>> -> memref<84x2x120xi32, #tpu.memory_space<hbm>>
        %dma_start3A_611 = arith.constant 0 : i32
        %dma_start3A_612 = arith.constant 0 : i32
        %dma_start3A_613 = tpu.memref_slice %dma_start3A_610[%add3A_605, %dma_start3A_611, %dma_start3A_612] : memref<84x2x120xi32, #tpu.memory_space<hbm>> -> memref<1x2x120xi32, #tpu.memory_space<hbm>>
        %dma_start3A_614 = tpu.memref_squeeze %dma_start3A_613 : memref<1x2x120xi32, #tpu.memory_space<hbm>> -> memref<2x120xi32, #tpu.memory_space<hbm>>
        %dma_start3A_615 = arith.constant 0 : i32
        %dma_start3A_616 = arith.constant 0 : i32
        %dma_start3A_617 = arith.constant 0 : i32
        %dma_start3A_618 = tpu.memref_slice %arg3[%add3A, %dma_start3A_615, %dma_start3A_616, %dma_start3A_617] : memref<32x84x2x120xi32, #tpu.memory_space<hbm>> -> memref<1x84x2x120xi32, #tpu.memory_space<hbm>>
        %dma_start3A_619 = tpu.memref_squeeze %dma_start3A_618 : memref<1x84x2x120xi32, #tpu.memory_space<hbm>> -> memref<84x2x120xi32, #tpu.memory_space<hbm>>
        %dma_start3A_620 = arith.constant 0 : i32
        %dma_start3A_621 = arith.constant 0 : i32
        %dma_start3A_622 = tpu.memref_slice %dma_start3A_619[%add3A_605, %dma_start3A_620, %dma_start3A_621] : memref<84x2x120xi32, #tpu.memory_space<hbm>> -> memref<1x2x120xi32, #tpu.memory_space<hbm>>
        %dma_start3A_623 = tpu.memref_squeeze %dma_start3A_622 : memref<1x2x120xi32, #tpu.memory_space<hbm>> -> memref<2x120xi32, #tpu.memory_space<hbm>>
        tpu.enqueue_dma source(%dma_start3A_623 : memref<2x120xi32, #tpu.memory_space<hbm>>) target(%arg8 : memref<2x120xi32, #tpu.memory_space<vmem>>) target_semaphore(%arg19 : memref<!tpu.dma_semaphore, #tpu.memory_space<semaphore_mem>>)
      } else {
      }
      %add3A_398 = arith.constant 1 : i32
      %add3A_399 = arith.addi %add3A_385, %add3A_398 : i32
      %lt3A_400 = arith.constant 84 : i32
      %lt3A_401 = arith.cmpi slt, %add3A_399, %lt3A_400 : i32
      %convert_element_type3A_402 = arith.extui %lt3A_401 : i1 to i32
      %cond3A_403 = arith.constant 0 : i32
      %cond3A_404 = arith.cmpi ne, %convert_element_type3A_402, %cond3A_403 : i32
      scf.if %cond3A_404 {
        %add3A_604 = arith.constant 1 : i32
        %add3A_605 = arith.addi %add3A_385, %add3A_604 : i32
        %dma_wait3A_606 = arith.constant 0 : i32
        %dma_wait3A_607 = arith.constant 0 : i32
        %dma_wait3A_608 = arith.constant 0 : i32
        %dma_wait3A_609 = tpu.memref_slice %arg3[%add3A, %dma_wait3A_606, %dma_wait3A_607, %dma_wait3A_608] : memref<32x84x2x120xi32, #tpu.memory_space<hbm>> -> memref<1x84x2x120xi32, #tpu.memory_space<hbm>>
        %dma_wait3A_610 = tpu.memref_squeeze %dma_wait3A_609 : memref<1x84x2x120xi32, #tpu.memory_space<hbm>> -> memref<84x2x120xi32, #tpu.memory_space<hbm>>
        %dma_wait3A_611 = arith.constant 0 : i32
        %dma_wait3A_612 = arith.constant 0 : i32
        %dma_wait3A_613 = tpu.memref_slice %dma_wait3A_610[%add3A_605, %dma_wait3A_611, %dma_wait3A_612] : memref<84x2x120xi32, #tpu.memory_space<hbm>> -> memref<1x2x120xi32, #tpu.memory_space<hbm>>
        %dma_wait3A_614 = tpu.memref_squeeze %dma_wait3A_613 : memref<1x2x120xi32, #tpu.memory_space<hbm>> -> memref<2x120xi32, #tpu.memory_space<hbm>>
        %dma_wait3A_615 = arith.constant 0 : i32
        %dma_wait3A_616 = arith.constant 0 : i32
        %dma_wait3A_617 = arith.constant 0 : i32
        %dma_wait3A_618 = tpu.memref_slice %arg3[%add3A, %dma_wait3A_615, %dma_wait3A_616, %dma_wait3A_617] : memref<32x84x2x120xi32, #tpu.memory_space<hbm>> -> memref<1x84x2x120xi32, #tpu.memory_space<hbm>>
        %dma_wait3A_619 = tpu.memref_squeeze %dma_wait3A_618 : memref<1x84x2x120xi32, #tpu.memory_space<hbm>> -> memref<84x2x120xi32, #tpu.memory_space<hbm>>
        %dma_wait3A_620 = arith.constant 0 : i32
        %dma_wait3A_621 = arith.constant 0 : i32
        %dma_wait3A_622 = tpu.memref_slice %dma_wait3A_619[%add3A_605, %dma_wait3A_620, %dma_wait3A_621] : memref<84x2x120xi32, #tpu.memory_space<hbm>> -> memref<1x2x120xi32, #tpu.memory_space<hbm>>
        %dma_wait3A_623 = tpu.memref_squeeze %dma_wait3A_622 : memref<1x2x120xi32, #tpu.memory_space<hbm>> -> memref<2x120xi32, #tpu.memory_space<hbm>>
        tpu.wait_dma2 semaphore(%arg22 : memref<!tpu.dma_semaphore, #tpu.memory_space<semaphore_mem>>) src(%dma_wait3A_623 : memref<2x120xi32, #tpu.memory_space<hbm>>) dst(%arg11 : memref<2x120xi32, #tpu.memory_space<vmem>>)
        %dma_start3A_624 = arith.constant 0 : i32
        %dma_start3A_625 = arith.constant 0 : i32
        %dma_start3A_626 = tpu.memref_slice %arg11[%dma_start3A_624, %dma_start3A_625] : memref<2x120xi32, #tpu.memory_space<vmem>> -> memref<1x120xi32, #tpu.memory_space<vmem>>
        %dma_start3A_627 = tpu.memref_squeeze %dma_start3A_626 : memref<1x120xi32, #tpu.memory_space<vmem>> -> memref<120xi32, #tpu.memory_space<vmem>>
        %dma_start3A_628 = arith.constant 0 : i32
        %dma_start3A_629 = arith.constant 0 : i32
        %dma_start3A_630 = tpu.memref_slice %arg2[%dma_start3A_628, %dma_start3A_629] : memref<10000x128xf32, #tpu.memory_space<hbm>> -> memref<10000x128xf32, #tpu.memory_space<hbm>>
        tpu.enqueue_indirect_dma source(%dma_start3A_630 : memref<10000x128xf32, #tpu.memory_space<hbm>>) target(%arg6 : memref<120x128xf32, #tpu.memory_space<vmem>>) offsets(%dma_start3A_627 : memref<120xi32, #tpu.memory_space<vmem>>) semaphore(%arg14 : memref<!tpu.dma_semaphore, #tpu.memory_space<semaphore_mem>>)
      } else {
      }
      %dma_wait3A_405 = arith.constant 0 : i32
      %dma_wait3A_406 = arith.constant 0 : i32
      %dma_wait3A_407 = tpu.memref_slice %arg10[%dma_wait3A_405, %dma_wait3A_406] : memref<2x120xi32, #tpu.memory_space<vmem>> -> memref<1x120xi32, #tpu.memory_space<vmem>>
      %dma_wait3A_408 = tpu.memref_squeeze %dma_wait3A_407 : memref<1x120xi32, #tpu.memory_space<vmem>> -> memref<120xi32, #tpu.memory_space<vmem>>
      %dma_wait3A_409 = arith.constant 0 : i32
      %dma_wait3A_410 = arith.constant 0 : i32
      %dma_wait3A_411 = tpu.memref_slice %arg2[%dma_wait3A_409, %dma_wait3A_410] : memref<10000x128xf32, #tpu.memory_space<hbm>> -> memref<10000x128xf32, #tpu.memory_space<hbm>>
      tpu.wait_indirect_dma semaphore(%arg13 : memref<!tpu.dma_semaphore, #tpu.memory_space<semaphore_mem>>) src(%dma_wait3A_411 : memref<10000x128xf32, #tpu.memory_space<hbm>>) dst(%arg5 : memref<120x128xf32, #tpu.memory_space<vmem>>)
      %dma_start3A_412 = arith.constant 1 : i32
      %dma_start3A_413 = arith.constant 0 : i32
      %dma_start3A_414 = tpu.memref_slice %arg10[%dma_start3A_412, %dma_start3A_413] : memref<2x120xi32, #tpu.memory_space<vmem>> -> memref<1x120xi32, #tpu.memory_space<vmem>>
      %dma_start3A_415 = tpu.memref_squeeze %dma_start3A_414 : memref<1x120xi32, #tpu.memory_space<vmem>> -> memref<120xi32, #tpu.memory_space<vmem>>
      %dma_start3A_416 = arith.constant 0 : i32
      %dma_start3A_417 = arith.constant 0 : i32
      %dma_start3A_418 = tpu.memref_slice %arg12[%dma_start3A_416, %dma_start3A_417] : memref<10112x128xf32, #tpu.memory_space<vmem_shared>> -> memref<10112x128xf32, #tpu.memory_space<vmem_shared>>
      tpu.enqueue_indirect_dma source(%arg5 : memref<120x128xf32, #tpu.memory_space<vmem>>) target(%dma_start3A_418 : memref<10112x128xf32, #tpu.memory_space<vmem_shared>>) offsets(%dma_start3A_415 : memref<120xi32, #tpu.memory_space<vmem>>) semaphore(%arg16 : memref<!tpu.dma_semaphore, #tpu.memory_space<semaphore_mem>>) {add = true}
      %mul3A_419 = arith.constant 12 : i32
      %mul3A_420 = arith.muli %mul3A_419, %scan3A_163 : i32
      %add3A_421 = arith.constant 7 : i32
      %add3A_422 = arith.addi %mul3A_420, %add3A_421 : i32
      %ge3A_423 = arith.constant 2 : i32
      %ge3A_424 = arith.cmpi sge, %add3A_422, %ge3A_423 : i32
      %convert_element_type3A_425 = arith.extui %ge3A_424 : i1 to i32
      %cond3A_426 = arith.constant 0 : i32
      %cond3A_427 = arith.cmpi ne, %convert_element_type3A_425, %cond3A_426 : i32
      scf.if %cond3A_427 {
        %dma_wait3A_604 = arith.constant 1 : i32
        %dma_wait3A_605 = arith.constant 0 : i32
        %dma_wait3A_606 = tpu.memref_slice %arg9[%dma_wait3A_604, %dma_wait3A_605] : memref<2x120xi32, #tpu.memory_space<vmem>> -> memref<1x120xi32, #tpu.memory_space<vmem>>
        %dma_wait3A_607 = tpu.memref_squeeze %dma_wait3A_606 : memref<1x120xi32, #tpu.memory_space<vmem>> -> memref<120xi32, #tpu.memory_space<vmem>>
        %dma_wait3A_608 = arith.constant 0 : i32
        %dma_wait3A_609 = arith.constant 0 : i32
        %dma_wait3A_610 = tpu.memref_slice %arg12[%dma_wait3A_608, %dma_wait3A_609] : memref<10112x128xf32, #tpu.memory_space<vmem_shared>> -> memref<10112x128xf32, #tpu.memory_space<vmem_shared>>
        tpu.wait_indirect_dma semaphore(%arg18 : memref<!tpu.dma_semaphore, #tpu.memory_space<semaphore_mem>>) src(%arg7 : memref<120x128xf32, #tpu.memory_space<vmem>>) dst(%dma_wait3A_610 : memref<10112x128xf32, #tpu.memory_space<vmem_shared>>)
      } else {
      }
      %add3A_428 = arith.constant 2 : i32
      %add3A_429 = arith.addi %add3A_422, %add3A_428 : i32
      %lt3A_430 = arith.constant 84 : i32
      %lt3A_431 = arith.cmpi slt, %add3A_429, %lt3A_430 : i32
      %convert_element_type3A_432 = arith.extui %lt3A_431 : i1 to i32
      %cond3A_433 = arith.constant 0 : i32
      %cond3A_434 = arith.cmpi ne, %convert_element_type3A_432, %cond3A_433 : i32
      scf.if %cond3A_434 {
        %add3A_604 = arith.constant 2 : i32
        %add3A_605 = arith.addi %add3A_422, %add3A_604 : i32
        %dma_start3A_606 = arith.constant 0 : i32
        %dma_start3A_607 = arith.constant 0 : i32
        %dma_start3A_608 = arith.constant 0 : i32
        %dma_start3A_609 = tpu.memref_slice %arg3[%add3A, %dma_start3A_606, %dma_start3A_607, %dma_start3A_608] : memref<32x84x2x120xi32, #tpu.memory_space<hbm>> -> memref<1x84x2x120xi32, #tpu.memory_space<hbm>>
        %dma_start3A_610 = tpu.memref_squeeze %dma_start3A_609 : memref<1x84x2x120xi32, #tpu.memory_space<hbm>> -> memref<84x2x120xi32, #tpu.memory_space<hbm>>
        %dma_start3A_611 = arith.constant 0 : i32
        %dma_start3A_612 = arith.constant 0 : i32
        %dma_start3A_613 = tpu.memref_slice %dma_start3A_610[%add3A_605, %dma_start3A_611, %dma_start3A_612] : memref<84x2x120xi32, #tpu.memory_space<hbm>> -> memref<1x2x120xi32, #tpu.memory_space<hbm>>
        %dma_start3A_614 = tpu.memref_squeeze %dma_start3A_613 : memref<1x2x120xi32, #tpu.memory_space<hbm>> -> memref<2x120xi32, #tpu.memory_space<hbm>>
        %dma_start3A_615 = arith.constant 0 : i32
        %dma_start3A_616 = arith.constant 0 : i32
        %dma_start3A_617 = arith.constant 0 : i32
        %dma_start3A_618 = tpu.memref_slice %arg3[%add3A, %dma_start3A_615, %dma_start3A_616, %dma_start3A_617] : memref<32x84x2x120xi32, #tpu.memory_space<hbm>> -> memref<1x84x2x120xi32, #tpu.memory_space<hbm>>
        %dma_start3A_619 = tpu.memref_squeeze %dma_start3A_618 : memref<1x84x2x120xi32, #tpu.memory_space<hbm>> -> memref<84x2x120xi32, #tpu.memory_space<hbm>>
        %dma_start3A_620 = arith.constant 0 : i32
        %dma_start3A_621 = arith.constant 0 : i32
        %dma_start3A_622 = tpu.memref_slice %dma_start3A_619[%add3A_605, %dma_start3A_620, %dma_start3A_621] : memref<84x2x120xi32, #tpu.memory_space<hbm>> -> memref<1x2x120xi32, #tpu.memory_space<hbm>>
        %dma_start3A_623 = tpu.memref_squeeze %dma_start3A_622 : memref<1x2x120xi32, #tpu.memory_space<hbm>> -> memref<2x120xi32, #tpu.memory_space<hbm>>
        tpu.enqueue_dma source(%dma_start3A_623 : memref<2x120xi32, #tpu.memory_space<hbm>>) target(%arg9 : memref<2x120xi32, #tpu.memory_space<vmem>>) target_semaphore(%arg20 : memref<!tpu.dma_semaphore, #tpu.memory_space<semaphore_mem>>)
      } else {
      }
      %add3A_435 = arith.constant 1 : i32
      %add3A_436 = arith.addi %add3A_422, %add3A_435 : i32
      %lt3A_437 = arith.constant 84 : i32
      %lt3A_438 = arith.cmpi slt, %add3A_436, %lt3A_437 : i32
      %convert_element_type3A_439 = arith.extui %lt3A_438 : i1 to i32
      %cond3A_440 = arith.constant 0 : i32
      %cond3A_441 = arith.cmpi ne, %convert_element_type3A_439, %cond3A_440 : i32
      scf.if %cond3A_441 {
        %add3A_604 = arith.constant 1 : i32
        %add3A_605 = arith.addi %add3A_422, %add3A_604 : i32
        %dma_wait3A_606 = arith.constant 0 : i32
        %dma_wait3A_607 = arith.constant 0 : i32
        %dma_wait3A_608 = arith.constant 0 : i32
        %dma_wait3A_609 = tpu.memref_slice %arg3[%add3A, %dma_wait3A_606, %dma_wait3A_607, %dma_wait3A_608] : memref<32x84x2x120xi32, #tpu.memory_space<hbm>> -> memref<1x84x2x120xi32, #tpu.memory_space<hbm>>
        %dma_wait3A_610 = tpu.memref_squeeze %dma_wait3A_609 : memref<1x84x2x120xi32, #tpu.memory_space<hbm>> -> memref<84x2x120xi32, #tpu.memory_space<hbm>>
        %dma_wait3A_611 = arith.constant 0 : i32
        %dma_wait3A_612 = arith.constant 0 : i32
        %dma_wait3A_613 = tpu.memref_slice %dma_wait3A_610[%add3A_605, %dma_wait3A_611, %dma_wait3A_612] : memref<84x2x120xi32, #tpu.memory_space<hbm>> -> memref<1x2x120xi32, #tpu.memory_space<hbm>>
        %dma_wait3A_614 = tpu.memref_squeeze %dma_wait3A_613 : memref<1x2x120xi32, #tpu.memory_space<hbm>> -> memref<2x120xi32, #tpu.memory_space<hbm>>
        %dma_wait3A_615 = arith.constant 0 : i32
        %dma_wait3A_616 = arith.constant 0 : i32
        %dma_wait3A_617 = arith.constant 0 : i32
        %dma_wait3A_618 = tpu.memref_slice %arg3[%add3A, %dma_wait3A_615, %dma_wait3A_616, %dma_wait3A_617] : memref<32x84x2x120xi32, #tpu.memory_space<hbm>> -> memref<1x84x2x120xi32, #tpu.memory_space<hbm>>
        %dma_wait3A_619 = tpu.memref_squeeze %dma_wait3A_618 : memref<1x84x2x120xi32, #tpu.memory_space<hbm>> -> memref<84x2x120xi32, #tpu.memory_space<hbm>>
        %dma_wait3A_620 = arith.constant 0 : i32
        %dma_wait3A_621 = arith.constant 0 : i32
        %dma_wait3A_622 = tpu.memref_slice %dma_wait3A_619[%add3A_605, %dma_wait3A_620, %dma_wait3A_621] : memref<84x2x120xi32, #tpu.memory_space<hbm>> -> memref<1x2x120xi32, #tpu.memory_space<hbm>>
        %dma_wait3A_623 = tpu.memref_squeeze %dma_wait3A_622 : memref<1x2x120xi32, #tpu.memory_space<hbm>> -> memref<2x120xi32, #tpu.memory_space<hbm>>
        tpu.wait_dma2 semaphore(%arg19 : memref<!tpu.dma_semaphore, #tpu.memory_space<semaphore_mem>>) src(%dma_wait3A_623 : memref<2x120xi32, #tpu.memory_space<hbm>>) dst(%arg8 : memref<2x120xi32, #tpu.memory_space<vmem>>)
        %dma_start3A_624 = arith.constant 0 : i32
        %dma_start3A_625 = arith.constant 0 : i32
        %dma_start3A_626 = tpu.memref_slice %arg8[%dma_start3A_624, %dma_start3A_625] : memref<2x120xi32, #tpu.memory_space<vmem>> -> memref<1x120xi32, #tpu.memory_space<vmem>>
        %dma_start3A_627 = tpu.memref_squeeze %dma_start3A_626 : memref<1x120xi32, #tpu.memory_space<vmem>> -> memref<120xi32, #tpu.memory_space<vmem>>
        %dma_start3A_628 = arith.constant 0 : i32
        %dma_start3A_629 = arith.constant 0 : i32
        %dma_start3A_630 = tpu.memref_slice %arg2[%dma_start3A_628, %dma_start3A_629] : memref<10000x128xf32, #tpu.memory_space<hbm>> -> memref<10000x128xf32, #tpu.memory_space<hbm>>
        tpu.enqueue_indirect_dma source(%dma_start3A_630 : memref<10000x128xf32, #tpu.memory_space<hbm>>) target(%arg7 : memref<120x128xf32, #tpu.memory_space<vmem>>) offsets(%dma_start3A_627 : memref<120xi32, #tpu.memory_space<vmem>>) semaphore(%arg15 : memref<!tpu.dma_semaphore, #tpu.memory_space<semaphore_mem>>)
      } else {
      }
      %dma_wait3A_442 = arith.constant 0 : i32
      %dma_wait3A_443 = arith.constant 0 : i32
      %dma_wait3A_444 = tpu.memref_slice %arg11[%dma_wait3A_442, %dma_wait3A_443] : memref<2x120xi32, #tpu.memory_space<vmem>> -> memref<1x120xi32, #tpu.memory_space<vmem>>
      %dma_wait3A_445 = tpu.memref_squeeze %dma_wait3A_444 : memref<1x120xi32, #tpu.memory_space<vmem>> -> memref<120xi32, #tpu.memory_space<vmem>>
      %dma_wait3A_446 = arith.constant 0 : i32
      %dma_wait3A_447 = arith.constant 0 : i32
      %dma_wait3A_448 = tpu.memref_slice %arg2[%dma_wait3A_446, %dma_wait3A_447] : memref<10000x128xf32, #tpu.memory_space<hbm>> -> memref<10000x128xf32, #tpu.memory_space<hbm>>
      tpu.wait_indirect_dma semaphore(%arg14 : memref<!tpu.dma_semaphore, #tpu.memory_space<semaphore_mem>>) src(%dma_wait3A_448 : memref<10000x128xf32, #tpu.memory_space<hbm>>) dst(%arg6 : memref<120x128xf32, #tpu.memory_space<vmem>>)
      %dma_start3A_449 = arith.constant 1 : i32
      %dma_start3A_450 = arith.constant 0 : i32
      %dma_start3A_451 = tpu.memref_slice %arg11[%dma_start3A_449, %dma_start3A_450] : memref<2x120xi32, #tpu.memory_space<vmem>> -> memref<1x120xi32, #tpu.memory_space<vmem>>
      %dma_start3A_452 = tpu.memref_squeeze %dma_start3A_451 : memref<1x120xi32, #tpu.memory_space<vmem>> -> memref<120xi32, #tpu.memory_space<vmem>>
      %dma_start3A_453 = arith.constant 0 : i32
      %dma_start3A_454 = arith.constant 0 : i32
      %dma_start3A_455 = tpu.memref_slice %arg12[%dma_start3A_453, %dma_start3A_454] : memref<10112x128xf32, #tpu.memory_space<vmem_shared>> -> memref<10112x128xf32, #tpu.memory_space<vmem_shared>>
      tpu.enqueue_indirect_dma source(%arg6 : memref<120x128xf32, #tpu.memory_space<vmem>>) target(%dma_start3A_455 : memref<10112x128xf32, #tpu.memory_space<vmem_shared>>) offsets(%dma_start3A_452 : memref<120xi32, #tpu.memory_space<vmem>>) semaphore(%arg17 : memref<!tpu.dma_semaphore, #tpu.memory_space<semaphore_mem>>) {add = true}
      %mul3A_456 = arith.constant 12 : i32
      %mul3A_457 = arith.muli %mul3A_456, %scan3A_163 : i32
      %add3A_458 = arith.constant 8 : i32
      %add3A_459 = arith.addi %mul3A_457, %add3A_458 : i32
      %ge3A_460 = arith.constant 2 : i32
      %ge3A_461 = arith.cmpi sge, %add3A_459, %ge3A_460 : i32
      %convert_element_type3A_462 = arith.extui %ge3A_461 : i1 to i32
      %cond3A_463 = arith.constant 0 : i32
      %cond3A_464 = arith.cmpi ne, %convert_element_type3A_462, %cond3A_463 : i32
      scf.if %cond3A_464 {
        %dma_wait3A_604 = arith.constant 1 : i32
        %dma_wait3A_605 = arith.constant 0 : i32
        %dma_wait3A_606 = tpu.memref_slice %arg10[%dma_wait3A_604, %dma_wait3A_605] : memref<2x120xi32, #tpu.memory_space<vmem>> -> memref<1x120xi32, #tpu.memory_space<vmem>>
        %dma_wait3A_607 = tpu.memref_squeeze %dma_wait3A_606 : memref<1x120xi32, #tpu.memory_space<vmem>> -> memref<120xi32, #tpu.memory_space<vmem>>
        %dma_wait3A_608 = arith.constant 0 : i32
        %dma_wait3A_609 = arith.constant 0 : i32
        %dma_wait3A_610 = tpu.memref_slice %arg12[%dma_wait3A_608, %dma_wait3A_609] : memref<10112x128xf32, #tpu.memory_space<vmem_shared>> -> memref<10112x128xf32, #tpu.memory_space<vmem_shared>>
        tpu.wait_indirect_dma semaphore(%arg16 : memref<!tpu.dma_semaphore, #tpu.memory_space<semaphore_mem>>) src(%arg5 : memref<120x128xf32, #tpu.memory_space<vmem>>) dst(%dma_wait3A_610 : memref<10112x128xf32, #tpu.memory_space<vmem_shared>>)
      } else {
      }
      %add3A_465 = arith.constant 2 : i32
      %add3A_466 = arith.addi %add3A_459, %add3A_465 : i32
      %lt3A_467 = arith.constant 84 : i32
      %lt3A_468 = arith.cmpi slt, %add3A_466, %lt3A_467 : i32
      %convert_element_type3A_469 = arith.extui %lt3A_468 : i1 to i32
      %cond3A_470 = arith.constant 0 : i32
      %cond3A_471 = arith.cmpi ne, %convert_element_type3A_469, %cond3A_470 : i32
      scf.if %cond3A_471 {
        %add3A_604 = arith.constant 2 : i32
        %add3A_605 = arith.addi %add3A_459, %add3A_604 : i32
        %dma_start3A_606 = arith.constant 0 : i32
        %dma_start3A_607 = arith.constant 0 : i32
        %dma_start3A_608 = arith.constant 0 : i32
        %dma_start3A_609 = tpu.memref_slice %arg3[%add3A, %dma_start3A_606, %dma_start3A_607, %dma_start3A_608] : memref<32x84x2x120xi32, #tpu.memory_space<hbm>> -> memref<1x84x2x120xi32, #tpu.memory_space<hbm>>
        %dma_start3A_610 = tpu.memref_squeeze %dma_start3A_609 : memref<1x84x2x120xi32, #tpu.memory_space<hbm>> -> memref<84x2x120xi32, #tpu.memory_space<hbm>>
        %dma_start3A_611 = arith.constant 0 : i32
        %dma_start3A_612 = arith.constant 0 : i32
        %dma_start3A_613 = tpu.memref_slice %dma_start3A_610[%add3A_605, %dma_start3A_611, %dma_start3A_612] : memref<84x2x120xi32, #tpu.memory_space<hbm>> -> memref<1x2x120xi32, #tpu.memory_space<hbm>>
        %dma_start3A_614 = tpu.memref_squeeze %dma_start3A_613 : memref<1x2x120xi32, #tpu.memory_space<hbm>> -> memref<2x120xi32, #tpu.memory_space<hbm>>
        %dma_start3A_615 = arith.constant 0 : i32
        %dma_start3A_616 = arith.constant 0 : i32
        %dma_start3A_617 = arith.constant 0 : i32
        %dma_start3A_618 = tpu.memref_slice %arg3[%add3A, %dma_start3A_615, %dma_start3A_616, %dma_start3A_617] : memref<32x84x2x120xi32, #tpu.memory_space<hbm>> -> memref<1x84x2x120xi32, #tpu.memory_space<hbm>>
        %dma_start3A_619 = tpu.memref_squeeze %dma_start3A_618 : memref<1x84x2x120xi32, #tpu.memory_space<hbm>> -> memref<84x2x120xi32, #tpu.memory_space<hbm>>
        %dma_start3A_620 = arith.constant 0 : i32
        %dma_start3A_621 = arith.constant 0 : i32
        %dma_start3A_622 = tpu.memref_slice %dma_start3A_619[%add3A_605, %dma_start3A_620, %dma_start3A_621] : memref<84x2x120xi32, #tpu.memory_space<hbm>> -> memref<1x2x120xi32, #tpu.memory_space<hbm>>
        %dma_start3A_623 = tpu.memref_squeeze %dma_start3A_622 : memref<1x2x120xi32, #tpu.memory_space<hbm>> -> memref<2x120xi32, #tpu.memory_space<hbm>>
        tpu.enqueue_dma source(%dma_start3A_623 : memref<2x120xi32, #tpu.memory_space<hbm>>) target(%arg10 : memref<2x120xi32, #tpu.memory_space<vmem>>) target_semaphore(%arg21 : memref<!tpu.dma_semaphore, #tpu.memory_space<semaphore_mem>>)
      } else {
      }
      %add3A_472 = arith.constant 1 : i32
      %add3A_473 = arith.addi %add3A_459, %add3A_472 : i32
      %lt3A_474 = arith.constant 84 : i32
      %lt3A_475 = arith.cmpi slt, %add3A_473, %lt3A_474 : i32
      %convert_element_type3A_476 = arith.extui %lt3A_475 : i1 to i32
      %cond3A_477 = arith.constant 0 : i32
      %cond3A_478 = arith.cmpi ne, %convert_element_type3A_476, %cond3A_477 : i32
      scf.if %cond3A_478 {
        %add3A_604 = arith.constant 1 : i32
        %add3A_605 = arith.addi %add3A_459, %add3A_604 : i32
        %dma_wait3A_606 = arith.constant 0 : i32
        %dma_wait3A_607 = arith.constant 0 : i32
        %dma_wait3A_608 = arith.constant 0 : i32
        %dma_wait3A_609 = tpu.memref_slice %arg3[%add3A, %dma_wait3A_606, %dma_wait3A_607, %dma_wait3A_608] : memref<32x84x2x120xi32, #tpu.memory_space<hbm>> -> memref<1x84x2x120xi32, #tpu.memory_space<hbm>>
        %dma_wait3A_610 = tpu.memref_squeeze %dma_wait3A_609 : memref<1x84x2x120xi32, #tpu.memory_space<hbm>> -> memref<84x2x120xi32, #tpu.memory_space<hbm>>
        %dma_wait3A_611 = arith.constant 0 : i32
        %dma_wait3A_612 = arith.constant 0 : i32
        %dma_wait3A_613 = tpu.memref_slice %dma_wait3A_610[%add3A_605, %dma_wait3A_611, %dma_wait3A_612] : memref<84x2x120xi32, #tpu.memory_space<hbm>> -> memref<1x2x120xi32, #tpu.memory_space<hbm>>
        %dma_wait3A_614 = tpu.memref_squeeze %dma_wait3A_613 : memref<1x2x120xi32, #tpu.memory_space<hbm>> -> memref<2x120xi32, #tpu.memory_space<hbm>>
        %dma_wait3A_615 = arith.constant 0 : i32
        %dma_wait3A_616 = arith.constant 0 : i32
        %dma_wait3A_617 = arith.constant 0 : i32
        %dma_wait3A_618 = tpu.memref_slice %arg3[%add3A, %dma_wait3A_615, %dma_wait3A_616, %dma_wait3A_617] : memref<32x84x2x120xi32, #tpu.memory_space<hbm>> -> memref<1x84x2x120xi32, #tpu.memory_space<hbm>>
        %dma_wait3A_619 = tpu.memref_squeeze %dma_wait3A_618 : memref<1x84x2x120xi32, #tpu.memory_space<hbm>> -> memref<84x2x120xi32, #tpu.memory_space<hbm>>
        %dma_wait3A_620 = arith.constant 0 : i32
        %dma_wait3A_621 = arith.constant 0 : i32
        %dma_wait3A_622 = tpu.memref_slice %dma_wait3A_619[%add3A_605, %dma_wait3A_620, %dma_wait3A_621] : memref<84x2x120xi32, #tpu.memory_space<hbm>> -> memref<1x2x120xi32, #tpu.memory_space<hbm>>
        %dma_wait3A_623 = tpu.memref_squeeze %dma_wait3A_622 : memref<1x2x120xi32, #tpu.memory_space<hbm>> -> memref<2x120xi32, #tpu.memory_space<hbm>>
        tpu.wait_dma2 semaphore(%arg20 : memref<!tpu.dma_semaphore, #tpu.memory_space<semaphore_mem>>) src(%dma_wait3A_623 : memref<2x120xi32, #tpu.memory_space<hbm>>) dst(%arg9 : memref<2x120xi32, #tpu.memory_space<vmem>>)
        %dma_start3A_624 = arith.constant 0 : i32
        %dma_start3A_625 = arith.constant 0 : i32
        %dma_start3A_626 = tpu.memref_slice %arg9[%dma_start3A_624, %dma_start3A_625] : memref<2x120xi32, #tpu.memory_space<vmem>> -> memref<1x120xi32, #tpu.memory_space<vmem>>
        %dma_start3A_627 = tpu.memref_squeeze %dma_start3A_626 : memref<1x120xi32, #tpu.memory_space<vmem>> -> memref<120xi32, #tpu.memory_space<vmem>>
        %dma_start3A_628 = arith.constant 0 : i32
        %dma_start3A_629 = arith.constant 0 : i32
        %dma_start3A_630 = tpu.memref_slice %arg2[%dma_start3A_628, %dma_start3A_629] : memref<10000x128xf32, #tpu.memory_space<hbm>> -> memref<10000x128xf32, #tpu.memory_space<hbm>>
        tpu.enqueue_indirect_dma source(%dma_start3A_630 : memref<10000x128xf32, #tpu.memory_space<hbm>>) target(%arg5 : memref<120x128xf32, #tpu.memory_space<vmem>>) offsets(%dma_start3A_627 : memref<120xi32, #tpu.memory_space<vmem>>) semaphore(%arg13 : memref<!tpu.dma_semaphore, #tpu.memory_space<semaphore_mem>>)
      } else {
      }
      %dma_wait3A_479 = arith.constant 0 : i32
      %dma_wait3A_480 = arith.constant 0 : i32
      %dma_wait3A_481 = tpu.memref_slice %arg8[%dma_wait3A_479, %dma_wait3A_480] : memref<2x120xi32, #tpu.memory_space<vmem>> -> memref<1x120xi32, #tpu.memory_space<vmem>>
      %dma_wait3A_482 = tpu.memref_squeeze %dma_wait3A_481 : memref<1x120xi32, #tpu.memory_space<vmem>> -> memref<120xi32, #tpu.memory_space<vmem>>
      %dma_wait3A_483 = arith.constant 0 : i32
      %dma_wait3A_484 = arith.constant 0 : i32
      %dma_wait3A_485 = tpu.memref_slice %arg2[%dma_wait3A_483, %dma_wait3A_484] : memref<10000x128xf32, #tpu.memory_space<hbm>> -> memref<10000x128xf32, #tpu.memory_space<hbm>>
      tpu.wait_indirect_dma semaphore(%arg15 : memref<!tpu.dma_semaphore, #tpu.memory_space<semaphore_mem>>) src(%dma_wait3A_485 : memref<10000x128xf32, #tpu.memory_space<hbm>>) dst(%arg7 : memref<120x128xf32, #tpu.memory_space<vmem>>)
      %dma_start3A_486 = arith.constant 1 : i32
      %dma_start3A_487 = arith.constant 0 : i32
      %dma_start3A_488 = tpu.memref_slice %arg8[%dma_start3A_486, %dma_start3A_487] : memref<2x120xi32, #tpu.memory_space<vmem>> -> memref<1x120xi32, #tpu.memory_space<vmem>>
      %dma_start3A_489 = tpu.memref_squeeze %dma_start3A_488 : memref<1x120xi32, #tpu.memory_space<vmem>> -> memref<120xi32, #tpu.memory_space<vmem>>
      %dma_start3A_490 = arith.constant 0 : i32
      %dma_start3A_491 = arith.constant 0 : i32
      %dma_start3A_492 = tpu.memref_slice %arg12[%dma_start3A_490, %dma_start3A_491] : memref<10112x128xf32, #tpu.memory_space<vmem_shared>> -> memref<10112x128xf32, #tpu.memory_space<vmem_shared>>
      tpu.enqueue_indirect_dma source(%arg7 : memref<120x128xf32, #tpu.memory_space<vmem>>) target(%dma_start3A_492 : memref<10112x128xf32, #tpu.memory_space<vmem_shared>>) offsets(%dma_start3A_489 : memref<120xi32, #tpu.memory_space<vmem>>) semaphore(%arg18 : memref<!tpu.dma_semaphore, #tpu.memory_space<semaphore_mem>>) {add = true}
      %mul3A_493 = arith.constant 12 : i32
      %mul3A_494 = arith.muli %mul3A_493, %scan3A_163 : i32
      %add3A_495 = arith.constant 9 : i32
      %add3A_496 = arith.addi %mul3A_494, %add3A_495 : i32
      %ge3A_497 = arith.constant 2 : i32
      %ge3A_498 = arith.cmpi sge, %add3A_496, %ge3A_497 : i32
      %convert_element_type3A_499 = arith.extui %ge3A_498 : i1 to i32
      %cond3A_500 = arith.constant 0 : i32
      %cond3A_501 = arith.cmpi ne, %convert_element_type3A_499, %cond3A_500 : i32
      scf.if %cond3A_501 {
        %dma_wait3A_604 = arith.constant 1 : i32
        %dma_wait3A_605 = arith.constant 0 : i32
        %dma_wait3A_606 = tpu.memref_slice %arg11[%dma_wait3A_604, %dma_wait3A_605] : memref<2x120xi32, #tpu.memory_space<vmem>> -> memref<1x120xi32, #tpu.memory_space<vmem>>
        %dma_wait3A_607 = tpu.memref_squeeze %dma_wait3A_606 : memref<1x120xi32, #tpu.memory_space<vmem>> -> memref<120xi32, #tpu.memory_space<vmem>>
        %dma_wait3A_608 = arith.constant 0 : i32
        %dma_wait3A_609 = arith.constant 0 : i32
        %dma_wait3A_610 = tpu.memref_slice %arg12[%dma_wait3A_608, %dma_wait3A_609] : memref<10112x128xf32, #tpu.memory_space<vmem_shared>> -> memref<10112x128xf32, #tpu.memory_space<vmem_shared>>
        tpu.wait_indirect_dma semaphore(%arg17 : memref<!tpu.dma_semaphore, #tpu.memory_space<semaphore_mem>>) src(%arg6 : memref<120x128xf32, #tpu.memory_space<vmem>>) dst(%dma_wait3A_610 : memref<10112x128xf32, #tpu.memory_space<vmem_shared>>)
      } else {
      }
      %add3A_502 = arith.constant 2 : i32
      %add3A_503 = arith.addi %add3A_496, %add3A_502 : i32
      %lt3A_504 = arith.constant 84 : i32
      %lt3A_505 = arith.cmpi slt, %add3A_503, %lt3A_504 : i32
      %convert_element_type3A_506 = arith.extui %lt3A_505 : i1 to i32
      %cond3A_507 = arith.constant 0 : i32
      %cond3A_508 = arith.cmpi ne, %convert_element_type3A_506, %cond3A_507 : i32
      scf.if %cond3A_508 {
        %add3A_604 = arith.constant 2 : i32
        %add3A_605 = arith.addi %add3A_496, %add3A_604 : i32
        %dma_start3A_606 = arith.constant 0 : i32
        %dma_start3A_607 = arith.constant 0 : i32
        %dma_start3A_608 = arith.constant 0 : i32
        %dma_start3A_609 = tpu.memref_slice %arg3[%add3A, %dma_start3A_606, %dma_start3A_607, %dma_start3A_608] : memref<32x84x2x120xi32, #tpu.memory_space<hbm>> -> memref<1x84x2x120xi32, #tpu.memory_space<hbm>>
        %dma_start3A_610 = tpu.memref_squeeze %dma_start3A_609 : memref<1x84x2x120xi32, #tpu.memory_space<hbm>> -> memref<84x2x120xi32, #tpu.memory_space<hbm>>
        %dma_start3A_611 = arith.constant 0 : i32
        %dma_start3A_612 = arith.constant 0 : i32
        %dma_start3A_613 = tpu.memref_slice %dma_start3A_610[%add3A_605, %dma_start3A_611, %dma_start3A_612] : memref<84x2x120xi32, #tpu.memory_space<hbm>> -> memref<1x2x120xi32, #tpu.memory_space<hbm>>
        %dma_start3A_614 = tpu.memref_squeeze %dma_start3A_613 : memref<1x2x120xi32, #tpu.memory_space<hbm>> -> memref<2x120xi32, #tpu.memory_space<hbm>>
        %dma_start3A_615 = arith.constant 0 : i32
        %dma_start3A_616 = arith.constant 0 : i32
        %dma_start3A_617 = arith.constant 0 : i32
        %dma_start3A_618 = tpu.memref_slice %arg3[%add3A, %dma_start3A_615, %dma_start3A_616, %dma_start3A_617] : memref<32x84x2x120xi32, #tpu.memory_space<hbm>> -> memref<1x84x2x120xi32, #tpu.memory_space<hbm>>
        %dma_start3A_619 = tpu.memref_squeeze %dma_start3A_618 : memref<1x84x2x120xi32, #tpu.memory_space<hbm>> -> memref<84x2x120xi32, #tpu.memory_space<hbm>>
        %dma_start3A_620 = arith.constant 0 : i32
        %dma_start3A_621 = arith.constant 0 : i32
        %dma_start3A_622 = tpu.memref_slice %dma_start3A_619[%add3A_605, %dma_start3A_620, %dma_start3A_621] : memref<84x2x120xi32, #tpu.memory_space<hbm>> -> memref<1x2x120xi32, #tpu.memory_space<hbm>>
        %dma_start3A_623 = tpu.memref_squeeze %dma_start3A_622 : memref<1x2x120xi32, #tpu.memory_space<hbm>> -> memref<2x120xi32, #tpu.memory_space<hbm>>
        tpu.enqueue_dma source(%dma_start3A_623 : memref<2x120xi32, #tpu.memory_space<hbm>>) target(%arg11 : memref<2x120xi32, #tpu.memory_space<vmem>>) target_semaphore(%arg22 : memref<!tpu.dma_semaphore, #tpu.memory_space<semaphore_mem>>)
      } else {
      }
      %add3A_509 = arith.constant 1 : i32
      %add3A_510 = arith.addi %add3A_496, %add3A_509 : i32
      %lt3A_511 = arith.constant 84 : i32
      %lt3A_512 = arith.cmpi slt, %add3A_510, %lt3A_511 : i32
      %convert_element_type3A_513 = arith.extui %lt3A_512 : i1 to i32
      %cond3A_514 = arith.constant 0 : i32
      %cond3A_515 = arith.cmpi ne, %convert_element_type3A_513, %cond3A_514 : i32
      scf.if %cond3A_515 {
        %add3A_604 = arith.constant 1 : i32
        %add3A_605 = arith.addi %add3A_496, %add3A_604 : i32
        %dma_wait3A_606 = arith.constant 0 : i32
        %dma_wait3A_607 = arith.constant 0 : i32
        %dma_wait3A_608 = arith.constant 0 : i32
        %dma_wait3A_609 = tpu.memref_slice %arg3[%add3A, %dma_wait3A_606, %dma_wait3A_607, %dma_wait3A_608] : memref<32x84x2x120xi32, #tpu.memory_space<hbm>> -> memref<1x84x2x120xi32, #tpu.memory_space<hbm>>
        %dma_wait3A_610 = tpu.memref_squeeze %dma_wait3A_609 : memref<1x84x2x120xi32, #tpu.memory_space<hbm>> -> memref<84x2x120xi32, #tpu.memory_space<hbm>>
        %dma_wait3A_611 = arith.constant 0 : i32
        %dma_wait3A_612 = arith.constant 0 : i32
        %dma_wait3A_613 = tpu.memref_slice %dma_wait3A_610[%add3A_605, %dma_wait3A_611, %dma_wait3A_612] : memref<84x2x120xi32, #tpu.memory_space<hbm>> -> memref<1x2x120xi32, #tpu.memory_space<hbm>>
        %dma_wait3A_614 = tpu.memref_squeeze %dma_wait3A_613 : memref<1x2x120xi32, #tpu.memory_space<hbm>> -> memref<2x120xi32, #tpu.memory_space<hbm>>
        %dma_wait3A_615 = arith.constant 0 : i32
        %dma_wait3A_616 = arith.constant 0 : i32
        %dma_wait3A_617 = arith.constant 0 : i32
        %dma_wait3A_618 = tpu.memref_slice %arg3[%add3A, %dma_wait3A_615, %dma_wait3A_616, %dma_wait3A_617] : memref<32x84x2x120xi32, #tpu.memory_space<hbm>> -> memref<1x84x2x120xi32, #tpu.memory_space<hbm>>
        %dma_wait3A_619 = tpu.memref_squeeze %dma_wait3A_618 : memref<1x84x2x120xi32, #tpu.memory_space<hbm>> -> memref<84x2x120xi32, #tpu.memory_space<hbm>>
        %dma_wait3A_620 = arith.constant 0 : i32
        %dma_wait3A_621 = arith.constant 0 : i32
        %dma_wait3A_622 = tpu.memref_slice %dma_wait3A_619[%add3A_605, %dma_wait3A_620, %dma_wait3A_621] : memref<84x2x120xi32, #tpu.memory_space<hbm>> -> memref<1x2x120xi32, #tpu.memory_space<hbm>>
        %dma_wait3A_623 = tpu.memref_squeeze %dma_wait3A_622 : memref<1x2x120xi32, #tpu.memory_space<hbm>> -> memref<2x120xi32, #tpu.memory_space<hbm>>
        tpu.wait_dma2 semaphore(%arg21 : memref<!tpu.dma_semaphore, #tpu.memory_space<semaphore_mem>>) src(%dma_wait3A_623 : memref<2x120xi32, #tpu.memory_space<hbm>>) dst(%arg10 : memref<2x120xi32, #tpu.memory_space<vmem>>)
        %dma_start3A_624 = arith.constant 0 : i32
        %dma_start3A_625 = arith.constant 0 : i32
        %dma_start3A_626 = tpu.memref_slice %arg10[%dma_start3A_624, %dma_start3A_625] : memref<2x120xi32, #tpu.memory_space<vmem>> -> memref<1x120xi32, #tpu.memory_space<vmem>>
        %dma_start3A_627 = tpu.memref_squeeze %dma_start3A_626 : memref<1x120xi32, #tpu.memory_space<vmem>> -> memref<120xi32, #tpu.memory_space<vmem>>
        %dma_start3A_628 = arith.constant 0 : i32
        %dma_start3A_629 = arith.constant 0 : i32
        %dma_start3A_630 = tpu.memref_slice %arg2[%dma_start3A_628, %dma_start3A_629] : memref<10000x128xf32, #tpu.memory_space<hbm>> -> memref<10000x128xf32, #tpu.memory_space<hbm>>
        tpu.enqueue_indirect_dma source(%dma_start3A_630 : memref<10000x128xf32, #tpu.memory_space<hbm>>) target(%arg6 : memref<120x128xf32, #tpu.memory_space<vmem>>) offsets(%dma_start3A_627 : memref<120xi32, #tpu.memory_space<vmem>>) semaphore(%arg14 : memref<!tpu.dma_semaphore, #tpu.memory_space<semaphore_mem>>)
      } else {
      }
      %dma_wait3A_516 = arith.constant 0 : i32
      %dma_wait3A_517 = arith.constant 0 : i32
      %dma_wait3A_518 = tpu.memref_slice %arg9[%dma_wait3A_516, %dma_wait3A_517] : memref<2x120xi32, #tpu.memory_space<vmem>> -> memref<1x120xi32, #tpu.memory_space<vmem>>
      %dma_wait3A_519 = tpu.memref_squeeze %dma_wait3A_518 : memref<1x120xi32, #tpu.memory_space<vmem>> -> memref<120xi32, #tpu.memory_space<vmem>>
      %dma_wait3A_520 = arith.constant 0 : i32
      %dma_wait3A_521 = arith.constant 0 : i32
      %dma_wait3A_522 = tpu.memref_slice %arg2[%dma_wait3A_520, %dma_wait3A_521] : memref<10000x128xf32, #tpu.memory_space<hbm>> -> memref<10000x128xf32, #tpu.memory_space<hbm>>
      tpu.wait_indirect_dma semaphore(%arg13 : memref<!tpu.dma_semaphore, #tpu.memory_space<semaphore_mem>>) src(%dma_wait3A_522 : memref<10000x128xf32, #tpu.memory_space<hbm>>) dst(%arg5 : memref<120x128xf32, #tpu.memory_space<vmem>>)
      %dma_start3A_523 = arith.constant 1 : i32
      %dma_start3A_524 = arith.constant 0 : i32
      %dma_start3A_525 = tpu.memref_slice %arg9[%dma_start3A_523, %dma_start3A_524] : memref<2x120xi32, #tpu.memory_space<vmem>> -> memref<1x120xi32, #tpu.memory_space<vmem>>
      %dma_start3A_526 = tpu.memref_squeeze %dma_start3A_525 : memref<1x120xi32, #tpu.memory_space<vmem>> -> memref<120xi32, #tpu.memory_space<vmem>>
      %dma_start3A_527 = arith.constant 0 : i32
      %dma_start3A_528 = arith.constant 0 : i32
      %dma_start3A_529 = tpu.memref_slice %arg12[%dma_start3A_527, %dma_start3A_528] : memref<10112x128xf32, #tpu.memory_space<vmem_shared>> -> memref<10112x128xf32, #tpu.memory_space<vmem_shared>>
      tpu.enqueue_indirect_dma source(%arg5 : memref<120x128xf32, #tpu.memory_space<vmem>>) target(%dma_start3A_529 : memref<10112x128xf32, #tpu.memory_space<vmem_shared>>) offsets(%dma_start3A_526 : memref<120xi32, #tpu.memory_space<vmem>>) semaphore(%arg16 : memref<!tpu.dma_semaphore, #tpu.memory_space<semaphore_mem>>) {add = true}
      %mul3A_530 = arith.constant 12 : i32
      %mul3A_531 = arith.muli %mul3A_530, %scan3A_163 : i32
      %add3A_532 = arith.constant 10 : i32
      %add3A_533 = arith.addi %mul3A_531, %add3A_532 : i32
      %ge3A_534 = arith.constant 2 : i32
      %ge3A_535 = arith.cmpi sge, %add3A_533, %ge3A_534 : i32
      %convert_element_type3A_536 = arith.extui %ge3A_535 : i1 to i32
      %cond3A_537 = arith.constant 0 : i32
      %cond3A_538 = arith.cmpi ne, %convert_element_type3A_536, %cond3A_537 : i32
      scf.if %cond3A_538 {
        %dma_wait3A_604 = arith.constant 1 : i32
        %dma_wait3A_605 = arith.constant 0 : i32
        %dma_wait3A_606 = tpu.memref_slice %arg8[%dma_wait3A_604, %dma_wait3A_605] : memref<2x120xi32, #tpu.memory_space<vmem>> -> memref<1x120xi32, #tpu.memory_space<vmem>>
        %dma_wait3A_607 = tpu.memref_squeeze %dma_wait3A_606 : memref<1x120xi32, #tpu.memory_space<vmem>> -> memref<120xi32, #tpu.memory_space<vmem>>
        %dma_wait3A_608 = arith.constant 0 : i32
        %dma_wait3A_609 = arith.constant 0 : i32
        %dma_wait3A_610 = tpu.memref_slice %arg12[%dma_wait3A_608, %dma_wait3A_609] : memref<10112x128xf32, #tpu.memory_space<vmem_shared>> -> memref<10112x128xf32, #tpu.memory_space<vmem_shared>>
        tpu.wait_indirect_dma semaphore(%arg18 : memref<!tpu.dma_semaphore, #tpu.memory_space<semaphore_mem>>) src(%arg7 : memref<120x128xf32, #tpu.memory_space<vmem>>) dst(%dma_wait3A_610 : memref<10112x128xf32, #tpu.memory_space<vmem_shared>>)
      } else {
      }
      %add3A_539 = arith.constant 2 : i32
      %add3A_540 = arith.addi %add3A_533, %add3A_539 : i32
      %lt3A_541 = arith.constant 84 : i32
      %lt3A_542 = arith.cmpi slt, %add3A_540, %lt3A_541 : i32
      %convert_element_type3A_543 = arith.extui %lt3A_542 : i1 to i32
      %cond3A_544 = arith.constant 0 : i32
      %cond3A_545 = arith.cmpi ne, %convert_element_type3A_543, %cond3A_544 : i32
      scf.if %cond3A_545 {
        %add3A_604 = arith.constant 2 : i32
        %add3A_605 = arith.addi %add3A_533, %add3A_604 : i32
        %dma_start3A_606 = arith.constant 0 : i32
        %dma_start3A_607 = arith.constant 0 : i32
        %dma_start3A_608 = arith.constant 0 : i32
        %dma_start3A_609 = tpu.memref_slice %arg3[%add3A, %dma_start3A_606, %dma_start3A_607, %dma_start3A_608] : memref<32x84x2x120xi32, #tpu.memory_space<hbm>> -> memref<1x84x2x120xi32, #tpu.memory_space<hbm>>
        %dma_start3A_610 = tpu.memref_squeeze %dma_start3A_609 : memref<1x84x2x120xi32, #tpu.memory_space<hbm>> -> memref<84x2x120xi32, #tpu.memory_space<hbm>>
        %dma_start3A_611 = arith.constant 0 : i32
        %dma_start3A_612 = arith.constant 0 : i32
        %dma_start3A_613 = tpu.memref_slice %dma_start3A_610[%add3A_605, %dma_start3A_611, %dma_start3A_612] : memref<84x2x120xi32, #tpu.memory_space<hbm>> -> memref<1x2x120xi32, #tpu.memory_space<hbm>>
        %dma_start3A_614 = tpu.memref_squeeze %dma_start3A_613 : memref<1x2x120xi32, #tpu.memory_space<hbm>> -> memref<2x120xi32, #tpu.memory_space<hbm>>
        %dma_start3A_615 = arith.constant 0 : i32
        %dma_start3A_616 = arith.constant 0 : i32
        %dma_start3A_617 = arith.constant 0 : i32
        %dma_start3A_618 = tpu.memref_slice %arg3[%add3A, %dma_start3A_615, %dma_start3A_616, %dma_start3A_617] : memref<32x84x2x120xi32, #tpu.memory_space<hbm>> -> memref<1x84x2x120xi32, #tpu.memory_space<hbm>>
        %dma_start3A_619 = tpu.memref_squeeze %dma_start3A_618 : memref<1x84x2x120xi32, #tpu.memory_space<hbm>> -> memref<84x2x120xi32, #tpu.memory_space<hbm>>
        %dma_start3A_620 = arith.constant 0 : i32
        %dma_start3A_621 = arith.constant 0 : i32
        %dma_start3A_622 = tpu.memref_slice %dma_start3A_619[%add3A_605, %dma_start3A_620, %dma_start3A_621] : memref<84x2x120xi32, #tpu.memory_space<hbm>> -> memref<1x2x120xi32, #tpu.memory_space<hbm>>
        %dma_start3A_623 = tpu.memref_squeeze %dma_start3A_622 : memref<1x2x120xi32, #tpu.memory_space<hbm>> -> memref<2x120xi32, #tpu.memory_space<hbm>>
        tpu.enqueue_dma source(%dma_start3A_623 : memref<2x120xi32, #tpu.memory_space<hbm>>) target(%arg8 : memref<2x120xi32, #tpu.memory_space<vmem>>) target_semaphore(%arg19 : memref<!tpu.dma_semaphore, #tpu.memory_space<semaphore_mem>>)
      } else {
      }
      %add3A_546 = arith.constant 1 : i32
      %add3A_547 = arith.addi %add3A_533, %add3A_546 : i32
      %lt3A_548 = arith.constant 84 : i32
      %lt3A_549 = arith.cmpi slt, %add3A_547, %lt3A_548 : i32
      %convert_element_type3A_550 = arith.extui %lt3A_549 : i1 to i32
      %cond3A_551 = arith.constant 0 : i32
      %cond3A_552 = arith.cmpi ne, %convert_element_type3A_550, %cond3A_551 : i32
      scf.if %cond3A_552 {
        %add3A_604 = arith.constant 1 : i32
        %add3A_605 = arith.addi %add3A_533, %add3A_604 : i32
        %dma_wait3A_606 = arith.constant 0 : i32
        %dma_wait3A_607 = arith.constant 0 : i32
        %dma_wait3A_608 = arith.constant 0 : i32
        %dma_wait3A_609 = tpu.memref_slice %arg3[%add3A, %dma_wait3A_606, %dma_wait3A_607, %dma_wait3A_608] : memref<32x84x2x120xi32, #tpu.memory_space<hbm>> -> memref<1x84x2x120xi32, #tpu.memory_space<hbm>>
        %dma_wait3A_610 = tpu.memref_squeeze %dma_wait3A_609 : memref<1x84x2x120xi32, #tpu.memory_space<hbm>> -> memref<84x2x120xi32, #tpu.memory_space<hbm>>
        %dma_wait3A_611 = arith.constant 0 : i32
        %dma_wait3A_612 = arith.constant 0 : i32
        %dma_wait3A_613 = tpu.memref_slice %dma_wait3A_610[%add3A_605, %dma_wait3A_611, %dma_wait3A_612] : memref<84x2x120xi32, #tpu.memory_space<hbm>> -> memref<1x2x120xi32, #tpu.memory_space<hbm>>
        %dma_wait3A_614 = tpu.memref_squeeze %dma_wait3A_613 : memref<1x2x120xi32, #tpu.memory_space<hbm>> -> memref<2x120xi32, #tpu.memory_space<hbm>>
        %dma_wait3A_615 = arith.constant 0 : i32
        %dma_wait3A_616 = arith.constant 0 : i32
        %dma_wait3A_617 = arith.constant 0 : i32
        %dma_wait3A_618 = tpu.memref_slice %arg3[%add3A, %dma_wait3A_615, %dma_wait3A_616, %dma_wait3A_617] : memref<32x84x2x120xi32, #tpu.memory_space<hbm>> -> memref<1x84x2x120xi32, #tpu.memory_space<hbm>>
        %dma_wait3A_619 = tpu.memref_squeeze %dma_wait3A_618 : memref<1x84x2x120xi32, #tpu.memory_space<hbm>> -> memref<84x2x120xi32, #tpu.memory_space<hbm>>
        %dma_wait3A_620 = arith.constant 0 : i32
        %dma_wait3A_621 = arith.constant 0 : i32
        %dma_wait3A_622 = tpu.memref_slice %dma_wait3A_619[%add3A_605, %dma_wait3A_620, %dma_wait3A_621] : memref<84x2x120xi32, #tpu.memory_space<hbm>> -> memref<1x2x120xi32, #tpu.memory_space<hbm>>
        %dma_wait3A_623 = tpu.memref_squeeze %dma_wait3A_622 : memref<1x2x120xi32, #tpu.memory_space<hbm>> -> memref<2x120xi32, #tpu.memory_space<hbm>>
        tpu.wait_dma2 semaphore(%arg22 : memref<!tpu.dma_semaphore, #tpu.memory_space<semaphore_mem>>) src(%dma_wait3A_623 : memref<2x120xi32, #tpu.memory_space<hbm>>) dst(%arg11 : memref<2x120xi32, #tpu.memory_space<vmem>>)
        %dma_start3A_624 = arith.constant 0 : i32
        %dma_start3A_625 = arith.constant 0 : i32
        %dma_start3A_626 = tpu.memref_slice %arg11[%dma_start3A_624, %dma_start3A_625] : memref<2x120xi32, #tpu.memory_space<vmem>> -> memref<1x120xi32, #tpu.memory_space<vmem>>
        %dma_start3A_627 = tpu.memref_squeeze %dma_start3A_626 : memref<1x120xi32, #tpu.memory_space<vmem>> -> memref<120xi32, #tpu.memory_space<vmem>>
        %dma_start3A_628 = arith.constant 0 : i32
        %dma_start3A_629 = arith.constant 0 : i32
        %dma_start3A_630 = tpu.memref_slice %arg2[%dma_start3A_628, %dma_start3A_629] : memref<10000x128xf32, #tpu.memory_space<hbm>> -> memref<10000x128xf32, #tpu.memory_space<hbm>>
        tpu.enqueue_indirect_dma source(%dma_start3A_630 : memref<10000x128xf32, #tpu.memory_space<hbm>>) target(%arg7 : memref<120x128xf32, #tpu.memory_space<vmem>>) offsets(%dma_start3A_627 : memref<120xi32, #tpu.memory_space<vmem>>) semaphore(%arg15 : memref<!tpu.dma_semaphore, #tpu.memory_space<semaphore_mem>>)
      } else {
      }
      %dma_wait3A_553 = arith.constant 0 : i32
      %dma_wait3A_554 = arith.constant 0 : i32
      %dma_wait3A_555 = tpu.memref_slice %arg10[%dma_wait3A_553, %dma_wait3A_554] : memref<2x120xi32, #tpu.memory_space<vmem>> -> memref<1x120xi32, #tpu.memory_space<vmem>>
      %dma_wait3A_556 = tpu.memref_squeeze %dma_wait3A_555 : memref<1x120xi32, #tpu.memory_space<vmem>> -> memref<120xi32, #tpu.memory_space<vmem>>
      %dma_wait3A_557 = arith.constant 0 : i32
      %dma_wait3A_558 = arith.constant 0 : i32
      %dma_wait3A_559 = tpu.memref_slice %arg2[%dma_wait3A_557, %dma_wait3A_558] : memref<10000x128xf32, #tpu.memory_space<hbm>> -> memref<10000x128xf32, #tpu.memory_space<hbm>>
      tpu.wait_indirect_dma semaphore(%arg14 : memref<!tpu.dma_semaphore, #tpu.memory_space<semaphore_mem>>) src(%dma_wait3A_559 : memref<10000x128xf32, #tpu.memory_space<hbm>>) dst(%arg6 : memref<120x128xf32, #tpu.memory_space<vmem>>)
      %dma_start3A_560 = arith.constant 1 : i32
      %dma_start3A_561 = arith.constant 0 : i32
      %dma_start3A_562 = tpu.memref_slice %arg10[%dma_start3A_560, %dma_start3A_561] : memref<2x120xi32, #tpu.memory_space<vmem>> -> memref<1x120xi32, #tpu.memory_space<vmem>>
      %dma_start3A_563 = tpu.memref_squeeze %dma_start3A_562 : memref<1x120xi32, #tpu.memory_space<vmem>> -> memref<120xi32, #tpu.memory_space<vmem>>
      %dma_start3A_564 = arith.constant 0 : i32
      %dma_start3A_565 = arith.constant 0 : i32
      %dma_start3A_566 = tpu.memref_slice %arg12[%dma_start3A_564, %dma_start3A_565] : memref<10112x128xf32, #tpu.memory_space<vmem_shared>> -> memref<10112x128xf32, #tpu.memory_space<vmem_shared>>
      tpu.enqueue_indirect_dma source(%arg6 : memref<120x128xf32, #tpu.memory_space<vmem>>) target(%dma_start3A_566 : memref<10112x128xf32, #tpu.memory_space<vmem_shared>>) offsets(%dma_start3A_563 : memref<120xi32, #tpu.memory_space<vmem>>) semaphore(%arg17 : memref<!tpu.dma_semaphore, #tpu.memory_space<semaphore_mem>>) {add = true}
      %mul3A_567 = arith.constant 12 : i32
      %mul3A_568 = arith.muli %mul3A_567, %scan3A_163 : i32
      %add3A_569 = arith.constant 11 : i32
      %add3A_570 = arith.addi %mul3A_568, %add3A_569 : i32
      %ge3A_571 = arith.constant 2 : i32
      %ge3A_572 = arith.cmpi sge, %add3A_570, %ge3A_571 : i32
      %convert_element_type3A_573 = arith.extui %ge3A_572 : i1 to i32
      %cond3A_574 = arith.constant 0 : i32
      %cond3A_575 = arith.cmpi ne, %convert_element_type3A_573, %cond3A_574 : i32
      scf.if %cond3A_575 {
        %dma_wait3A_604 = arith.constant 1 : i32
        %dma_wait3A_605 = arith.constant 0 : i32
        %dma_wait3A_606 = tpu.memref_slice %arg9[%dma_wait3A_604, %dma_wait3A_605] : memref<2x120xi32, #tpu.memory_space<vmem>> -> memref<1x120xi32, #tpu.memory_space<vmem>>
        %dma_wait3A_607 = tpu.memref_squeeze %dma_wait3A_606 : memref<1x120xi32, #tpu.memory_space<vmem>> -> memref<120xi32, #tpu.memory_space<vmem>>
        %dma_wait3A_608 = arith.constant 0 : i32
        %dma_wait3A_609 = arith.constant 0 : i32
        %dma_wait3A_610 = tpu.memref_slice %arg12[%dma_wait3A_608, %dma_wait3A_609] : memref<10112x128xf32, #tpu.memory_space<vmem_shared>> -> memref<10112x128xf32, #tpu.memory_space<vmem_shared>>
        tpu.wait_indirect_dma semaphore(%arg16 : memref<!tpu.dma_semaphore, #tpu.memory_space<semaphore_mem>>) src(%arg5 : memref<120x128xf32, #tpu.memory_space<vmem>>) dst(%dma_wait3A_610 : memref<10112x128xf32, #tpu.memory_space<vmem_shared>>)
      } else {
      }
      %add3A_576 = arith.constant 2 : i32
      %add3A_577 = arith.addi %add3A_570, %add3A_576 : i32
      %lt3A_578 = arith.constant 84 : i32
      %lt3A_579 = arith.cmpi slt, %add3A_577, %lt3A_578 : i32
      %convert_element_type3A_580 = arith.extui %lt3A_579 : i1 to i32
      %cond3A_581 = arith.constant 0 : i32
      %cond3A_582 = arith.cmpi ne, %convert_element_type3A_580, %cond3A_581 : i32
      scf.if %cond3A_582 {
        %add3A_604 = arith.constant 2 : i32
        %add3A_605 = arith.addi %add3A_570, %add3A_604 : i32
        %dma_start3A_606 = arith.constant 0 : i32
        %dma_start3A_607 = arith.constant 0 : i32
        %dma_start3A_608 = arith.constant 0 : i32
        %dma_start3A_609 = tpu.memref_slice %arg3[%add3A, %dma_start3A_606, %dma_start3A_607, %dma_start3A_608] : memref<32x84x2x120xi32, #tpu.memory_space<hbm>> -> memref<1x84x2x120xi32, #tpu.memory_space<hbm>>
        %dma_start3A_610 = tpu.memref_squeeze %dma_start3A_609 : memref<1x84x2x120xi32, #tpu.memory_space<hbm>> -> memref<84x2x120xi32, #tpu.memory_space<hbm>>
        %dma_start3A_611 = arith.constant 0 : i32
        %dma_start3A_612 = arith.constant 0 : i32
        %dma_start3A_613 = tpu.memref_slice %dma_start3A_610[%add3A_605, %dma_start3A_611, %dma_start3A_612] : memref<84x2x120xi32, #tpu.memory_space<hbm>> -> memref<1x2x120xi32, #tpu.memory_space<hbm>>
        %dma_start3A_614 = tpu.memref_squeeze %dma_start3A_613 : memref<1x2x120xi32, #tpu.memory_space<hbm>> -> memref<2x120xi32, #tpu.memory_space<hbm>>
        %dma_start3A_615 = arith.constant 0 : i32
        %dma_start3A_616 = arith.constant 0 : i32
        %dma_start3A_617 = arith.constant 0 : i32
        %dma_start3A_618 = tpu.memref_slice %arg3[%add3A, %dma_start3A_615, %dma_start3A_616, %dma_start3A_617] : memref<32x84x2x120xi32, #tpu.memory_space<hbm>> -> memref<1x84x2x120xi32, #tpu.memory_space<hbm>>
        %dma_start3A_619 = tpu.memref_squeeze %dma_start3A_618 : memref<1x84x2x120xi32, #tpu.memory_space<hbm>> -> memref<84x2x120xi32, #tpu.memory_space<hbm>>
        %dma_start3A_620 = arith.constant 0 : i32
        %dma_start3A_621 = arith.constant 0 : i32
        %dma_start3A_622 = tpu.memref_slice %dma_start3A_619[%add3A_605, %dma_start3A_620, %dma_start3A_621] : memref<84x2x120xi32, #tpu.memory_space<hbm>> -> memref<1x2x120xi32, #tpu.memory_space<hbm>>
        %dma_start3A_623 = tpu.memref_squeeze %dma_start3A_622 : memref<1x2x120xi32, #tpu.memory_space<hbm>> -> memref<2x120xi32, #tpu.memory_space<hbm>>
        tpu.enqueue_dma source(%dma_start3A_623 : memref<2x120xi32, #tpu.memory_space<hbm>>) target(%arg9 : memref<2x120xi32, #tpu.memory_space<vmem>>) target_semaphore(%arg20 : memref<!tpu.dma_semaphore, #tpu.memory_space<semaphore_mem>>)
      } else {
      }
      %add3A_583 = arith.constant 1 : i32
      %add3A_584 = arith.addi %add3A_570, %add3A_583 : i32
      %lt3A_585 = arith.constant 84 : i32
      %lt3A_586 = arith.cmpi slt, %add3A_584, %lt3A_585 : i32
      %convert_element_type3A_587 = arith.extui %lt3A_586 : i1 to i32
      %cond3A_588 = arith.constant 0 : i32
      %cond3A_589 = arith.cmpi ne, %convert_element_type3A_587, %cond3A_588 : i32
      scf.if %cond3A_589 {
        %add3A_604 = arith.constant 1 : i32
        %add3A_605 = arith.addi %add3A_570, %add3A_604 : i32
        %dma_wait3A_606 = arith.constant 0 : i32
        %dma_wait3A_607 = arith.constant 0 : i32
        %dma_wait3A_608 = arith.constant 0 : i32
        %dma_wait3A_609 = tpu.memref_slice %arg3[%add3A, %dma_wait3A_606, %dma_wait3A_607, %dma_wait3A_608] : memref<32x84x2x120xi32, #tpu.memory_space<hbm>> -> memref<1x84x2x120xi32, #tpu.memory_space<hbm>>
        %dma_wait3A_610 = tpu.memref_squeeze %dma_wait3A_609 : memref<1x84x2x120xi32, #tpu.memory_space<hbm>> -> memref<84x2x120xi32, #tpu.memory_space<hbm>>
        %dma_wait3A_611 = arith.constant 0 : i32
        %dma_wait3A_612 = arith.constant 0 : i32
        %dma_wait3A_613 = tpu.memref_slice %dma_wait3A_610[%add3A_605, %dma_wait3A_611, %dma_wait3A_612] : memref<84x2x120xi32, #tpu.memory_space<hbm>> -> memref<1x2x120xi32, #tpu.memory_space<hbm>>
        %dma_wait3A_614 = tpu.memref_squeeze %dma_wait3A_613 : memref<1x2x120xi32, #tpu.memory_space<hbm>> -> memref<2x120xi32, #tpu.memory_space<hbm>>
        %dma_wait3A_615 = arith.constant 0 : i32
        %dma_wait3A_616 = arith.constant 0 : i32
        %dma_wait3A_617 = arith.constant 0 : i32
        %dma_wait3A_618 = tpu.memref_slice %arg3[%add3A, %dma_wait3A_615, %dma_wait3A_616, %dma_wait3A_617] : memref<32x84x2x120xi32, #tpu.memory_space<hbm>> -> memref<1x84x2x120xi32, #tpu.memory_space<hbm>>
        %dma_wait3A_619 = tpu.memref_squeeze %dma_wait3A_618 : memref<1x84x2x120xi32, #tpu.memory_space<hbm>> -> memref<84x2x120xi32, #tpu.memory_space<hbm>>
        %dma_wait3A_620 = arith.constant 0 : i32
        %dma_wait3A_621 = arith.constant 0 : i32
        %dma_wait3A_622 = tpu.memref_slice %dma_wait3A_619[%add3A_605, %dma_wait3A_620, %dma_wait3A_621] : memref<84x2x120xi32, #tpu.memory_space<hbm>> -> memref<1x2x120xi32, #tpu.memory_space<hbm>>
        %dma_wait3A_623 = tpu.memref_squeeze %dma_wait3A_622 : memref<1x2x120xi32, #tpu.memory_space<hbm>> -> memref<2x120xi32, #tpu.memory_space<hbm>>
        tpu.wait_dma2 semaphore(%arg19 : memref<!tpu.dma_semaphore, #tpu.memory_space<semaphore_mem>>) src(%dma_wait3A_623 : memref<2x120xi32, #tpu.memory_space<hbm>>) dst(%arg8 : memref<2x120xi32, #tpu.memory_space<vmem>>)
        %dma_start3A_624 = arith.constant 0 : i32
        %dma_start3A_625 = arith.constant 0 : i32
        %dma_start3A_626 = tpu.memref_slice %arg8[%dma_start3A_624, %dma_start3A_625] : memref<2x120xi32, #tpu.memory_space<vmem>> -> memref<1x120xi32, #tpu.memory_space<vmem>>
        %dma_start3A_627 = tpu.memref_squeeze %dma_start3A_626 : memref<1x120xi32, #tpu.memory_space<vmem>> -> memref<120xi32, #tpu.memory_space<vmem>>
        %dma_start3A_628 = arith.constant 0 : i32
        %dma_start3A_629 = arith.constant 0 : i32
        %dma_start3A_630 = tpu.memref_slice %arg2[%dma_start3A_628, %dma_start3A_629] : memref<10000x128xf32, #tpu.memory_space<hbm>> -> memref<10000x128xf32, #tpu.memory_space<hbm>>
        tpu.enqueue_indirect_dma source(%dma_start3A_630 : memref<10000x128xf32, #tpu.memory_space<hbm>>) target(%arg5 : memref<120x128xf32, #tpu.memory_space<vmem>>) offsets(%dma_start3A_627 : memref<120xi32, #tpu.memory_space<vmem>>) semaphore(%arg13 : memref<!tpu.dma_semaphore, #tpu.memory_space<semaphore_mem>>)
      } else {
      }
      %dma_wait3A_590 = arith.constant 0 : i32
      %dma_wait3A_591 = arith.constant 0 : i32
      %dma_wait3A_592 = tpu.memref_slice %arg11[%dma_wait3A_590, %dma_wait3A_591] : memref<2x120xi32, #tpu.memory_space<vmem>> -> memref<1x120xi32, #tpu.memory_space<vmem>>
      %dma_wait3A_593 = tpu.memref_squeeze %dma_wait3A_592 : memref<1x120xi32, #tpu.memory_space<vmem>> -> memref<120xi32, #tpu.memory_space<vmem>>
      %dma_wait3A_594 = arith.constant 0 : i32
      %dma_wait3A_595 = arith.constant 0 : i32
      %dma_wait3A_596 = tpu.memref_slice %arg2[%dma_wait3A_594, %dma_wait3A_595] : memref<10000x128xf32, #tpu.memory_space<hbm>> -> memref<10000x128xf32, #tpu.memory_space<hbm>>
      tpu.wait_indirect_dma semaphore(%arg15 : memref<!tpu.dma_semaphore, #tpu.memory_space<semaphore_mem>>) src(%dma_wait3A_596 : memref<10000x128xf32, #tpu.memory_space<hbm>>) dst(%arg7 : memref<120x128xf32, #tpu.memory_space<vmem>>)
      %dma_start3A_597 = arith.constant 1 : i32
      %dma_start3A_598 = arith.constant 0 : i32
      %dma_start3A_599 = tpu.memref_slice %arg11[%dma_start3A_597, %dma_start3A_598] : memref<2x120xi32, #tpu.memory_space<vmem>> -> memref<1x120xi32, #tpu.memory_space<vmem>>
      %dma_start3A_600 = tpu.memref_squeeze %dma_start3A_599 : memref<1x120xi32, #tpu.memory_space<vmem>> -> memref<120xi32, #tpu.memory_space<vmem>>
      %dma_start3A_601 = arith.constant 0 : i32
      %dma_start3A_602 = arith.constant 0 : i32
      %dma_start3A_603 = tpu.memref_slice %arg12[%dma_start3A_601, %dma_start3A_602] : memref<10112x128xf32, #tpu.memory_space<vmem_shared>> -> memref<10112x128xf32, #tpu.memory_space<vmem_shared>>
      tpu.enqueue_indirect_dma source(%arg7 : memref<120x128xf32, #tpu.memory_space<vmem>>) target(%dma_start3A_603 : memref<10112x128xf32, #tpu.memory_space<vmem_shared>>) offsets(%dma_start3A_600 : memref<120xi32, #tpu.memory_space<vmem>>) semaphore(%arg18 : memref<!tpu.dma_semaphore, #tpu.memory_space<semaphore_mem>>) {add = true}
    }
    %scan3A_147 = arith.constant 7 : i32
    %dma_wait3A_148 = arith.constant 1 : i32
    %dma_wait3A_149 = arith.constant 0 : i32
    %dma_wait3A_150 = tpu.memref_slice %arg10[%dma_wait3A_148, %dma_wait3A_149] : memref<2x120xi32, #tpu.memory_space<vmem>> -> memref<1x120xi32, #tpu.memory_space<vmem>>
    %dma_wait3A_151 = tpu.memref_squeeze %dma_wait3A_150 : memref<1x120xi32, #tpu.memory_space<vmem>> -> memref<120xi32, #tpu.memory_space<vmem>>
    %dma_wait3A_152 = arith.constant 0 : i32
    %dma_wait3A_153 = arith.constant 0 : i32
    %dma_wait3A_154 = tpu.memref_slice %arg12[%dma_wait3A_152, %dma_wait3A_153] : memref<10112x128xf32, #tpu.memory_space<vmem_shared>> -> memref<10112x128xf32, #tpu.memory_space<vmem_shared>>
    tpu.wait_indirect_dma semaphore(%arg17 : memref<!tpu.dma_semaphore, #tpu.memory_space<semaphore_mem>>) src(%arg6 : memref<120x128xf32, #tpu.memory_space<vmem>>) dst(%dma_wait3A_154 : memref<10112x128xf32, #tpu.memory_space<vmem_shared>>)
    %dma_wait3A_155 = arith.constant 1 : i32
    %dma_wait3A_156 = arith.constant 0 : i32
    %dma_wait3A_157 = tpu.memref_slice %arg11[%dma_wait3A_155, %dma_wait3A_156] : memref<2x120xi32, #tpu.memory_space<vmem>> -> memref<1x120xi32, #tpu.memory_space<vmem>>
    %dma_wait3A_158 = tpu.memref_squeeze %dma_wait3A_157 : memref<1x120xi32, #tpu.memory_space<vmem>> -> memref<120xi32, #tpu.memory_space<vmem>>
    %dma_wait3A_159 = arith.constant 0 : i32
    %dma_wait3A_160 = arith.constant 0 : i32
    %dma_wait3A_161 = tpu.memref_slice %arg12[%dma_wait3A_159, %dma_wait3A_160] : memref<10112x128xf32, #tpu.memory_space<vmem_shared>> -> memref<10112x128xf32, #tpu.memory_space<vmem_shared>>
    tpu.wait_indirect_dma semaphore(%arg18 : memref<!tpu.dma_semaphore, #tpu.memory_space<semaphore_mem>>) src(%arg7 : memref<120x128xf32, #tpu.memory_space<vmem>>) dst(%dma_wait3A_161 : memref<10112x128xf32, #tpu.memory_space<vmem_shared>>)
    %barrier3A_162 = arith.constant 0 : index
    tpu.barrier barrier_id(%barrier3A_162)
    "tpu.region"() ({
      %run_scoped3A = tpu.sem_alloc : memref<!tpu.dma_semaphore, #tpu.memory_space<semaphore_mem>>
      %dma_start3A_163 = arith.constant 0 : i32
      %dma_start3A_164 = arith.constant 0 : i32
      %dma_start3A_165 = tpu.memref_slice %arg4[%arg0, %dma_start3A_163, %dma_start3A_164] : memref<2x10112x128xf32, #tpu.memory_space<hbm>> -> memref<1x10112x128xf32, #tpu.memory_space<hbm>>
      %dma_start3A_166 = tpu.memref_squeeze %dma_start3A_165 : memref<1x10112x128xf32, #tpu.memory_space<hbm>> -> memref<10112x128xf32, #tpu.memory_space<hbm>>
      %dma_start3A_167 = arith.constant 0 : i32
      %dma_start3A_168 = tpu.memref_slice %dma_start3A_166[%mul3A_2, %dma_start3A_167] : memref<10112x128xf32, #tpu.memory_space<hbm>> -> memref<632x128xf32, #tpu.memory_space<hbm>>
      %dma_start3A_169 = arith.constant 0 : i32
      %dma_start3A_170 = tpu.memref_slice %arg12[%mul3A_2, %dma_start3A_169] : memref<10112x128xf32, #tpu.memory_space<vmem_shared>> -> memref<632x128xf32, #tpu.memory_space<vmem_shared>>
      tpu.enqueue_dma source(%dma_start3A_170 : memref<632x128xf32, #tpu.memory_space<vmem_shared>>) target(%dma_start3A_168 : memref<632x128xf32, #tpu.memory_space<hbm>>) target_semaphore(%run_scoped3A : memref<!tpu.dma_semaphore, #tpu.memory_space<semaphore_mem>>)
      %dma_wait3A_171 = arith.constant 0 : i32
      %dma_wait3A_172 = arith.constant 0 : i32
      %dma_wait3A_173 = tpu.memref_slice %arg4[%arg0, %dma_wait3A_171, %dma_wait3A_172] : memref<2x10112x128xf32, #tpu.memory_space<hbm>> -> memref<1x10112x128xf32, #tpu.memory_space<hbm>>
      %dma_wait3A_174 = tpu.memref_squeeze %dma_wait3A_173 : memref<1x10112x128xf32, #tpu.memory_space<hbm>> -> memref<10112x128xf32, #tpu.memory_space<hbm>>
      %dma_wait3A_175 = arith.constant 0 : i32
      %dma_wait3A_176 = tpu.memref_slice %dma_wait3A_174[%mul3A_2, %dma_wait3A_175] : memref<10112x128xf32, #tpu.memory_space<hbm>> -> memref<632x128xf32, #tpu.memory_space<hbm>>
      %dma_wait3A_177 = arith.constant 0 : i32
      %dma_wait3A_178 = tpu.memref_slice %arg12[%mul3A_2, %dma_wait3A_177] : memref<10112x128xf32, #tpu.memory_space<vmem_shared>> -> memref<632x128xf32, #tpu.memory_space<vmem_shared>>
      tpu.wait_dma2 semaphore(%run_scoped3A : memref<!tpu.dma_semaphore, #tpu.memory_space<semaphore_mem>>) src(%dma_wait3A_178 : memref<632x128xf32, #tpu.memory_space<vmem_shared>>) dst(%dma_wait3A_176 : memref<632x128xf32, #tpu.memory_space<hbm>>)
      tpu.yield
    }) : () -> ()
    return
  }
}

module attributes {stable_mosaic.version = 14 : i64} {
  func.func @body(%arg0: i32, %arg1: memref<10000x128xf32, #tpu.memory_space<vmem>>, %arg2: memref<128x128xf32, #tpu.memory_space<vmem>>, %arg3: memref<1x128xf32, #tpu.memory_space<vmem>>, %arg4: memref<10000x128xf32, #tpu.memory_space<vmem>>) attributes {dimension_semantics = [#tpu.dimension_semantics<arbitrary>], iteration_bounds = array<i64: 1>, scalar_prefetch = 0 : i64, scratch_operands = 0 : i64, tpu.core_type = #tpu.core_type<tc>, window_params = [{transform_indices = @transform_0, window_bounds = array<i64: 10000, 128>}, {pipeline_mode = #tpu.pipeline_mode<synchronous>, transform_indices = @transform_1, window_bounds = array<i64: 128, 128>}, {pipeline_mode = #tpu.pipeline_mode<synchronous>, transform_indices = @transform_2, window_bounds = array<i64: 1, 128>}, {transform_indices = @transform_3, window_bounds = array<i64: 10000, 128>}]} {
    %get3A = arith.constant 0 : index
    %get3A_0 = arith.constant 0 : index
    %get3A_1 = vector.load %arg1[%get3A, %get3A_0] : memref<10000x128xf32, #tpu.memory_space<vmem>>, vector<10000x128xf32>
    %get3A_2 = arith.constant 0 : index
    %get3A_3 = arith.constant 0 : index
    %get3A_4 = vector.load %arg2[%get3A_2, %get3A_3] : memref<128x128xf32, #tpu.memory_space<vmem>>, vector<128x128xf32>
    %dot_general3A = arith.constant dense<0.000000e+00> : vector<10000x128xf32>
    %dot_general3A_5 = tpu.matmul %get3A_1, %get3A_4, %dot_general3A {dimension_numbers = #tpu.dot_dimension_numbers<[1], [1], [0], [0], [0, 0, 1, 0], [], []>, transpose_lhs_hint = false} : vector<10000x128xf32>, vector<128x128xf32>, vector<10000x128xf32> -> vector<10000x128xf32>
    %get3A_6 = arith.constant 0 : index
    %get3A_7 = arith.constant 0 : index
    %get3A_8 = vector.load %arg3[%get3A_6, %get3A_7] : memref<1x128xf32, #tpu.memory_space<vmem>>, vector<1x128xf32>
    %add3A = vector.broadcast %get3A_8 : vector<1x128xf32> to vector<10000x128xf32>
    %add3A_9 = arith.addf %dot_general3A_5, %add3A : vector<10000x128xf32>
    %swap3A = arith.constant 0 : index
    %swap3A_10 = arith.constant 0 : index
    %swap3A_11 = vector.load %arg4[%swap3A, %swap3A_10] : memref<10000x128xf32, #tpu.memory_space<vmem>>, vector<10000x128xf32>
    tpu.vector_store %arg4[%swap3A, %swap3A_10], %add3A_9 {strides = array<i32>} : memref<10000x128xf32, #tpu.memory_space<vmem>>, vector<10000x128xf32>,
    return
  }
  func.func @transform_0(%arg0: i32) -> (i32, i32) {
    %c0_i32 = arith.constant 0 : i32
    %c0_i32_0 = arith.constant 0 : i32
    return %arg0, %c0_i32 : i32, i32
  }
  func.func @transform_1(%arg0: i32) -> (i32, i32) {
    %c0_i32 = arith.constant 0 : i32
    %c0_i32_0 = arith.constant 0 : i32
    %c0_i32_1 = arith.constant 0 : i32
    return %c0_i32, %c0_i32_0 : i32, i32
  }
  func.func @transform_2(%arg0: i32) -> (i32, i32) {
    %c0_i32 = arith.constant 0 : i32
    %c0_i32_0 = arith.constant 0 : i32
    %c0_i32_1 = arith.constant 0 : i32
    return %c0_i32, %c0_i32_0 : i32, i32
  }
  func.func @transform_3(%arg0: i32) -> (i32, i32) {
    %c0_i32 = arith.constant 0 : i32
    %c0_i32_0 = arith.constant 0 : i32
    return %arg0, %c0_i32 : i32, i32
  }
}

module attributes {stable_mosaic.version = 14 : i64} {
  func.func @body(%arg0: i32, %arg1: memref<2x10000x128xf32, #tpu.memory_space<vmem>>, %arg2: memref<10000x128xf32, #tpu.memory_space<vmem>>) attributes {dimension_semantics = [#tpu.dimension_semantics<arbitrary>], iteration_bounds = array<i64: 1>, scalar_prefetch = 0 : i64, scratch_operands = 0 : i64, tpu.core_type = #tpu.core_type<tc>, window_params = [{transform_indices = @transform_0, window_bounds = array<i64: 2, 10000, 128>}, {transform_indices = @transform_1, window_bounds = array<i64: 10000, 128>}]} {
    %get3A = arith.constant 0 : index
    %get3A_0 = arith.constant 0 : index
    %get3A_1 = arith.constant 0 : index
    %get3A_2 = vector.load %arg1[%get3A, %get3A_0, %get3A_1] : memref<2x10000x128xf32, #tpu.memory_space<vmem>>, vector<1x10000x128xf32>
    %get3A_3 = vector.shape_cast %get3A_2 : vector<1x10000x128xf32> to vector<10000x128xf32>
    %get3A_4 = arith.constant 1 : index
    %get3A_5 = arith.constant 0 : index
    %get3A_6 = arith.constant 0 : index
    %get3A_7 = vector.load %arg1[%get3A_4, %get3A_5, %get3A_6] : memref<2x10000x128xf32, #tpu.memory_space<vmem>>, vector<1x10000x128xf32>
    %get3A_8 = vector.shape_cast %get3A_7 : vector<1x10000x128xf32> to vector<10000x128xf32>
    %add3A = arith.addf %get3A_3, %get3A_8 : vector<10000x128xf32>
    %swap3A = arith.constant 0 : index
    %swap3A_9 = arith.constant 0 : index
    %swap3A_10 = vector.load %arg2[%swap3A, %swap3A_9] : memref<10000x128xf32, #tpu.memory_space<vmem>>, vector<10000x128xf32>
    tpu.vector_store %arg2[%swap3A, %swap3A_9], %add3A {strides = array<i32>} : memref<10000x128xf32, #tpu.memory_space<vmem>>, vector<10000x128xf32>,
    return
  }
  func.func @transform_0(%arg0: i32) -> (i32, i32, i32) {
    %c0_i32 = arith.constant 0 : i32
    %c0_i32_0 = arith.constant 0 : i32
    %c0_i32_1 = arith.constant 0 : i32
    return %c0_i32, %arg0, %c0_i32_0 : i32, i32, i32
  }
  func.func @transform_1(%arg0: i32) -> (i32, i32) {
    %c0_i32 = arith.constant 0 : i32
    %c0_i32_0 = arith.constant 0 : i32
    return %arg0, %c0_i32 : i32, i32
  }
}

</mosaic_0001>

<sc_bundles>
// kernel: kernel.5.cloned.1.call-start
scs
__scs_entry_jumppad:
0x0: {  	(pc) =	sbr.rel $0x88, $3  }
0x1: {  	(tag) =	ssettag $0x0;
	lr =	simm.s32 $0x1  }
0x2: {  	[smem:$0x3F9D] =	sst lr;
	_ =	strace $0xD0000000  }
0x3: {  	_ = 	snop  }
0x4: {  	_ = 	snop  }
0x5: {  	_ = 	snop  }
0x6: {  	_ = 	snop  }
0x7: {  	_ = 	snop  }
__scs_overlays_trampoline_lowered:
0x8: {  	[smem:$0x3FAC] =	sst s0  }
0x9: {  	[smem:$0x3FAD] =	sst s1  }
0xa: {  	[smem:$0x3FAE] =	sst s2  }
0xb: {  	[smem:$0x3FAF] =	sst s3  }
0xc: {  	[smem:$0x3FB0] =	sst s4  }
0xd: {  	[smem:$0x3FB1] =	sst s5  }
0xe: {  	[smem:$0x3FB2] =	sst s6  }
0xf: {  	[smem:$0x3FB3] =	sst s7  }
0x10: {  	[smem:$0x3FB4] =	sst s8  }
0x11: {  	[smem:$0x3FB5] =	sst s9;
	s0 =	simm.s32 @!p0 $0x0  }
0x12: {  	s1 =	sld [smem:$0x3F9B];
	s0 =	simm.s32 @p0 $0x1  }
0x13: {  	[smem:$0x3FB6] =	sst s0;
	s0 =	simm.s32 @!p1 $0x0  }
0x14: {  	s2 =	sld [smem:$0x3F9A];
	s0 =	simm.s32 @p1 $0x1  }
0x15: {  	[smem:$0x3FB7] =	sst s0;
	s0 =	simm.s32 @!p2 $0x0  }
0x16: {  	s3 =	sld [smem:$0x3FDB];
	s0 =	simm.s32 @p2 $0x1  }
0x17: {  	s4 =	simm.s32 $0x1BF5;
	[smem:$0x3FB9] =	sst s0  }
0x18: {  	s0 =	sld [smem:$0x3F9C];
	_ =	swait.ge [sflag:s4], $0x0  }
0x19: {  	s7 =	sld [smem:$0x3F9D]  }
0x1a: {  	s8 =	sadd.s32 $0xFFFFE003, lr  }
0x1b: {  	s9 =	sadd.s32 $0xFFFFFEF7, lr;
	s5 =	simm.s32 $0xFFFFFFFF;
	p2 =	slt.u32 s8, $0xFFFFF086  }
0x1c: {  	p1 =	slt.u32 s9, $0xF7A;
	s5 =	simm.s32 @!p2 $0x0  }
0x1d: {  	s5 =	simm.s32 @p1 $0x1;
	p0 =	seq.s32 s7, s2  }
0x1e: {  	s7 =	smul.u32 @!p0 $0xF7A, s2;
	p2 =	seq.s32 @!p0 s5, $0x0  }
0x1f: {  	s9 =	smul.u32 $0xF7A, s1;
	s8 =	simm.s32 @!p0 $0x1BF5;
	p2 =	por !p2, p0  }
0x20: {  	[sflag:s8] =	ssyncset.s32 @!p0 $0xFFFFF086;
	s6 =	sadd.s32 @!p0 s3, s7;
	s7 =	simm.s32 @!p0 $0x108  }
0x21: {  	s3 =	sadd.s32 s3, s9;
	s6 =	sadd.s32 @!p0 $0x88, s6;
	s7 =	simm.s32 @p2 $0x1082  }
0x22: {  	[simem:s7], [sflag:s8] =	dma.local @!p0 [hbm:s6], $0xF7A  }
0x23: {  	s9 =	sor.u32 $0xD0000000, s2;
	s6 =	simm.s32 $0x108;
	_ =	swait.ge @!p0 [sflag:s8], $0x0  }
0x24: {  	s3 =	sadd.s32 $0x88, s3;
	s6 =	simm.s32 @!p1 $0x1082;
	[sflag:s4] =	ssyncset.s32 $0xFFFFF086  }
0x25: {  	[simem:s6], [sflag:s4] =	dma.local [hbm:s3], $0xF7A  }
0x26: {  	[smem:$0x3F9D] =	sst s1;
	(tag) =	ssettag s2;
	_ =	strace s9  }
0x27: {  	s1 =	sld [smem:$0x3FAD]  }
0x28: {  	s2 =	sld [smem:$0x3FAE]  }
0x29: {  	s4 =	sld [smem:$0x3FB0]  }
0x2a: {  	p0 =	seq.s32 s5, $0x0;
	s5 =	sld [smem:$0x3FB1]  }
0x2b: {  	s6 =	sld [smem:$0x3FB2]  }
0x2c: {  	s7 =	sld [smem:$0x3FB3]  }
0x2d: {  	s3 =	simm.s32 $0x108;
	s8 =	sld [smem:$0x3FB4]  }
0x2e: {  	s3 =	simm.s32 @!p0 $0x1082;
	s9 =	sld [smem:$0x3FB5]  }
0x2f: {  	lr =	sadd.s32 s0, s3;
	s0 =	sld [smem:$0x3FAC]  }
0x30: {  	s3 =	sld [smem:$0x3FAF]  }
0x31: {  	[smem:$0x3FB8] =	sst s10  }
0x32: {  	s10 =	sld [smem:$0x3FB6];
	_ =	sdelay $0x3  }
0x33: {  	p0 =	seq.s32 s10, $0x1;
	s10 =	sld [smem:$0x3FB8];
	_ =	sdelay $0x3  }
0x34: {  	[smem:$0x3FB8] =	sst s10  }
0x35: {  	s10 =	sld [smem:$0x3FB7];
	_ =	sdelay $0x3  }
0x36: {  	p1 =	seq.s32 s10, $0x1;
	s10 =	sld [smem:$0x3FB8];
	_ =	sdelay $0x3  }
0x37: {  	[smem:$0x3FB8] =	sst s10  }
0x38: {  	s10 =	sld [smem:$0x3FB9]  }
0x39: {  	_ = 	snop;
	(pc) =	sbr.ind lr, $3  }
0x3a: {  	_ = 	snop  }
0x3b: {  	_ = 	snop  }
0x3c: {  	p2 =	seq.s32 s10, $0x1;
	s10 =	sld [smem:$0x3FB8]  }
0x3d: {  	_ =	shalt  }
0x3e: {  	_ =	shalt  }
0x3f: {  	_ =	shalt  }
0x40: {  	_ =	shalt  }
0x41: {  	_ =	shalt  }
0x42: {  	_ =	shalt  }
0x43: {  	_ =	shalt  }
0x44: {  	_ =	shalt  }
0x45: {  	_ =	shalt  }
0x46: {  	_ =	shalt  }
0x47: {  	_ =	shalt  }
0x48: {  	_ =	shalt  }
0x49: {  	_ =	shalt  }
0x4a: {  	_ =	shalt  }
0x4b: {  	_ =	shalt  }
0x4c: {  	_ =	shalt  }
0x4d: {  	_ =	shalt  }
0x4e: {  	_ =	shalt  }
0x4f: {  	_ =	shalt  }
0x50: {  	_ =	shalt  }
0x51: {  	_ =	shalt  }
0x52: {  	_ =	shalt  }
0x53: {  	_ =	shalt  }
0x54: {  	_ =	shalt  }
0x55: {  	_ =	shalt  }
0x56: {  	_ =	shalt  }
0x57: {  	_ =	shalt  }
0x58: {  	_ =	shalt  }
0x59: {  	_ =	shalt  }
0x5a: {  	_ =	shalt  }
0x5b: {  	_ =	shalt  }
0x5c: {  	_ =	shalt  }
0x5d: {  	_ =	shalt  }
0x5e: {  	_ =	shalt  }
0x5f: {  	_ =	shalt  }
0x60: {  	_ =	shalt  }
0x61: {  	_ =	shalt  }
0x62: {  	_ =	shalt  }
0x63: {  	_ =	shalt  }
0x64: {  	_ =	shalt  }
0x65: {  	_ =	shalt  }
0x66: {  	_ =	shalt  }
0x67: {  	_ =	shalt  }
0x68: {  	_ =	shalt  }
0x69: {  	_ =	shalt  }
0x6a: {  	_ =	shalt  }
0x6b: {  	_ =	shalt  }
0x6c: {  	_ =	shalt  }
0x6d: {  	_ =	shalt  }
0x6e: {  	_ =	shalt  }
0x6f: {  	_ =	shalt  }
0x70: {  	_ =	shalt  }
0x71: {  	_ =	shalt  }
0x72: {  	_ =	shalt  }
0x73: {  	_ =	shalt  }
0x74: {  	_ =	shalt  }
0x75: {  	_ =	shalt  }
0x76: {  	_ =	shalt  }
0x77: {  	_ =	shalt  }
0x78: {  	_ =	shalt  }
0x79: {  	_ =	shalt  }
0x7a: {  	_ =	shalt  }
0x7b: {  	_ =	shalt  }
0x7c: {  	_ =	shalt  }
0x7d: {  	_ =	shalt  }
0x7e: {  	_ =	shalt  }
0x7f: {  	_ =	shalt  }
0x80: {  	_ =	shalt  }
0x81: {  	_ =	shalt  }
0x82: {  	_ =	shalt  }
0x83: {  	_ =	shalt  }
0x84: {  	_ =	shalt  }
0x85: {  	_ =	shalt  }
0x86: {  	_ =	shalt  }
0x87: {  	_ =	shalt  }
.Lfunc_end0:
.L_simem_size_0:
called_computation_lowered:
.L_overlay_start_0:
0x88: {  	s2 =	sld [smem:$0x3FD9]  }
0x89: {  	s3 =	sld [smem:$0x3FFE];
	_ =	sdelay $0x1  }
0x8a: {  	s1 =	srdreg.scid  }
0x8b: {  	s0 =	sand.u32 $0x1, s1  }
0x8c: {  	s14 =	sshll.u32 s0, $0xA;
	s2 =	sadd.s32 s3, s2  }
0x8d: {  	s2 =	sadd.s32 s2, s14  }
0x8e: {  	[smem:$0x3FC4] =	sst s2  }
0x8f: {  	_ = 	snop  }
0x90: {  	s2 =	sld [smem:$0x3FD0];
	_ =	sdelay $0x2  }
0x91: {  	s15 =	simm.s32 $0xA;
	s4 =	simm.s32 $0x10  }
0x92: {  	[smem:s4], [sflag:s15] =	dma.local [hbm:s2], $0x1  }
0x93: {  	_ =	swait.eq [sflag:s15], $0x1  }
0x94: {  	[sflag:s15] =	ssyncset.done $0x0  }
0x95: {  	s16 =	sld [smem:$0x10];
	[sflag:s15] =	ssyncadd.s32 $0xFFFFFFFF  }
0x96: {  	s17 =	sld [smem:$0x11];
	(tm) =	ssettm $0x1  }
0x97: {  	s18 =	sld [smem:$0x3FFB];
	_ =	sdelay $0x3  }
0x98: {  	_ =	strace s18  }
0x99: {  	s4 =	sld [smem:$0x3FFC];
	_ =	sdelay $0x3  }
0x9a: {  	_ =	strace s4  }
0x9b: {  	s4 =	sld [smem:$0x3FFD];
	_ =	sdelay $0x3  }
0x9c: {  	_ =	strace s4  }
0x9d: {  	_ =	strace $0x8FFFFFFF  }
0x9e: {  	s19 =	sld [smem:$0x3FDB];
	_ =	sdelay $0x1  }
0x9f: {  	s5 =	simm.s32 $_scs_section_size  }
0xa0: {  	s6 =	simm.s32 $_size__tile_overlayer_lowered;
	s7 =	simm.s32 $_tile_overlayer_lowered  }
0xa1: {  	s22 =	simm.s32 $0x1BFF;
	s21 =	sshll.u32 s7, $0x1;
	s4 =	sadd.s32 s5, s19  }
0xa2: {  	s8 =	simm.s32 $0x0;
	s20 =	sshll.u32 s6, $0x1;
	s6 =	sadd.s32 s21, s4  }
0xa3: {  	[timem:s8], [sflag:s22] =	dma.local [hbm:s6], s20  }
0xa4: {  	_ =	swait.ge [sflag:s22], s20  }
0xa5: {  	s5 =	ssub.s32 $0x0, s20;
	[sflag:s22] =	ssyncset.done $0x0  }
0xa6: {  	[sflag:s22] =	ssyncadd.s32 s5;
	_ =	sdelay $0x1  }
0xa7: {  	s23 =	simm.s32 $0x1B8B  }
0xa8: {  	_ =	swait.ge [sflag:s23], $0x1  }
0xa9: {  	[sflag:s23] =	ssyncset.done $0x0  }
0xaa: {  	s25 =	simm.s32 $0x1B8E;
	s24 =	sld [smem:$0x3FFE];
	[sflag:s23] =	ssyncadd.s32 $0xFFFFFFFF  }
0xab: {  	s26 =	simm.s32 $execute0_lowered;
	[smem:$0x3FD2] =	sst s25  }
0xac: {  	s6 =	sshll.u32 s26, $0x1;
	_ =	strace $0x80000046;
	[dreg:$0x1] =	wrdreg $0xFFFFFFFF  }
0xad: {  	s28 =	simm.s32 $_size_execute0_lowered;
	s4 =	sadd.s32 s4, s6;
	[dreg:$0x0] =	wrdreg $0x0  }
0xae: {  	s6 =	sshll.u32 s28, $0x1;
	[dreg:$0x2] =	wrdreg s4  }
0xaf: {  	[dreg:$0x3] =	wrdreg s6  }
0xb0: {  	[dreg:$0x4] =	wrdreg $0xC0  }
0xb1: {  	_ =	task [dreg:s8], $0x5FFFF  }
0xb2: {  	[dreg:$0x1] =	wrdreg $0xFFFFFFFF  }
0xb3: {  	[dreg:$0x0] =	wrdreg $0x60  }
0xb4: {  	[dreg:$0x2] =	wrdreg s16  }
0xb5: {  	[dreg:$0x3] =	wrdreg s17  }
0xb6: {  	[dreg:$0x4] =	wrdreg s24  }
0xb7: {  	[dreg:$0x5] =	wrdreg $0xB8000  }
0xb8: {  	[dreg:$0x6] =	wrdreg $0x9  }
0xb9: {  	_ =	task.clear_ibuf [dreg:s8], $0x7FFFF;
	_ =	strace $0x90000046  }
0xba: {  	s29 =	simm.s32 $0x9;
	_ =	strace $0x80000048  }
0xbb: {  	_ =	swait.ge [sflag:s29], $0x1  }
0xbc: {  	[sflag:s29] =	ssyncadd.s32 $0xFFFFFFFF  }
0xbd: {  	_ =	strace $0x90000048  }
0xbe: {  	_ =	sfence  }
0xbf: {  	s30 =	sld [smem:$0x0];
	_ =	sdelay $0x2  }
0xc0: {  	s31 =	sshll.u32 s1, $0xD;
	s1 =	sshrl.u32 s1, $0x2  }
0xc1: {  	s3 =	sand.u32 $0x4000, s31;
	s1 =	sadd.s32 s1, s30  }
0xc2: {  	s0 =	sor.u32 s3, s0;
	s1 =	sshll.u32 s1, $0x11  }
0xc3: {  	s0 =	sor.u32 s1, s0  }
0xc4: {  	s0 =	sadd.s32 $0x8F2B, s0  }
0xc5: {  	[sflag:s0] =	ssyncadd.remote.s32 $0x1  }
0xc6: {  	_ =	sfence.sel $0xFFFF  }
0xc7: {  	[dreg:$0x0] =	wrdreg $0xFFFFFFFF;
	(pc) =	sbr.abs _section_cstart, $3  }
0xc8: {  	[dreg:$0x1] =	wrdreg $0xFFFFFFFF  }
0xc9: {  	_ =	task.clear_ibuf [dreg:s8], $0x2FFFF;
	_ =	strace $0x9FFFFFFF  }
0xca: {  	(tm) =	ssettm $0x7FFFFFFF  }
0xcb: {  	_ =	shalt  }
tec
execute0_lowered:
.L_overlay_start_1:
0x0: {  	(tag) =	ssettag $0x1  }
0x1: {  	s1 =	rddreg [dreg:$0x0]  }
0x2: {  	s0 =	rddreg [dreg:$0x1]  }
0x3: {  	s3 =	rddreg [dreg:$0x2]  }
0x4: {  	s2 =	rddreg [dreg:$0x3]  }
0x5: {  	s4 =	srdreg.scid;
	s9 =	stileid.u32  }
0x6: {  	s14 =	simm.s32 $0x3C00;
	s15 =	simm.s32 $0x7800;
	s16 =	simm.s32 $0xB400  }
0x7: {  	s17 =	simm.s32 $0xB500;
	s18 =	simm.s32 $0xB480;
	s28 =	simm.s32 $0x9  }
0x8: {  	s29 =	simm.s32 $0x2;
	s30 =	simm.s32 $0xB580;
	s7 =	smul.u32 $0x4F000, s9  }
0x9: {  	s31 =	simm.s32 $0x4;
	s5 =	sand.u32 $0x1, s4;
	s26 =	smul.u32 $0x2780, s9  }
0xa: {  	s13 =	simm.s32 $0x0;
	s4 =	simm.s32 $0x0;
	s6 =	smul.u32 $0x27800, s5  }
0xb: {  	[smem:$0x7FF] =	sst s4;
	s19 =	sshll.u32 s5, $0x4;
	s5 =	ssub.s32 $0x2, s5  }
0xc: {  	_ =	strace $0x80000047;
	s7 =	sshrl.u32 s7, $0x2;
	s8 =	sshrl.u32 s5, $0x1  }
0xd: {  	s3 =	sadd.s32 s6, s3;
	s6 =	sor.u32 s9, s19;
	s12 =	sadd.s32 s7, s2  }
0xe: {  	s5 =	ssub.s32 s5, s8;
	s7 =	sadd.s32 $0x3C00, s12;
	[dreg:$0x5] =	wrdreg s12  }
0xf: {  	s19 =	simm.s32 $0x7;
	s20 =	sadd.s32 $0x7800, s12;
	[dreg:$0x6] =	wrdreg s7  }
0x10: {  	s8 =	simm.s32 $0xB780;
	s21 =	sadd.s32 $0xB400, s12;
	[dreg:$0x7] =	wrdreg s20  }
0x11: {  	s9 =	simm.s32 $0x6;
	s22 =	sadd.s32 $0xF000, s12;
	[dreg:$0x8] =	wrdreg s21  }
0x12: {  	s6 =	smul.u32 $0xA80, s6;
	s23 =	sadd.s32 $0x12C00, s12;
	[dreg:$0x9] =	wrdreg s22  }
0x13: {  	s25 =	sadd.s32 $0xA00, s3;
	s5 =	smax.u32 s5, $0x1;
	[dreg:$0xa] =	wrdreg s23  }
0x14: {  	s3 =	simm.s32 $0x3;
	[dreg:$0xc] =	wrdreg s5;
	s20 =	simm.s32 $0x78  }
0x15: {  	s21 =	simm.s32 $0xB600;
	s22 =	simm.s32 $0x8;
	s23 =	simm.s32 $0x1  }
0x16: {  	s7 =	simm.s32 $0x5;
	s10 =	sadd.s32 s0, s6;
	s0 =	sadd.s32 s26, s25  }
0x17: {  	s26 =	simm.s32 $0xB700;
	s24 =	sadd.s32 $0x20, s10;
	[dreg:$0xd] =	wrdreg s0  }
0x18: {  	v0 =	vimm.f32 $0.0e+00;
	s6 =	simm.s32 $0xB680;
	s0 =	simm.s32 $0xA;
	[dreg:$0xb] =	wrdreg s24  }
.LBB2_1:
0x19: {  	[dreg:$0xe] =	wrdreg s13;
	s5 =	simm.s32 $0x0;
	s11 =	simm.s32 $0x200  }
.LBB2_2:
0x1a: {  	p0 =	sne.s32 s11, $0xEE00;
	[tilespmem:s5+$0x7870] =	vst v0  }
0x1b: {  	[tilespmem:s5+$0x0] =	vst v0  }
0x1c: {  	[tilespmem:s5+$0x10] =	vst v0  }
0x1d: {  	[tilespmem:s5+$0x20] =	vst v0  }
0x1e: {  	[tilespmem:s5+$0x30] =	vst v0  }
0x1f: {  	[tilespmem:s5+$0x40] =	vst v0  }
0x20: {  	[tilespmem:s5+$0x50] =	vst v0  }
0x21: {  	[tilespmem:s5+$0x60] =	vst v0  }
0x22: {  	[tilespmem:s5+$0x70] =	vst v0  }
0x23: {  	[tilespmem:s5+$0x3C00] =	vst v0  }
0x24: {  	[tilespmem:s5+$0x3C10] =	vst v0  }
0x25: {  	[tilespmem:s5+$0x3C20] =	vst v0  }
0x26: {  	[tilespmem:s5+$0x3C30] =	vst v0  }
0x27: {  	[tilespmem:s5+$0x3C40] =	vst v0  }
0x28: {  	[tilespmem:s5+$0x3C50] =	vst v0  }
0x29: {  	[tilespmem:s5+$0x3C60] =	vst v0  }
0x2a: {  	[tilespmem:s5+$0x3C70] =	vst v0  }
0x2b: {  	[tilespmem:s5+$0x7800] =	vst v0  }
0x2c: {  	[tilespmem:s5+$0x7810] =	vst v0  }
.Ltmp0:
0x2d: {  	[tilespmem:s5+$0x7820] =	vst v0;
	(pc) =	sbr.rel @p0 .LBB2_2-.Ltmp0, $4  }
0x2e: {  	[tilespmem:s5+$0x7830] =	vst v0  }
0x2f: {  	[tilespmem:s5+$0x7840] =	vst v0  }
0x30: {  	[tilespmem:s5+$0x7850] =	vst v0  }
0x31: {  	[tilespmem:s5+$0x7860] =	vst v0;
	s5 =	sshra.s32 s11, $0x2;
	s11 =	sadd.s32 $0x200, s11  }
0x32: {  	[tilespmem:s5+$0x7870] =	vst v0  }
0x33: {  	[tilespmem:s5+$0x0] =	vst v0  }
0x34: {  	[tilespmem:s5+$0x10] =	vst v0  }
0x35: {  	[tilespmem:s5+$0x20] =	vst v0  }
0x36: {  	[tilespmem:s5+$0x30] =	vst v0  }
0x37: {  	[tilespmem:s5+$0x40] =	vst v0  }
0x38: {  	[tilespmem:s5+$0x50] =	vst v0  }
0x39: {  	[tilespmem:s5+$0x60] =	vst v0  }
0x3a: {  	[tilespmem:s5+$0x70] =	vst v0  }
0x3b: {  	[tilespmem:s5+$0x3C00] =	vst v0  }
0x3c: {  	[tilespmem:s5+$0x3C10] =	vst v0  }
0x3d: {  	[tilespmem:s5+$0x3C20] =	vst v0  }
0x3e: {  	[tilespmem:s5+$0x3C30] =	vst v0  }
0x3f: {  	[tilespmem:s5+$0x3C40] =	vst v0  }
0x40: {  	[tilespmem:s5+$0x3C50] =	vst v0  }
0x41: {  	[tilespmem:s5+$0x3C60] =	vst v0  }
0x42: {  	[tilespmem:s5+$0x3C70] =	vst v0  }
0x43: {  	[tilespmem:s5+$0x7800] =	vst v0  }
0x44: {  	[tilespmem:s5+$0x7810] =	vst v0  }
0x45: {  	[tilespmem:s5+$0x7820] =	vst v0  }
0x46: {  	[tilespmem:s5+$0x7830] =	vst v0  }
0x47: {  	[tilespmem:s5+$0x7840] =	vst v0  }
0x48: {  	[tilespmem:s5+$0x7850] =	vst v0  }
0x49: {  	[tilespmem:s5+$0x7860] =	vst v0;
	s5 =	simm.s32 $0x0  }
0x4a: {  	[spmem:s12] =	stream.linear.scatter [tilespmem:s5], [sflag:$0xB], $0x3C00, $0x38;
	[tilespmem:$0x1F400] =	vst v63  }
0x4b: {  	s11 =	rddreg [dreg:$0x6]  }
0x4c: {  	[spmem:s11] =	stream.linear.scatter [tilespmem:s14], [sflag:$0xB], $0x3C00, $0x38;
	[tilespmem:$0x1F400] =	vst v63  }
0x4d: {  	s13 =	rddreg [dreg:$0x7]  }
0x4e: {  	[spmem:s13] =	stream.linear.scatter [tilespmem:s15], [sflag:$0xB], $0x3C00, $0x38;
	[tilespmem:$0x1F400] =	vst v63  }
0x4f: {  	s24 =	rddreg [dreg:$0x8]  }
0x50: {  	[spmem:s24] =	stream.linear.scatter [tilespmem:s5], [sflag:$0xB], $0x3C00, $0x38;
	[tilespmem:$0x1F400] =	vst v63  }
0x51: {  	s25 =	rddreg [dreg:$0x9]  }
0x52: {  	[spmem:s25] =	stream.linear.scatter [tilespmem:s14], [sflag:$0xB], $0x3C00, $0x38;
	[tilespmem:$0x1F400] =	vst v63  }
0x53: {  	s12 =	rddreg [dreg:$0xa]  }
0x54: {  	[spmem:s12] =	stream.linear.scatter [tilespmem:s15], [sflag:$0xB], $0x1000, $0x38;
	[tilespmem:$0x1F400] =	vst v63  }
0x55: {  	_ = 	snop  }
0x56: {  	[tilespmem:s16], [sflag:$0x7] =	stream.linear.gather [hbm4b:s10+s5], $0x100, $0x38;
	[tilespmem:$0x1F400] =	vst v63  }
0x57: {  	s13 =	rddreg [dreg:$0xb];
	s24 =	simm.s32 $0xB  }
0x58: {  	[tilespmem:s17], [sflag:$0x8] =	stream.linear.gather [hbm4b:s13+s5], $0x100, $0x38;
	[tilespmem:$0x1F400] =	vst v63  }
0x59: {  	_ =	swait.ge [sflag:s24], $0x3C00  }
0x5a: {  	[sflag:s24] =	ssyncset.done $0x0  }
0x5b: {  	[sflag:s24] =	ssyncadd.s32 $0xFFFFC400  }
0x5c: {  	_ =	swait.ge [sflag:s24], $0x3C00  }
0x5d: {  	[sflag:s24] =	ssyncset.done $0x0  }
0x5e: {  	[sflag:s24] =	ssyncadd.s32 $0xFFFFC400  }
0x5f: {  	_ =	swait.ge [sflag:s24], $0x3C00  }
0x60: {  	[sflag:s24] =	ssyncset.done $0x0  }
0x61: {  	[sflag:s24] =	ssyncadd.s32 $0xFFFFC400  }
0x62: {  	_ =	swait.ge [sflag:s24], $0x3C00  }
0x63: {  	[sflag:s24] =	ssyncset.done $0x0  }
0x64: {  	[sflag:s24] =	ssyncadd.s32 $0xFFFFC400  }
0x65: {  	_ =	swait.ge [sflag:s24], $0x3C00  }
0x66: {  	[sflag:s24] =	ssyncset.done $0x0  }
0x67: {  	[sflag:s24] =	ssyncadd.s32 $0xFFFFC400  }
0x68: {  	_ =	swait.ge [sflag:s24], $0x1000  }
0x69: {  	[sflag:s24] =	ssyncset.done $0x0  }
0x6a: {  	[sflag:s24] =	ssyncadd.s32 $0xFFFFF000  }
0x6b: {  	[bflag:$0x0] =	sbarrier.arrive $0xFFFF  }
0x6c: {  	_ =	swait.ge [sflag:s19], $0x100  }
0x6d: {  	p0 =	por $0x1, $0x1;
	[sflag:s19] =	ssyncset.done $0x0  }
0x6e: {  	s11 =	simm.s32 @!p0 $0x5;
	[sflag:s19] =	ssyncadd.s32 $0xFFFFFF00  }
0x6f: {  	[tilespmem:s5], [sflag:$0x1] =	stream.indirect.gather [hbm4b:s1+s20], $0x80, s16, s20, $0xb8;
	[tilespmem:$0x1F400] =	vst v63  }
0x70: {  	_ =	swait.ge @!p0 [sflag:s11], $0x3C00  }
0x71: {  	s5 =	sadd.s32 $0x0, s10;
	[sflag:s11] =	ssyncset.done @!p0 $0x0  }
0x72: {  	s25 =	sadd.s32 $0x40, s5;
	[sflag:s11] =	ssyncadd.s32 @!p0 $0xFFFFC400  }
0x73: {  	[tilespmem:s21], [sflag:$0x9] =	stream.linear.gather [hbm4b:s25+s4], $0x100, $0x38;
	[tilespmem:$0x1F400] =	vst v63  }
0x74: {  	_ =	swait.ge [sflag:s22], $0x100  }
0x75: {  	[sflag:s22] =	ssyncset.done $0x0  }
0x76: {  	[sflag:s22] =	ssyncadd.s32 $0xFFFFFF00  }
0x77: {  	[tilespmem:s14], [sflag:$0x2] =	stream.indirect.gather [hbm4b:s1+s20], $0x80, s17, s20, $0xb8;
	[tilespmem:$0x1F400] =	vst v63  }
0x78: {  	_ =	swait.ge [sflag:s23], $0x3C00  }
0x79: {  	[sflag:s23] =	ssyncset.done $0x0  }
0x7a: {  	s11 =	simm.s32 @!p0 $0x6;
	[sflag:s23] =	ssyncadd.s32 $0xFFFFC400  }
0x7b: {  	[spmem:s2] =	stream.indirect.scatter.add.f32 [tilespmem:s4], [sflag:$0x4], $0x80, s18, s20, $0xb8;
	[tilespmem:$0x1F400] =	vst v63  }
0x7c: {  	_ =	swait.ge @!p0 [sflag:s11], $0x3C00  }
0x7d: {  	[sflag:s11] =	ssyncset.done @!p0 $0x0  }
0x7e: {  	s12 =	sadd.s32 $0x60, s5;
	[sflag:s11] =	ssyncadd.s32 @!p0 $0xFFFFC400  }
0x7f: {  	[tilespmem:s26], [sflag:$0xA] =	stream.linear.gather [hbm4b:s12+s4], $0x100, $0x38;
	[tilespmem:$0x1F400] =	vst v63  }
0x80: {  	_ =	swait.ge [sflag:s28], $0x100  }
0x81: {  	[sflag:s28] =	ssyncset.done $0x0  }
0x82: {  	[sflag:s28] =	ssyncadd.s32 $0xFFFFFF00  }
0x83: {  	[tilespmem:s15], [sflag:$0x3] =	stream.indirect.gather [hbm4b:s1+s20], $0x80, s21, s20, $0xb8;
	[tilespmem:$0x1F400] =	vst v63  }
0x84: {  	_ =	swait.ge [sflag:s29], $0x3C00  }
0x85: {  	[sflag:s29] =	ssyncset.done $0x0  }
0x86: {  	[sflag:s29] =	ssyncadd.s32 $0xFFFFC400  }
0x87: {  	[spmem:s2] =	stream.indirect.scatter.add.f32 [tilespmem:s14], [sflag:$0x5], $0x80, s30, s20, $0xb8;
	[tilespmem:$0x1F400] =	vst v63  }
0x88: {  	_ =	swait.ge [sflag:s31], $0x3C00  }
0x89: {  	[sflag:s31] =	ssyncset.done $0x0  }
0x8a: {  	s13 =	sadd.s32 $0x80, s5;
	[sflag:s31] =	ssyncadd.s32 $0xFFFFC400  }
0x8b: {  	[tilespmem:s16], [sflag:$0x7] =	stream.linear.gather [hbm4b:s13+s4], $0x100, $0x38;
	[tilespmem:$0x1F400] =	vst v63  }
0x8c: {  	_ =	swait.ge [sflag:s0], $0x100  }
0x8d: {  	[sflag:s0] =	ssyncset.done $0x0  }
0x8e: {  	[sflag:s0] =	ssyncadd.s32 $0xFFFFFF00  }
0x8f: {  	[tilespmem:s4], [sflag:$0x1] =	stream.indirect.gather [hbm4b:s1+s20], $0x80, s26, s20, $0xb8;
	[tilespmem:$0x1F400] =	vst v63  }
0x90: {  	_ =	swait.ge [sflag:s3], $0x3C00  }
0x91: {  	[sflag:s3] =	ssyncset.done $0x0  }
0x92: {  	[sflag:s3] =	ssyncadd.s32 $0xFFFFC400  }
0x93: {  	[spmem:s2] =	stream.indirect.scatter.add.f32 [tilespmem:s15], [sflag:$0x6], $0x80, s6, s20, $0xb8;
	[tilespmem:$0x1F400] =	vst v63  }
0x94: {  	_ =	swait.ge [sflag:s7], $0x3C00  }
0x95: {  	[sflag:s7] =	ssyncset.done $0x0  }
0x96: {  	s24 =	sadd.s32 $0xA0, s5;
	[sflag:s7] =	ssyncadd.s32 $0xFFFFC400  }
0x97: {  	[tilespmem:s17], [sflag:$0x8] =	stream.linear.gather [hbm4b:s24+s4], $0x100, $0x38;
	[tilespmem:$0x1F400] =	vst v63  }
0x98: {  	_ =	swait.ge [sflag:s19], $0x100  }
0x99: {  	[sflag:s19] =	ssyncset.done $0x0  }
0x9a: {  	[sflag:s19] =	ssyncadd.s32 $0xFFFFFF00  }
0x9b: {  	[tilespmem:s14], [sflag:$0x2] =	stream.indirect.gather [hbm4b:s1+s20], $0x80, s16, s20, $0xb8;
	[tilespmem:$0x1F400] =	vst v63  }
0x9c: {  	_ =	swait.ge [sflag:s23], $0x3C00  }
0x9d: {  	[sflag:s23] =	ssyncset.done $0x0  }
0x9e: {  	[sflag:s23] =	ssyncadd.s32 $0xFFFFC400  }
0x9f: {  	[spmem:s2] =	stream.indirect.scatter.add.f32 [tilespmem:s4], [sflag:$0x4], $0x80, s8, s20, $0xb8;
	[tilespmem:$0x1F400] =	vst v63  }
0xa0: {  	_ =	swait.ge [sflag:s9], $0x3C00  }
0xa1: {  	[sflag:s9] =	ssyncset.done $0x0  }
0xa2: {  	s25 =	sadd.s32 $0xC0, s5;
	[sflag:s9] =	ssyncadd.s32 $0xFFFFC400  }
0xa3: {  	[tilespmem:s21], [sflag:$0x9] =	stream.linear.gather [hbm4b:s25+s4], $0x100, $0x38;
	[tilespmem:$0x1F400] =	vst v63  }
0xa4: {  	_ =	swait.ge [sflag:s22], $0x100  }
0xa5: {  	[sflag:s22] =	ssyncset.done $0x0  }
0xa6: {  	[sflag:s22] =	ssyncadd.s32 $0xFFFFFF00  }
0xa7: {  	[tilespmem:s15], [sflag:$0x3] =	stream.indirect.gather [hbm4b:s1+s20], $0x80, s17, s20, $0xb8;
	[tilespmem:$0x1F400] =	vst v63  }
0xa8: {  	_ =	swait.ge [sflag:s29], $0x3C00  }
0xa9: {  	[sflag:s29] =	ssyncset.done $0x0  }
0xaa: {  	[sflag:s29] =	ssyncadd.s32 $0xFFFFC400  }
0xab: {  	[spmem:s2] =	stream.indirect.scatter.add.f32 [tilespmem:s14], [sflag:$0x5], $0x80, s18, s20, $0xb8;
	[tilespmem:$0x1F400] =	vst v63  }
0xac: {  	_ =	swait.ge [sflag:s31], $0x3C00  }
0xad: {  	[sflag:s31] =	ssyncset.done $0x0  }
0xae: {  	s12 =	sadd.s32 $0xE0, s5;
	[sflag:s31] =	ssyncadd.s32 $0xFFFFC400  }
0xaf: {  	[tilespmem:s26], [sflag:$0xA] =	stream.linear.gather [hbm4b:s12+s4], $0x100, $0x38;
	[tilespmem:$0x1F400] =	vst v63  }
0xb0: {  	_ =	swait.ge [sflag:s28], $0x100  }
0xb1: {  	[sflag:s28] =	ssyncset.done $0x0  }
0xb2: {  	[sflag:s28] =	ssyncadd.s32 $0xFFFFFF00  }
0xb3: {  	[tilespmem:s4], [sflag:$0x1] =	stream.indirect.gather [hbm4b:s1+s20], $0x80, s21, s20, $0xb8;
	[tilespmem:$0x1F400] =	vst v63  }
0xb4: {  	_ =	swait.ge [sflag:s3], $0x3C00  }
0xb5: {  	[sflag:s3] =	ssyncset.done $0x0  }
0xb6: {  	[sflag:s3] =	ssyncadd.s32 $0xFFFFC400  }
0xb7: {  	[spmem:s2] =	stream.indirect.scatter.add.f32 [tilespmem:s15], [sflag:$0x6], $0x80, s30, s20, $0xb8;
	[tilespmem:$0x1F400] =	vst v63  }
0xb8: {  	_ =	swait.ge [sflag:s7], $0x3C00  }
0xb9: {  	[sflag:s7] =	ssyncset.done $0x0  }
0xba: {  	s13 =	sadd.s32 $0x100, s5;
	[sflag:s7] =	ssyncadd.s32 $0xFFFFC400  }
0xbb: {  	[tilespmem:s16], [sflag:$0x7] =	stream.linear.gather [hbm4b:s13+s4], $0x100, $0x38;
	[tilespmem:$0x1F400] =	vst v63  }
0xbc: {  	_ =	swait.ge [sflag:s0], $0x100  }
0xbd: {  	[sflag:s0] =	ssyncset.done $0x0  }
0xbe: {  	[sflag:s0] =	ssyncadd.s32 $0xFFFFFF00  }
0xbf: {  	[tilespmem:s14], [sflag:$0x2] =	stream.indirect.gather [hbm4b:s1+s20], $0x80, s26, s20, $0xb8;
	[tilespmem:$0x1F400] =	vst v63  }
0xc0: {  	_ =	swait.ge [sflag:s23], $0x3C00  }
0xc1: {  	[sflag:s23] =	ssyncset.done $0x0  }
0xc2: {  	[sflag:s23] =	ssyncadd.s32 $0xFFFFC400  }
0xc3: {  	[spmem:s2] =	stream.indirect.scatter.add.f32 [tilespmem:s4], [sflag:$0x4], $0x80, s6, s20, $0xb8;
	[tilespmem:$0x1F400] =	vst v63  }
0xc4: {  	_ =	swait.ge [sflag:s9], $0x3C00  }
0xc5: {  	[sflag:s9] =	ssyncset.done $0x0  }
0xc6: {  	s24 =	sadd.s32 $0x120, s5;
	[sflag:s9] =	ssyncadd.s32 $0xFFFFC400  }
0xc7: {  	[tilespmem:s17], [sflag:$0x8] =	stream.linear.gather [hbm4b:s24+s4], $0x100, $0x38;
	[tilespmem:$0x1F400] =	vst v63  }
0xc8: {  	_ =	swait.ge [sflag:s19], $0x100  }
0xc9: {  	[sflag:s19] =	ssyncset.done $0x0  }
0xca: {  	[sflag:s19] =	ssyncadd.s32 $0xFFFFFF00  }
0xcb: {  	[tilespmem:s15], [sflag:$0x3] =	stream.indirect.gather [hbm4b:s1+s20], $0x80, s16, s20, $0xb8;
	[tilespmem:$0x1F400] =	vst v63  }
0xcc: {  	_ =	swait.ge [sflag:s29], $0x3C00  }
0xcd: {  	[sflag:s29] =	ssyncset.done $0x0  }
0xce: {  	[sflag:s29] =	ssyncadd.s32 $0xFFFFC400  }
0xcf: {  	[spmem:s2] =	stream.indirect.scatter.add.f32 [tilespmem:s14], [sflag:$0x5], $0x80, s8, s20, $0xb8;
	[tilespmem:$0x1F400] =	vst v63  }
0xd0: {  	_ =	swait.ge [sflag:s31], $0x3C00  }
0xd1: {  	[sflag:s31] =	ssyncset.done $0x0  }
0xd2: {  	s25 =	sadd.s32 $0x140, s5;
	[sflag:s31] =	ssyncadd.s32 $0xFFFFC400  }
0xd3: {  	[tilespmem:s21], [sflag:$0x9] =	stream.linear.gather [hbm4b:s25+s4], $0x100, $0x38;
	[tilespmem:$0x1F400] =	vst v63  }
0xd4: {  	_ =	swait.ge [sflag:s22], $0x100  }
0xd5: {  	[sflag:s22] =	ssyncset.done $0x0  }
0xd6: {  	[sflag:s22] =	ssyncadd.s32 $0xFFFFFF00  }
0xd7: {  	[tilespmem:s4], [sflag:$0x1] =	stream.indirect.gather [hbm4b:s1+s20], $0x80, s17, s20, $0xb8;
	[tilespmem:$0x1F400] =	vst v63  }
0xd8: {  	_ =	swait.ge [sflag:s3], $0x3C00  }
0xd9: {  	[sflag:s3] =	ssyncset.done $0x0  }
0xda: {  	[sflag:s3] =	ssyncadd.s32 $0xFFFFC400  }
0xdb: {  	[spmem:s2] =	stream.indirect.scatter.add.f32 [tilespmem:s15], [sflag:$0x6], $0x80, s18, s20, $0xb8;
	[tilespmem:$0x1F400] =	vst v63  }
0xdc: {  	_ =	swait.ge [sflag:s7], $0x3C00  }
0xdd: {  	[sflag:s7] =	ssyncset.done $0x0  }
0xde: {  	s5 =	sadd.s32 $0x160, s5;
	[sflag:s7] =	ssyncadd.s32 $0xFFFFC400  }
0xdf: {  	[tilespmem:s26], [sflag:$0xA] =	stream.linear.gather [hbm4b:s5+s4], $0x100, $0x38;
	[tilespmem:$0x1F400] =	vst v63  }
0xe0: {  	_ =	swait.ge [sflag:s28], $0x100  }
0xe1: {  	[sflag:s28] =	ssyncset.done $0x0  }
0xe2: {  	[sflag:s28] =	ssyncadd.s32 $0xFFFFFF00  }
0xe3: {  	[tilespmem:s14], [sflag:$0x2] =	stream.indirect.gather [hbm4b:s1+s20], $0x80, s21, s20, $0xb8;
	[tilespmem:$0x1F400] =	vst v63  }
0xe4: {  	_ =	swait.ge [sflag:s23], $0x3C00  }
0xe5: {  	[sflag:s23] =	ssyncset.done $0x0  }
0xe6: {  	[sflag:s23] =	ssyncadd.s32 $0xFFFFC400  }
0xe7: {  	[spmem:s2] =	stream.indirect.scatter.add.f32 [tilespmem:s4], [sflag:$0x4], $0x80, s30, s20, $0xb8;
	[tilespmem:$0x1F400] =	vst v63  }
0xe8: {  	p0 =	por $0x0, $0x0;
	_ =	swait.ge [sflag:s9], $0x3C00  }
0xe9: {  	s11 =	simm.s32 @!p0 $0xB400;
	s5 =	sadd.s32 @!p0 $0x0, s10;
	[sflag:s9] =	ssyncset.done $0x0  }
0xea: {  	s24 =	simm.s32 @!p0 $0x0;
	s13 =	sadd.s32 @!p0 $0x180, s5;
	[sflag:s9] =	ssyncadd.s32 $0xFFFFC400  }
0xeb: {  	[tilespmem:s11], [sflag:$0x7] =	stream.linear.gather @!p0 [hbm4b:s13+s24], $0x100, $0x38;
	[tilespmem:$0x1F400] =	vst v63  }
0xec: {  	_ =	swait.ge [sflag:s0], $0x100  }
0xed: {  	[sflag:s0] =	ssyncset.done $0x0  }
0xee: {  	[sflag:s0] =	ssyncadd.s32 $0xFFFFFF00  }
0xef: {  	[tilespmem:s15], [sflag:$0x3] =	stream.indirect.gather [hbm4b:s1+s20], $0x80, s26, s20, $0xb8;
	[tilespmem:$0x1F400] =	vst v63  }
0xf0: {  	_ =	swait.ge [sflag:s29], $0x3C00  }
0xf1: {  	[sflag:s29] =	ssyncset.done $0x0  }
0xf2: {  	[sflag:s29] =	ssyncadd.s32 $0xFFFFC400  }
0xf3: {  	[spmem:s2] =	stream.indirect.scatter.add.f32 [tilespmem:s14], [sflag:$0x5], $0x80, s6, s20, $0xb8;
	[tilespmem:$0x1F400] =	vst v63  }
0xf4: {  	_ =	swait.ge [sflag:s31], $0x3C00  }
0xf5: {  	[sflag:s31] =	ssyncset.done $0x0  }
0xf6: {  	s5 =	sadd.s32 @!p0 $0x1A0, s5;
	s13 =	simm.s32 @!p0 $0xB500;
	[sflag:s31] =	ssyncadd.s32 $0xFFFFC400  }
0xf7: {  	[tilespmem:s13], [sflag:$0x8] =	stream.linear.gather @!p0 [hbm4b:s5+s24], $0x100, $0x38;
	[tilespmem:$0x1F400] =	vst v63  }
0xf8: {  	s5 =	simm.s32 @!p0 $0x7  }
0xf9: {  	_ =	swait.ge @!p0 [sflag:s5], $0x100  }
0xfa: {  	[sflag:s5] =	ssyncset.done @!p0 $0x0  }
0xfb: {  	[sflag:s5] =	ssyncadd.s32 @!p0 $0xFFFFFF00;
	s5 =	simm.s32 @!p0 $0x78  }
0xfc: {  	[tilespmem:s24], [sflag:$0x1] =	stream.indirect.gather @!p0 [hbm4b:s1+s5], $0x80, s11, s5, $0xb8;
	[tilespmem:$0x1F400] =	vst v63  }
0xfd: {  	p1 =	por $0x0, $0x0;
	_ =	swait.ge [sflag:s3], $0x3C00  }
0xfe: {  	s13 =	simm.s32 $0x180;
	s24 =	simm.s32 $0x300;
	[sflag:s3] =	ssyncset.done $0x0  }
.LBB2_4:
0xff: {  	s12 =	simm.s32 @!p1 $0x5  }
0x100: {  	[sflag:s3] =	ssyncadd.s32 $0xFFFFC400;
	s11 =	smov.u32 s24;
	s24 =	sadd.s32 $0x180, s24  }
0x101: {  	[spmem:s2] =	stream.indirect.scatter.add.f32 [tilespmem:s15], [sflag:$0x6], $0x80, s8, s20, $0xb8;
	[tilespmem:$0x1F400] =	vst v63  }
0x102: {  	p0 =	sne.s32 s24, $0xA80;
	_ =	swait.ge @!p1 [sflag:s12], $0x3C00  }
0x103: {  	s5 =	sadd.s32 s13, s10;
	[sflag:s12] =	ssyncset.done @!p1 $0x0  }
0x104: {  	[sflag:s12] =	ssyncadd.s32 @!p1 $0xFFFFC400;
	s12 =	sadd.s32 $0x40, s5  }
0x105: {  	[tilespmem:s21], [sflag:$0x9] =	stream.linear.gather [hbm4b:s12+s4], $0x100, $0x38;
	[tilespmem:$0x1F400] =	vst v63  }
0x106: {  	_ =	swait.ge [sflag:s22], $0x100  }
0x107: {  	[sflag:s22] =	ssyncset.done $0x0  }
0x108: {  	[sflag:s22] =	ssyncadd.s32 $0xFFFFFF00  }
0x109: {  	[tilespmem:s14], [sflag:$0x2] =	stream.indirect.gather [hbm4b:s1+s20], $0x80, s17, s20, $0xb8;
	[tilespmem:$0x1F400] =	vst v63  }
0x10a: {  	_ =	swait.ge [sflag:s23], $0x3C00  }
0x10b: {  	[sflag:s23] =	ssyncset.done $0x0  }
0x10c: {  	s12 =	simm.s32 @!p1 $0x6;
	[sflag:s23] =	ssyncadd.s32 $0xFFFFC400  }
0x10d: {  	[spmem:s2] =	stream.indirect.scatter.add.f32 [tilespmem:s4], [sflag:$0x4], $0x80, s18, s20, $0xb8;
	[tilespmem:$0x1F400] =	vst v63  }
0x10e: {  	_ =	swait.ge @!p1 [sflag:s12], $0x3C00  }
0x10f: {  	[sflag:s12] =	ssyncset.done @!p1 $0x0  }
0x110: {  	[sflag:s12] =	ssyncadd.s32 @!p1 $0xFFFFC400;
	s12 =	sadd.s32 $0x60, s5  }
0x111: {  	[tilespmem:s26], [sflag:$0xA] =	stream.linear.gather [hbm4b:s12+s4], $0x100, $0x38;
	[tilespmem:$0x1F400] =	vst v63  }
0x112: {  	_ =	swait.ge [sflag:s28], $0x100  }
0x113: {  	[sflag:s28] =	ssyncset.done $0x0  }
0x114: {  	[sflag:s28] =	ssyncadd.s32 $0xFFFFFF00  }
0x115: {  	[tilespmem:s15], [sflag:$0x3] =	stream.indirect.gather [hbm4b:s1+s20], $0x80, s21, s20, $0xb8;
	[tilespmem:$0x1F400] =	vst v63  }
0x116: {  	_ =	swait.ge [sflag:s29], $0x3C00  }
0x117: {  	[sflag:s29] =	ssyncset.done $0x0  }
0x118: {  	[sflag:s29] =	ssyncadd.s32 $0xFFFFC400  }
0x119: {  	[spmem:s2] =	stream.indirect.scatter.add.f32 [tilespmem:s14], [sflag:$0x5], $0x80, s30, s20, $0xb8;
	[tilespmem:$0x1F400] =	vst v63  }
0x11a: {  	_ =	swait.ge [sflag:s31], $0x3C00  }
0x11b: {  	[sflag:s31] =	ssyncset.done $0x0  }
0x11c: {  	s12 =	sadd.s32 $0x80, s5;
	[sflag:s31] =	ssyncadd.s32 $0xFFFFC400  }
0x11d: {  	[tilespmem:s16], [sflag:$0x7] =	stream.linear.gather [hbm4b:s12+s4], $0x100, $0x38;
	[tilespmem:$0x1F400] =	vst v63  }
0x11e: {  	_ =	swait.ge [sflag:s0], $0x100  }
0x11f: {  	[sflag:s0] =	ssyncset.done $0x0  }
0x120: {  	[sflag:s0] =	ssyncadd.s32 $0xFFFFFF00  }
0x121: {  	[tilespmem:s4], [sflag:$0x1] =	stream.indirect.gather [hbm4b:s1+s20], $0x80, s26, s20, $0xb8;
	[tilespmem:$0x1F400] =	vst v63  }
0x122: {  	_ =	swait.ge [sflag:s3], $0x3C00  }
0x123: {  	[sflag:s3] =	ssyncset.done $0x0  }
0x124: {  	[sflag:s3] =	ssyncadd.s32 $0xFFFFC400  }
0x125: {  	[spmem:s2] =	stream.indirect.scatter.add.f32 [tilespmem:s15], [sflag:$0x6], $0x80, s6, s20, $0xb8;
	[tilespmem:$0x1F400] =	vst v63  }
0x126: {  	_ =	swait.ge [sflag:s7], $0x3C00  }
0x127: {  	[sflag:s7] =	ssyncset.done $0x0  }
0x128: {  	s12 =	sadd.s32 $0xA0, s5;
	[sflag:s7] =	ssyncadd.s32 $0xFFFFC400  }
0x129: {  	[tilespmem:s17], [sflag:$0x8] =	stream.linear.gather [hbm4b:s12+s4], $0x100, $0x38;
	[tilespmem:$0x1F400] =	vst v63  }
0x12a: {  	_ =	swait.ge [sflag:s19], $0x100  }
0x12b: {  	[sflag:s19] =	ssyncset.done $0x0  }
0x12c: {  	[sflag:s19] =	ssyncadd.s32 $0xFFFFFF00  }
0x12d: {  	[tilespmem:s14], [sflag:$0x2] =	stream.indirect.gather [hbm4b:s1+s20], $0x80, s16, s20, $0xb8;
	[tilespmem:$0x1F400] =	vst v63  }
0x12e: {  	_ =	swait.ge [sflag:s23], $0x3C00  }
0x12f: {  	[sflag:s23] =	ssyncset.done $0x0  }
0x130: {  	[sflag:s23] =	ssyncadd.s32 $0xFFFFC400  }
0x131: {  	[spmem:s2] =	stream.indirect.scatter.add.f32 [tilespmem:s4], [sflag:$0x4], $0x80, s8, s20, $0xb8;
	[tilespmem:$0x1F400] =	vst v63  }
0x132: {  	_ =	swait.ge [sflag:s9], $0x3C00  }
0x133: {  	[sflag:s9] =	ssyncset.done $0x0  }
0x134: {  	s12 =	sadd.s32 $0xC0, s5;
	[sflag:s9] =	ssyncadd.s32 $0xFFFFC400  }
0x135: {  	[tilespmem:s21], [sflag:$0x9] =	stream.linear.gather [hbm4b:s12+s4], $0x100, $0x38;
	[tilespmem:$0x1F400] =	vst v63  }
0x136: {  	_ =	swait.ge [sflag:s22], $0x100  }
0x137: {  	[sflag:s22] =	ssyncset.done $0x0  }
0x138: {  	[sflag:s22] =	ssyncadd.s32 $0xFFFFFF00  }
0x139: {  	[tilespmem:s15], [sflag:$0x3] =	stream.indirect.gather [hbm4b:s1+s20], $0x80, s17, s20, $0xb8;
	[tilespmem:$0x1F400] =	vst v63  }
0x13a: {  	_ =	swait.ge [sflag:s29], $0x3C00  }
0x13b: {  	[sflag:s29] =	ssyncset.done $0x0  }
0x13c: {  	[sflag:s29] =	ssyncadd.s32 $0xFFFFC400  }
0x13d: {  	[spmem:s2] =	stream.indirect.scatter.add.f32 [tilespmem:s14], [sflag:$0x5], $0x80, s18, s20, $0xb8;
	[tilespmem:$0x1F400] =	vst v63  }
0x13e: {  	_ =	swait.ge [sflag:s31], $0x3C00  }
0x13f: {  	[sflag:s31] =	ssyncset.done $0x0  }
0x140: {  	s12 =	sadd.s32 $0xE0, s5;
	[sflag:s31] =	ssyncadd.s32 $0xFFFFC400  }
0x141: {  	[tilespmem:s26], [sflag:$0xA] =	stream.linear.gather [hbm4b:s12+s4], $0x100, $0x38;
	[tilespmem:$0x1F400] =	vst v63  }
0x142: {  	_ =	swait.ge [sflag:s28], $0x100  }
0x143: {  	[sflag:s28] =	ssyncset.done $0x0  }
0x144: {  	[sflag:s28] =	ssyncadd.s32 $0xFFFFFF00  }
0x145: {  	[tilespmem:s4], [sflag:$0x1] =	stream.indirect.gather [hbm4b:s1+s20], $0x80, s21, s20, $0xb8;
	[tilespmem:$0x1F400] =	vst v63  }
0x146: {  	_ =	swait.ge [sflag:s3], $0x3C00  }
0x147: {  	[sflag:s3] =	ssyncset.done $0x0  }
0x148: {  	[sflag:s3] =	ssyncadd.s32 $0xFFFFC400  }
0x149: {  	[spmem:s2] =	stream.indirect.scatter.add.f32 [tilespmem:s15], [sflag:$0x6], $0x80, s30, s20, $0xb8;
	[tilespmem:$0x1F400] =	vst v63  }
0x14a: {  	_ =	swait.ge [sflag:s7], $0x3C00  }
0x14b: {  	[sflag:s7] =	ssyncset.done $0x0  }
0x14c: {  	s12 =	sadd.s32 $0x100, s5;
	[sflag:s7] =	ssyncadd.s32 $0xFFFFC400  }
0x14d: {  	[tilespmem:s16], [sflag:$0x7] =	stream.linear.gather [hbm4b:s12+s4], $0x100, $0x38;
	[tilespmem:$0x1F400] =	vst v63  }
0x14e: {  	_ =	swait.ge [sflag:s0], $0x100  }
0x14f: {  	[sflag:s0] =	ssyncset.done $0x0  }
0x150: {  	[sflag:s0] =	ssyncadd.s32 $0xFFFFFF00  }
0x151: {  	[tilespmem:s14], [sflag:$0x2] =	stream.indirect.gather [hbm4b:s1+s20], $0x80, s26, s20, $0xb8;
	[tilespmem:$0x1F400] =	vst v63  }
0x152: {  	_ =	swait.ge [sflag:s23], $0x3C00  }
0x153: {  	[sflag:s23] =	ssyncset.done $0x0  }
0x154: {  	[sflag:s23] =	ssyncadd.s32 $0xFFFFC400  }
0x155: {  	[spmem:s2] =	stream.indirect.scatter.add.f32 [tilespmem:s4], [sflag:$0x4], $0x80, s6, s20, $0xb8;
	[tilespmem:$0x1F400] =	vst v63  }
0x156: {  	_ =	swait.ge [sflag:s9], $0x3C00  }
0x157: {  	[sflag:s9] =	ssyncset.done $0x0  }
0x158: {  	s12 =	sadd.s32 $0x120, s5;
	[sflag:s9] =	ssyncadd.s32 $0xFFFFC400  }
0x159: {  	[tilespmem:s17], [sflag:$0x8] =	stream.linear.gather [hbm4b:s12+s4], $0x100, $0x38;
	[tilespmem:$0x1F400] =	vst v63  }
0x15a: {  	_ =	swait.ge [sflag:s19], $0x100  }
0x15b: {  	[sflag:s19] =	ssyncset.done $0x0  }
0x15c: {  	[sflag:s19] =	ssyncadd.s32 $0xFFFFFF00  }
0x15d: {  	[tilespmem:s15], [sflag:$0x3] =	stream.indirect.gather [hbm4b:s1+s20], $0x80, s16, s20, $0xb8;
	[tilespmem:$0x1F400] =	vst v63  }
0x15e: {  	_ =	swait.ge [sflag:s29], $0x3C00  }
0x15f: {  	[sflag:s29] =	ssyncset.done $0x0  }
0x160: {  	[sflag:s29] =	ssyncadd.s32 $0xFFFFC400  }
0x161: {  	[spmem:s2] =	stream.indirect.scatter.add.f32 [tilespmem:s14], [sflag:$0x5], $0x80, s8, s20, $0xb8;
	[tilespmem:$0x1F400] =	vst v63  }
0x162: {  	_ =	swait.ge [sflag:s31], $0x3C00  }
0x163: {  	[sflag:s31] =	ssyncset.done $0x0  }
0x164: {  	s12 =	sadd.s32 $0x140, s5;
	[sflag:s31] =	ssyncadd.s32 $0xFFFFC400  }
0x165: {  	[tilespmem:s21], [sflag:$0x9] =	stream.linear.gather [hbm4b:s12+s4], $0x100, $0x38;
	[tilespmem:$0x1F400] =	vst v63  }
0x166: {  	_ =	swait.ge [sflag:s22], $0x100  }
0x167: {  	[sflag:s22] =	ssyncset.done $0x0  }
0x168: {  	[sflag:s22] =	ssyncadd.s32 $0xFFFFFF00  }
0x169: {  	[tilespmem:s4], [sflag:$0x1] =	stream.indirect.gather [hbm4b:s1+s20], $0x80, s17, s20, $0xb8;
	[tilespmem:$0x1F400] =	vst v63  }
0x16a: {  	_ =	swait.ge [sflag:s3], $0x3C00  }
0x16b: {  	[sflag:s3] =	ssyncset.done $0x0  }
0x16c: {  	[sflag:s3] =	ssyncadd.s32 $0xFFFFC400  }
0x16d: {  	[spmem:s2] =	stream.indirect.scatter.add.f32 [tilespmem:s15], [sflag:$0x6], $0x80, s18, s20, $0xb8;
	[tilespmem:$0x1F400] =	vst v63  }
0x16e: {  	_ =	swait.ge [sflag:s7], $0x3C00  }
0x16f: {  	[sflag:s7] =	ssyncset.done $0x0  }
0x170: {  	s5 =	sadd.s32 $0x160, s5;
	[sflag:s7] =	ssyncadd.s32 $0xFFFFC400  }
0x171: {  	[tilespmem:s26], [sflag:$0xA] =	stream.linear.gather [hbm4b:s5+s4], $0x100, $0x38;
	[tilespmem:$0x1F400] =	vst v63  }
0x172: {  	_ =	swait.ge [sflag:s28], $0x100  }
0x173: {  	[sflag:s28] =	ssyncset.done $0x0  }
0x174: {  	[sflag:s28] =	ssyncadd.s32 $0xFFFFFF00  }
0x175: {  	[tilespmem:s14], [sflag:$0x2] =	stream.indirect.gather [hbm4b:s1+s20], $0x80, s21, s20, $0xb8;
	[tilespmem:$0x1F400] =	vst v63  }
0x176: {  	_ =	swait.ge [sflag:s23], $0x3C00  }
0x177: {  	[sflag:s23] =	ssyncset.done $0x0  }
0x178: {  	[sflag:s23] =	ssyncadd.s32 $0xFFFFC400  }
0x179: {  	[spmem:s2] =	stream.indirect.scatter.add.f32 [tilespmem:s4], [sflag:$0x4], $0x80, s30, s20, $0xb8;
	[tilespmem:$0x1F400] =	vst v63  }
0x17a: {  	p1 =	seq.s32 s13, $0x900;
	_ =	swait.ge [sflag:s9], $0x3C00  }
0x17b: {  	s12 =	simm.s32 @!p1 $0xB400;
	s5 =	sadd.s32 @!p1 s13, s10;
	[sflag:s9] =	ssyncset.done $0x0  }
0x17c: {  	s18 =	simm.s32 @!p1 $0x0;
	s13 =	sadd.s32 @!p1 $0x180, s5;
	[sflag:s9] =	ssyncadd.s32 $0xFFFFC400  }
0x17d: {  	[tilespmem:s12], [sflag:$0x7] =	stream.linear.gather @!p1 [hbm4b:s13+s18], $0x100, $0x38;
	[tilespmem:$0x1F400] =	vst v63  }
0x17e: {  	s5 =	sadd.s32 @!p1 $0x1A0, s5;
	s13 =	smov.u32 s11;
	_ =	swait.ge [sflag:s0], $0x100  }
0x17f: {  	[sflag:s0] =	ssyncset.done $0x0  }
0x180: {  	[sflag:s0] =	ssyncadd.s32 $0xFFFFFF00  }
0x181: {  	[tilespmem:s15], [sflag:$0x3] =	stream.indirect.gather [hbm4b:s1+s20], $0x80, s26, s20, $0xb8;
	[tilespmem:$0x1F400] =	vst v63  }
0x182: {  	_ =	swait.ge [sflag:s29], $0x3C00  }
0x183: {  	[sflag:s29] =	ssyncset.done $0x0  }
0x184: {  	[sflag:s29] =	ssyncadd.s32 $0xFFFFC400  }
0x185: {  	[spmem:s2] =	stream.indirect.scatter.add.f32 [tilespmem:s14], [sflag:$0x5], $0x80, s6, s20, $0xb8;
	[tilespmem:$0x1F400] =	vst v63  }
0x186: {  	_ =	swait.ge [sflag:s31], $0x3C00  }
0x187: {  	[sflag:s31] =	ssyncset.done $0x0  }
0x188: {  	s25 =	simm.s32 @!p1 $0x7;
	s11 =	simm.s32 @!p1 $0xB500;
	[sflag:s31] =	ssyncadd.s32 $0xFFFFC400  }
0x189: {  	[tilespmem:s11], [sflag:$0x8] =	stream.linear.gather @!p1 [hbm4b:s5+s18], $0x100, $0x38;
	[tilespmem:$0x1F400] =	vst v63  }
0x18a: {  	_ =	swait.ge @!p1 [sflag:s25], $0x100  }
0x18b: {  	[sflag:s25] =	ssyncset.done @!p1 $0x0  }
.Ltmp1:
0x18c: {  	s5 =	simm.s32 @!p1 $0x78;
	[sflag:s25] =	ssyncadd.s32 @!p1 $0xFFFFFF00;
	(pc) =	sbr.rel @p0 .LBB2_4-.Ltmp1, $4  }
0x18d: {  	[tilespmem:s18], [sflag:$0x1] =	stream.indirect.gather @!p1 [hbm4b:s1+s5], $0x80, s12, s5, $0xb8;
	[tilespmem:$0x1F400] =	vst v63  }
0x18e: {  	s18 =	simm.s32 $0xB480  }
0x18f: {  	_ =	swait.ge [sflag:s3], $0x3C00  }
0x190: {  	p1 =	seq.s32 s13, $0x0;
	[sflag:s3] =	ssyncset.done $0x0  }
0x191: {  	s11 =	simm.s32 @!p1 $0x5;
	[sflag:s3] =	ssyncadd.s32 $0xFFFFC400  }
0x192: {  	[spmem:s2] =	stream.indirect.scatter.add.f32 [tilespmem:s15], [sflag:$0x6], $0x80, s8, s20, $0xb8;
	[tilespmem:$0x1F400] =	vst v63  }
0x193: {  	_ =	swait.ge @!p1 [sflag:s11], $0x3C00  }
0x194: {  	s5 =	sadd.s32 s13, s10;
	[sflag:s11] =	ssyncset.done @!p1 $0x0  }
0x195: {  	s24 =	sadd.s32 $0x40, s5;
	[sflag:s11] =	ssyncadd.s32 @!p1 $0xFFFFC400  }
0x196: {  	[tilespmem:s21], [sflag:$0x9] =	stream.linear.gather [hbm4b:s24+s4], $0x100, $0x38;
	[tilespmem:$0x1F400] =	vst v63  }
0x197: {  	_ =	swait.ge [sflag:s22], $0x100  }
0x198: {  	[sflag:s22] =	ssyncset.done $0x0  }
0x199: {  	[sflag:s22] =	ssyncadd.s32 $0xFFFFFF00  }
0x19a: {  	[tilespmem:s14], [sflag:$0x2] =	stream.indirect.gather [hbm4b:s1+s20], $0x80, s17, s20, $0xb8;
	[tilespmem:$0x1F400] =	vst v63  }
0x19b: {  	_ =	swait.ge [sflag:s23], $0x3C00  }
0x19c: {  	[sflag:s23] =	ssyncset.done $0x0  }
0x19d: {  	s11 =	simm.s32 @!p1 $0x6;
	[sflag:s23] =	ssyncadd.s32 $0xFFFFC400  }
0x19e: {  	[spmem:s2] =	stream.indirect.scatter.add.f32 [tilespmem:s4], [sflag:$0x4], $0x80, s18, s20, $0xb8;
	[tilespmem:$0x1F400] =	vst v63  }
0x19f: {  	_ =	swait.ge @!p1 [sflag:s11], $0x3C00  }
0x1a0: {  	[sflag:s11] =	ssyncset.done @!p1 $0x0  }
0x1a1: {  	s25 =	sadd.s32 $0x60, s5;
	[sflag:s11] =	ssyncadd.s32 @!p1 $0xFFFFC400  }
0x1a2: {  	[tilespmem:s26], [sflag:$0xA] =	stream.linear.gather [hbm4b:s25+s4], $0x100, $0x38;
	[tilespmem:$0x1F400] =	vst v63  }
0x1a3: {  	_ =	swait.ge [sflag:s28], $0x100  }
0x1a4: {  	[sflag:s28] =	ssyncset.done $0x0  }
0x1a5: {  	[sflag:s28] =	ssyncadd.s32 $0xFFFFFF00  }
0x1a6: {  	[tilespmem:s15], [sflag:$0x3] =	stream.indirect.gather [hbm4b:s1+s20], $0x80, s21, s20, $0xb8;
	[tilespmem:$0x1F400] =	vst v63  }
0x1a7: {  	_ =	swait.ge [sflag:s29], $0x3C00  }
0x1a8: {  	[sflag:s29] =	ssyncset.done $0x0  }
0x1a9: {  	[sflag:s29] =	ssyncadd.s32 $0xFFFFC400  }
0x1aa: {  	[spmem:s2] =	stream.indirect.scatter.add.f32 [tilespmem:s14], [sflag:$0x5], $0x80, s30, s20, $0xb8;
	[tilespmem:$0x1F400] =	vst v63  }
0x1ab: {  	_ =	swait.ge [sflag:s31], $0x3C00  }
0x1ac: {  	[sflag:s31] =	ssyncset.done $0x0  }
0x1ad: {  	s12 =	sadd.s32 $0x80, s5;
	[sflag:s31] =	ssyncadd.s32 $0xFFFFC400  }
0x1ae: {  	[tilespmem:s16], [sflag:$0x7] =	stream.linear.gather [hbm4b:s12+s4], $0x100, $0x38;
	[tilespmem:$0x1F400] =	vst v63  }
0x1af: {  	_ =	swait.ge [sflag:s0], $0x100  }
0x1b0: {  	[sflag:s0] =	ssyncset.done $0x0  }
0x1b1: {  	[sflag:s0] =	ssyncadd.s32 $0xFFFFFF00  }
0x1b2: {  	[tilespmem:s4], [sflag:$0x1] =	stream.indirect.gather [hbm4b:s1+s20], $0x80, s26, s20, $0xb8;
	[tilespmem:$0x1F400] =	vst v63  }
0x1b3: {  	_ =	swait.ge [sflag:s3], $0x3C00  }
0x1b4: {  	[sflag:s3] =	ssyncset.done $0x0  }
0x1b5: {  	[sflag:s3] =	ssyncadd.s32 $0xFFFFC400  }
0x1b6: {  	[spmem:s2] =	stream.indirect.scatter.add.f32 [tilespmem:s15], [sflag:$0x6], $0x80, s6, s20, $0xb8;
	[tilespmem:$0x1F400] =	vst v63  }
0x1b7: {  	_ =	swait.ge [sflag:s7], $0x3C00  }
0x1b8: {  	[sflag:s7] =	ssyncset.done $0x0  }
0x1b9: {  	s24 =	sadd.s32 $0xA0, s5;
	[sflag:s7] =	ssyncadd.s32 $0xFFFFC400  }
0x1ba: {  	[tilespmem:s17], [sflag:$0x8] =	stream.linear.gather [hbm4b:s24+s4], $0x100, $0x38;
	[tilespmem:$0x1F400] =	vst v63  }
0x1bb: {  	_ =	swait.ge [sflag:s19], $0x100  }
0x1bc: {  	[sflag:s19] =	ssyncset.done $0x0  }
0x1bd: {  	[sflag:s19] =	ssyncadd.s32 $0xFFFFFF00  }
0x1be: {  	[tilespmem:s14], [sflag:$0x2] =	stream.indirect.gather [hbm4b:s1+s20], $0x80, s16, s20, $0xb8;
	[tilespmem:$0x1F400] =	vst v63  }
0x1bf: {  	_ =	swait.ge [sflag:s23], $0x3C00  }
0x1c0: {  	[sflag:s23] =	ssyncset.done $0x0  }
0x1c1: {  	[sflag:s23] =	ssyncadd.s32 $0xFFFFC400  }
0x1c2: {  	[spmem:s2] =	stream.indirect.scatter.add.f32 [tilespmem:s4], [sflag:$0x4], $0x80, s8, s20, $0xb8;
	[tilespmem:$0x1F400] =	vst v63  }
0x1c3: {  	_ =	swait.ge [sflag:s9], $0x3C00  }
0x1c4: {  	[sflag:s9] =	ssyncset.done $0x0  }
0x1c5: {  	s25 =	sadd.s32 $0xC0, s5;
	[sflag:s9] =	ssyncadd.s32 $0xFFFFC400  }
0x1c6: {  	[tilespmem:s21], [sflag:$0x9] =	stream.linear.gather [hbm4b:s25+s4], $0x100, $0x38;
	[tilespmem:$0x1F400] =	vst v63  }
0x1c7: {  	_ =	swait.ge [sflag:s22], $0x100  }
0x1c8: {  	[sflag:s22] =	ssyncset.done $0x0  }
0x1c9: {  	[sflag:s22] =	ssyncadd.s32 $0xFFFFFF00  }
0x1ca: {  	[tilespmem:s15], [sflag:$0x3] =	stream.indirect.gather [hbm4b:s1+s20], $0x80, s17, s20, $0xb8;
	[tilespmem:$0x1F400] =	vst v63  }
0x1cb: {  	_ =	swait.ge [sflag:s29], $0x3C00  }
0x1cc: {  	[sflag:s29] =	ssyncset.done $0x0  }
0x1cd: {  	[sflag:s29] =	ssyncadd.s32 $0xFFFFC400  }
0x1ce: {  	[spmem:s2] =	stream.indirect.scatter.add.f32 [tilespmem:s14], [sflag:$0x5], $0x80, s18, s20, $0xb8;
	[tilespmem:$0x1F400] =	vst v63  }
0x1cf: {  	_ =	swait.ge [sflag:s31], $0x3C00  }
0x1d0: {  	[sflag:s31] =	ssyncset.done $0x0  }
0x1d1: {  	s12 =	sadd.s32 $0xE0, s5;
	[sflag:s31] =	ssyncadd.s32 $0xFFFFC400  }
0x1d2: {  	[tilespmem:s26], [sflag:$0xA] =	stream.linear.gather [hbm4b:s12+s4], $0x100, $0x38;
	[tilespmem:$0x1F400] =	vst v63  }
0x1d3: {  	_ =	swait.ge [sflag:s28], $0x100  }
0x1d4: {  	[sflag:s28] =	ssyncset.done $0x0  }
0x1d5: {  	[sflag:s28] =	ssyncadd.s32 $0xFFFFFF00  }
0x1d6: {  	[tilespmem:s4], [sflag:$0x1] =	stream.indirect.gather [hbm4b:s1+s20], $0x80, s21, s20, $0xb8;
	[tilespmem:$0x1F400] =	vst v63  }
0x1d7: {  	_ =	swait.ge [sflag:s3], $0x3C00  }
0x1d8: {  	[sflag:s3] =	ssyncset.done $0x0  }
0x1d9: {  	[sflag:s3] =	ssyncadd.s32 $0xFFFFC400  }
0x1da: {  	[spmem:s2] =	stream.indirect.scatter.add.f32 [tilespmem:s15], [sflag:$0x6], $0x80, s30, s20, $0xb8;
	[tilespmem:$0x1F400] =	vst v63  }
0x1db: {  	_ =	swait.ge [sflag:s7], $0x3C00  }
0x1dc: {  	[sflag:s7] =	ssyncset.done $0x0  }
0x1dd: {  	s24 =	sadd.s32 $0x100, s5;
	[sflag:s7] =	ssyncadd.s32 $0xFFFFC400  }
0x1de: {  	[tilespmem:s16], [sflag:$0x7] =	stream.linear.gather [hbm4b:s24+s4], $0x100, $0x38;
	[tilespmem:$0x1F400] =	vst v63  }
0x1df: {  	_ =	swait.ge [sflag:s0], $0x100  }
0x1e0: {  	[sflag:s0] =	ssyncset.done $0x0  }
0x1e1: {  	[sflag:s0] =	ssyncadd.s32 $0xFFFFFF00  }
0x1e2: {  	[tilespmem:s14], [sflag:$0x2] =	stream.indirect.gather [hbm4b:s1+s20], $0x80, s26, s20, $0xb8;
	[tilespmem:$0x1F400] =	vst v63  }
0x1e3: {  	_ =	swait.ge [sflag:s23], $0x3C00  }
0x1e4: {  	[sflag:s23] =	ssyncset.done $0x0  }
0x1e5: {  	[sflag:s23] =	ssyncadd.s32 $0xFFFFC400  }
0x1e6: {  	[spmem:s2] =	stream.indirect.scatter.add.f32 [tilespmem:s4], [sflag:$0x4], $0x80, s6, s20, $0xb8;
	[tilespmem:$0x1F400] =	vst v63  }
0x1e7: {  	_ =	swait.ge [sflag:s9], $0x3C00  }
0x1e8: {  	[sflag:s9] =	ssyncset.done $0x0  }
0x1e9: {  	s25 =	sadd.s32 $0x120, s5;
	[sflag:s9] =	ssyncadd.s32 $0xFFFFC400  }
0x1ea: {  	[tilespmem:s17], [sflag:$0x8] =	stream.linear.gather [hbm4b:s25+s4], $0x100, $0x38;
	[tilespmem:$0x1F400] =	vst v63  }
0x1eb: {  	_ =	swait.ge [sflag:s19], $0x100  }
0x1ec: {  	[sflag:s19] =	ssyncset.done $0x0  }
0x1ed: {  	[sflag:s19] =	ssyncadd.s32 $0xFFFFFF00  }
0x1ee: {  	[tilespmem:s15], [sflag:$0x3] =	stream.indirect.gather [hbm4b:s1+s20], $0x80, s16, s20, $0xb8;
	[tilespmem:$0x1F400] =	vst v63  }
0x1ef: {  	_ =	swait.ge [sflag:s29], $0x3C00  }
0x1f0: {  	[sflag:s29] =	ssyncset.done $0x0  }
0x1f1: {  	[sflag:s29] =	ssyncadd.s32 $0xFFFFC400  }
0x1f2: {  	[spmem:s2] =	stream.indirect.scatter.add.f32 [tilespmem:s14], [sflag:$0x5], $0x80, s8, s20, $0xb8;
	[tilespmem:$0x1F400] =	vst v63  }
0x1f3: {  	_ =	swait.ge [sflag:s31], $0x3C00  }
0x1f4: {  	[sflag:s31] =	ssyncset.done $0x0  }
0x1f5: {  	s12 =	sadd.s32 $0x140, s5;
	[sflag:s31] =	ssyncadd.s32 $0xFFFFC400  }
0x1f6: {  	[tilespmem:s21], [sflag:$0x9] =	stream.linear.gather [hbm4b:s12+s4], $0x100, $0x38;
	[tilespmem:$0x1F400] =	vst v63  }
0x1f7: {  	_ =	swait.ge [sflag:s22], $0x100  }
0x1f8: {  	[sflag:s22] =	ssyncset.done $0x0  }
0x1f9: {  	[sflag:s22] =	ssyncadd.s32 $0xFFFFFF00  }
0x1fa: {  	[tilespmem:s4], [sflag:$0x1] =	stream.indirect.gather [hbm4b:s1+s20], $0x80, s17, s20, $0xb8;
	[tilespmem:$0x1F400] =	vst v63  }
0x1fb: {  	_ =	swait.ge [sflag:s3], $0x3C00  }
0x1fc: {  	[sflag:s3] =	ssyncset.done $0x0  }
0x1fd: {  	[sflag:s3] =	ssyncadd.s32 $0xFFFFC400  }
0x1fe: {  	[spmem:s2] =	stream.indirect.scatter.add.f32 [tilespmem:s15], [sflag:$0x6], $0x80, s18, s20, $0xb8;
	[tilespmem:$0x1F400] =	vst v63  }
0x1ff: {  	_ =	swait.ge [sflag:s7], $0x3C00  }
0x200: {  	[sflag:s7] =	ssyncset.done $0x0  }
0x201: {  	s5 =	sadd.s32 $0x160, s5;
	[sflag:s7] =	ssyncadd.s32 $0xFFFFC400  }
0x202: {  	[tilespmem:s26], [sflag:$0xA] =	stream.linear.gather [hbm4b:s5+s4], $0x100, $0x38;
	[tilespmem:$0x1F400] =	vst v63  }
0x203: {  	_ =	swait.ge [sflag:s28], $0x100  }
0x204: {  	[sflag:s28] =	ssyncset.done $0x0  }
0x205: {  	[sflag:s28] =	ssyncadd.s32 $0xFFFFFF00  }
0x206: {  	[tilespmem:s14], [sflag:$0x2] =	stream.indirect.gather [hbm4b:s1+s20], $0x80, s21, s20, $0xb8;
	[tilespmem:$0x1F400] =	vst v63  }
0x207: {  	_ =	swait.ge [sflag:s23], $0x3C00  }
0x208: {  	[sflag:s23] =	ssyncset.done $0x0  }
0x209: {  	[sflag:s23] =	ssyncadd.s32 $0xFFFFC400  }
0x20a: {  	[spmem:s2] =	stream.indirect.scatter.add.f32 [tilespmem:s4], [sflag:$0x4], $0x80, s30, s20, $0xb8;
	[tilespmem:$0x1F400] =	vst v63  }
0x20b: {  	p0 =	seq.s32 s13, $0x900;
	_ =	swait.ge [sflag:s9], $0x3C00  }
0x20c: {  	s11 =	simm.s32 @!p0 $0xB400;
	s5 =	sadd.s32 @!p0 s13, s10;
	[sflag:s9] =	ssyncset.done $0x0  }
0x20d: {  	s13 =	simm.s32 @!p0 $0x0;
	s12 =	sadd.s32 @!p0 $0x180, s5;
	[sflag:s9] =	ssyncadd.s32 $0xFFFFC400  }
0x20e: {  	[tilespmem:s11], [sflag:$0x7] =	stream.linear.gather @!p0 [hbm4b:s12+s13], $0x100, $0x38;
	[tilespmem:$0x1F400] =	vst v63  }
0x20f: {  	_ =	swait.ge [sflag:s0], $0x100  }
0x210: {  	[sflag:s0] =	ssyncset.done $0x0  }
0x211: {  	[sflag:s0] =	ssyncadd.s32 $0xFFFFFF00  }
0x212: {  	[tilespmem:s15], [sflag:$0x3] =	stream.indirect.gather [hbm4b:s1+s20], $0x80, s26, s20, $0xb8;
	[tilespmem:$0x1F400] =	vst v63  }
0x213: {  	_ =	swait.ge [sflag:s29], $0x3C00  }
0x214: {  	[sflag:s29] =	ssyncset.done $0x0  }
0x215: {  	[sflag:s29] =	ssyncadd.s32 $0xFFFFC400  }
0x216: {  	[spmem:s2] =	stream.indirect.scatter.add.f32 [tilespmem:s14], [sflag:$0x5], $0x80, s6, s20, $0xb8;
	[tilespmem:$0x1F400] =	vst v63  }
0x217: {  	_ =	swait.ge [sflag:s31], $0x3C00  }
0x218: {  	[sflag:s31] =	ssyncset.done $0x0  }
0x219: {  	s5 =	sadd.s32 @!p0 $0x1A0, s5;
	s12 =	simm.s32 @!p0 $0xB500;
	[sflag:s31] =	ssyncadd.s32 $0xFFFFC400  }
0x21a: {  	[tilespmem:s12], [sflag:$0x8] =	stream.linear.gather @!p0 [hbm4b:s5+s13], $0x100, $0x38;
	[tilespmem:$0x1F400] =	vst v63  }
0x21b: {  	s5 =	simm.s32 @!p0 $0x7  }
0x21c: {  	_ =	swait.ge @!p0 [sflag:s5], $0x100  }
0x21d: {  	[sflag:s5] =	ssyncset.done @!p0 $0x0  }
0x21e: {  	[sflag:s5] =	ssyncadd.s32 @!p0 $0xFFFFFF00;
	s5 =	simm.s32 @!p0 $0x78  }
0x21f: {  	[tilespmem:s13], [sflag:$0x1] =	stream.indirect.gather @!p0 [hbm4b:s1+s5], $0x80, s11, s5, $0xb8;
	[tilespmem:$0x1F400] =	vst v63  }
0x220: {  	_ =	swait.ge [sflag:s3], $0x3C00  }
0x221: {  	[sflag:s3] =	ssyncset.done $0x0  }
0x222: {  	[sflag:s3] =	ssyncadd.s32 $0xFFFFC400  }
0x223: {  	[spmem:s2] =	stream.indirect.scatter.add.f32 [tilespmem:s15], [sflag:$0x6], $0x80, s8, s20, $0xb8;
	[tilespmem:$0x1F400] =	vst v63  }
0x224: {  	_ =	swait.ge [sflag:s7], $0x3C00  }
0x225: {  	[sflag:s7] =	ssyncset.done $0x0  }
0x226: {  	[sflag:s7] =	ssyncadd.s32 $0xFFFFC400  }
0x227: {  	_ =	swait.ge [sflag:s9], $0x3C00  }
0x228: {  	[sflag:s9] =	ssyncset.done $0x0  }
0x229: {  	[sflag:s9] =	ssyncadd.s32 $0xFFFFC400  }
0x22a: {  	s13 =	stileid.u32;
	[bflag:$0x0] =	sbarrier.arrive $0xFFFF  }
0x22b: {  	s11 =	simm.s32 $0xC;
	s5 =	sshll.u32 s13, $0x6;
	s12 =	rddreg [dreg:$0x5]  }
0x22c: {  	s5 =	sor.u32 $0x1C0C, s5;
	s25 =	rddreg [dreg:$0xd];
	s24 =	sshrl.u32 s12, $0x3  }
0x22d: {  	[hbm:s25], [sflag:s5] =	dma.local [spmem:s24], $0x2780  }
0x22e: {  	_ =	swait.ge [sflag:s11], $0x2780  }
0x22f: {  	s24 =	rddreg [dreg:$0xe]  }
0x230: {  	s25 =	rddreg [dreg:$0xc];
	s13 =	sadd.s32 $0x1, s24  }
0x231: {  	p0 =	sne.s32 s13, s25  }
.Ltmp2:
0x232: {  	_ = 	snop;
	(pc) =	sbr.rel @p0 .LBB2_1-.Ltmp2, $3  }
0x233: {  	_ =	sdelay $0x1  }
0x234: {  	[sflag:s11] =	ssyncset.done $0x0  }
0x235: {  	[sflag:s11] =	ssyncadd.s32 $0xFFFFD880  }
0x236: {  	_ =	sfence.sel $0x180000  }
0x237: {  	[bflag:$0x0] =	sbarrier.arrive $0xFFFF  }
0x238: {  	_ =	strace $0x90000047  }
0x239: {  	s0 =	stileid.u32;
	[bflag:$0x2] =	sbarrier.arrive $0xFFFF  }
0x23a: {  	p0 =	sne.s32 s0, $0x0;
	s0 =	rddreg [dreg:$0x4]  }
0x23b: {  	s0 =	sadd.s32 @!p0 $0x100000, s0  }
0x23c: {  	[sflag:s0] =	ssyncadd.tile.s32 @!p0 $0x1;
	_ =	shalt  }
.Lfunc_end2:
_tile_overlayer_lowered:
.L_overlay_start_2:
0x23d: {  	(tag) =	ssettag $0x2  }
0x23e: {  	s0 =	rddreg [dreg:$0x0];
	s2 =	stileid.u32  }
0x23f: {  	s1 =	rddreg [dreg:$0x1];
	p0 =	sne.s32 s2, $0x0  }
0x240: {  	s3 =	rddreg [dreg:$0x2];
	[bflag:$0x3] =	sbarrier.arrive $0xFFFF;
	s2 =	simm.s32 @!p0 $0x1C0C  }
0x241: {  	[timem:s3], [sflag:s2] =	dma.local @!p0 [hbm:s0], s1  }
0x242: {  	s0 =	simm.s32 @!p0 $0xC  }
0x243: {  	_ =	swait.ge @!p0 [sflag:s0], s1  }
0x244: {  	s1 =	ssub.s32 @!p0 $0x0, s1;
	[sflag:s0] =	ssyncset.done @!p0 $0x0  }
0x245: {  	[sflag:s0] =	ssyncadd.s32 @!p0 s1  }
0x246: {  	[bflag:$0x3] =	sbarrier.arrive $0xFFFF  }
0x247: {  	_ =	shalt  }

</sc_bundles>
